<compile_context>
chip_gen: v7x
topology: tpu7x:2x2x1
jax: 0.10.2.dev20260603
libtpu: 0.0.44.dev20260713+nightly
codegen_flags: <defaults>
</compile_context>

<pallas_src>
import functools

import jax
import jax.numpy as jnp
from jax import lax
from jax.experimental import pallas as pl
from jax.experimental.pallas import tpu as pltpu
from jax.experimental.pallas import tpu_sc as plsc

EPS = 1e-5

NC = 2
NS = 16
CH = 128
IB = 4
MB = 400


def _elu(v):
    return jnp.where(v > 0, v, jnp.exp(jnp.minimum(v, 0.0)) - 1.0)



def _mm_body(has_skip, RH, x_ref, w_ref, tbl_ref, root_ref, *rest):
    acc = jnp.dot(x_ref[...], w_ref[...], preferred_element_type=jnp.float32)
    tbl_ref[0] = acc[:, :RH]
    tbl_ref[1] = acc[:, RH:2 * RH]
    root_ref[...] = acc[:, 2 * RH:2 * RH + 256]
    if has_skip:
        rest[0][...] = acc[:, 2 * RH + 256:2 * RH + 512]


def _mm_call(xb, wcat, N, R, has_skip):
    RH = R * 128
    KW = wcat.shape[1]
    grid = N // MB
    outs = [
        jax.ShapeDtypeStruct((NC, N, RH), jnp.float32),
        jax.ShapeDtypeStruct((N, 256), jnp.float32),
    ]
    out_specs = [
        pl.BlockSpec((NC, MB, RH), lambda i: (0, i, 0)),
        pl.BlockSpec((MB, 256), lambda i: (i, 0)),
    ]
    if has_skip:
        outs.append(jax.ShapeDtypeStruct((N, 256), jnp.float32))
        out_specs.append(pl.BlockSpec((MB, 256), lambda i: (i, 0)))
    return pl.pallas_call(
        functools.partial(_mm_body, has_skip, RH),
        grid=(grid,),
        in_specs=[
            pl.BlockSpec((MB, xb.shape[1]), lambda i: (i, 0)),
            pl.BlockSpec((xb.shape[1], KW), lambda i: (0, 0)),
        ],
        out_specs=out_specs,
        out_shape=outs,
    )(xb, wcat)



def _make_sc_agg(N, R, ACC, ETP):
    NCH = ETP // CH
    rows_per = ACC // NS
    mesh = plsc.VectorSubcoreMesh(core_axis_name="c", subcore_axis_name="s")

    def body(table, idx_hbm, zacc, out, acc_sh, ibuf, buf0, buf1, sem0, sem1):
        cid = lax.axis_index("c")
        sid = lax.axis_index("s")
        r0 = sid * rows_per
        pltpu.sync_copy(zacc.at[pl.ds(r0, rows_per)],
                        acc_sh.at[pl.ds(r0, rows_per)])
        plsc.subcore_barrier()

        QI = 8

        def step(t, carry):
            pltpu.sync_copy(idx_hbm.at[sid].at[pl.ds(QI * t, QI)], ibuf)
            bufs = [buf0, buf1]
            sems = [sem0, sem1]
            pend = [
                pltpu.async_copy(table.at[cid].at[ibuf.at[0].at[0]],
                                 buf0, sem0),
                pltpu.async_copy(table.at[cid].at[ibuf.at[1].at[0]],
                                 buf1, sem1),
            ]
            for q in range(QI):
                p = q % 2
                pend[p].wait()
                pltpu.sync_copy(bufs[p], acc_sh.at[ibuf.at[q].at[1]],
                                add=True)
                if q + 2 < QI:
                    pend[p] = pltpu.async_copy(
                        table.at[cid].at[ibuf.at[q + 2].at[0]],
                        bufs[p], sems[p])
            return carry

        lax.fori_loop(0, NCH // QI, step, 0)
        plsc.subcore_barrier()
        pltpu.sync_copy(acc_sh.at[pl.ds(r0, rows_per)],
                        out.at[cid].at[pl.ds(r0, rows_per)])

    scratch = [
        pltpu.VMEM_SHARED((ACC, 128), jnp.float32),
        pltpu.VMEM((8, 2, CH), jnp.int32),
        pltpu.VMEM((CH, 128), jnp.float32),
        pltpu.VMEM((CH, 128), jnp.float32),
        pltpu.SemaphoreType.DMA,
        pltpu.SemaphoreType.DMA,
    ]
    return pl.kernel(body, out_type=jax.ShapeDtypeStruct((NC, ACC, 128),
                                                         jnp.float32),
                     mesh=mesh, scratch_types=scratch)


def _make_sc_cnt(ACC, ETC):
    NCHC = ETC // CH
    rows_per = ACC // NS
    mesh = plsc.VectorSubcoreMesh(core_axis_name="c", subcore_axis_name="s")

    def body(didx, zcnt, ones, cnt_out, cnt_sh, ibuf, ones_v):
        cid = lax.axis_index("c")
        sid = lax.axis_index("s")
        wid = cid * NS + sid
        r0 = sid * rows_per
        pltpu.sync_copy(zcnt.at[pl.ds(r0, rows_per)],
                        cnt_sh.at[pl.ds(r0, rows_per)])
        pltpu.sync_copy(ones, ones_v)
        plsc.subcore_barrier()

        def step(t, carry):
            pltpu.sync_copy(didx.at[wid].at[pl.ds(8 * t, 8)], ibuf)
            for q in range(8):
                pltpu.sync_copy(ones_v, cnt_sh.at[ibuf.at[q].at[0]],
                                add=True)
            return carry

        lax.fori_loop(0, NCHC // 8, step, 0)
        plsc.subcore_barrier()
        pltpu.sync_copy(cnt_sh.at[pl.ds(r0, rows_per)],
                        cnt_out.at[cid].at[pl.ds(r0, rows_per)])

    scratch = [
        pltpu.VMEM_SHARED((ACC, CH), jnp.float32),
        pltpu.VMEM((8, 1, CH), jnp.int32),
        pltpu.VMEM((CH, CH), jnp.float32),
    ]
    return pl.kernel(body, out_type=jax.ShapeDtypeStruct((NC, ACC, CH),
                                                         jnp.float32),
                     mesh=mesh, scratch_types=scratch)



def _stage_a_body(N, a0_ref, a1_ref, cnt_ref, root_ref, b_ref,
                  hpre_ref, stats_ref):
    i = pl.program_id(0)
    cnt = jnp.maximum(jnp.sum(cnt_ref[...], axis=(0, 2)) * (1.0 / 128.0), 1.0)
    h = (jnp.concatenate([a0_ref[0], a1_ref[0]], axis=1) / cnt[:, None]
         + root_ref[...] + b_ref[...])
    hpre_ref[...] = h.astype(jnp.bfloat16)
    s = jnp.concatenate([jnp.sum(h, axis=0, keepdims=True),
                         jnp.sum(h * h, axis=0, keepdims=True)], axis=0)

    @pl.when(i == 0)
    def _():
        stats_ref[...] = s

    @pl.when(i > 0)
    def _():
        stats_ref[...] += s


def _mm1_body(N, RH, hpre_ref, stats_ref, g_ref, be_ref, w_ref,
              tbl_ref, root_ref):
    s = stats_ref[...]
    mean = s[0:1] * (1.0 / N)
    var = s[1:2] * (1.0 / N) - mean * mean
    inv = lax.rsqrt(var + EPS) * g_ref[...]
    y = (hpre_ref[...].astype(jnp.float32) - mean) * inv + be_ref[...]
    xb = _elu(y).astype(jnp.bfloat16)
    acc = jnp.dot(xb, w_ref[...], preferred_element_type=jnp.float32)
    tbl_ref[0] = acc[:, :RH]
    tbl_ref[1] = acc[:, RH:2 * RH]
    root_ref[...] = acc[:, 2 * RH:2 * RH + 256]


def _mm1_call(hpre, stats, g0r, be0r, wcat, N, R):
    RH = R * 128
    KW = wcat.shape[1]
    return pl.pallas_call(
        functools.partial(_mm1_body, N, RH),
        grid=(N // MB,),
        in_specs=[
            pl.BlockSpec((MB, 256), lambda i: (i, 0)),
            pl.BlockSpec((2, 256), lambda i: (0, 0)),
            pl.BlockSpec((1, 256), lambda i: (0, 0)),
            pl.BlockSpec((1, 256), lambda i: (0, 0)),
            pl.BlockSpec((256, KW), lambda i: (0, 0)),
        ],
        out_specs=[
            pl.BlockSpec((NC, MB, RH), lambda i: (0, i, 0)),
            pl.BlockSpec((MB, 256), lambda i: (i, 0)),
        ],
        out_shape=[
            jax.ShapeDtypeStruct((NC, N, RH), jnp.float32),
            jax.ShapeDtypeStruct((N, 256), jnp.float32),
        ],
    )(hpre, stats, g0r, be0r, wcat)


def _stage_c_body(a0_ref, a1_ref, cnt_ref, root_ref, b_ref, skip_ref,
                  sb_ref, out_ref):
    cnt = jnp.maximum(jnp.sum(cnt_ref[...], axis=(0, 2)) * (1.0 / 128.0), 1.0)
    h = (jnp.concatenate([a0_ref[0], a1_ref[0]], axis=1) / cnt[:, None]
         + root_ref[...] + b_ref[...])
    h = _elu(h)
    h = h + skip_ref[...] + sb_ref[...]
    out_ref[...] = _elu(h)


def _half_spec(c):
    return pl.BlockSpec((1, MB, 128), lambda i, c=c: (c, i, 0))


def kernel(x, edge_index, edge_types, w0, root0, b0, w1, root1, b1,
           gamma0, beta0, skip_w, skip_b):
    N, F = x.shape
    R = w0.shape[0]
    E = edge_index.shape[1]

    NW = NC * NS
    ETP = -(-E // NS // (2 * IB * CH)) * (2 * IB * CH)
    EP = NS * ETP
    ACC = -(-(N + 1) // (NS * 8)) * (NS * 8)
    NCH = ETP // CH

    src = edge_index[0].astype(jnp.int32)
    dst = edge_index[1].astype(jnp.int32)
    ety = edge_types.astype(jnp.int32)
    pad = EP - E
    src_p = jnp.concatenate([src, jnp.zeros((pad,), jnp.int32)])
    ety_p = jnp.concatenate([ety, jnp.zeros((pad,), jnp.int32)])
    dst_p = jnp.concatenate([dst, jnp.full((pad,), N, jnp.int32)])
    gidx = (src_p * R + ety_p).reshape(NS, NCH, CH)
    dst2 = dst_p.reshape(NS, NCH, CH)
    idx_all = jnp.stack([gidx, dst2], axis=2)
    ETC = EP // NW
    didx = dst_p.reshape(NW, ETC // CH, 1, CH)
    zacc = jnp.zeros((ACC, 128), jnp.float32)
    zcnt = jnp.zeros((ACC, CH), jnp.float32)
    ones = jnp.ones((CH, CH), jnp.float32)

    def wcat_of(w, extra):
        h0 = w[:, :, :128].transpose(1, 0, 2).reshape(F, R * 128)
        h1 = w[:, :, 128:].transpose(1, 0, 2).reshape(F, R * 128)
        return jnp.concatenate([h0, h1] + extra, axis=1).astype(jnp.bfloat16)

    wcat0 = wcat_of(w0, [root0, skip_w])
    wcat1 = wcat_of(w1, [root1])
    xb = x.astype(jnp.bfloat16)
    b0r = b0.reshape(1, 256)
    b1r = b1.reshape(1, 256)
    g0r = gamma0.reshape(1, 256)
    be0r = beta0.reshape(1, 256)
    sbr = skip_b.reshape(1, 256)

    sc_agg = _make_sc_agg(N, R, ACC, ETP)
    sc_cnt = _make_sc_cnt(ACC, ETC)

    cnt_p = sc_cnt(didx, zcnt, ones)
    tbl0, xroot0, xskip = _mm_call(xb, wcat0, N, R, True)
    agg0 = sc_agg(tbl0.reshape(NC, N * R, 128), idx_all, zacc)

    grid = N // MB
    hpre, stats = pl.pallas_call(
        functools.partial(_stage_a_body, N),
        grid=(grid,),
        in_specs=[
            _half_spec(0),
            _half_spec(1),
            pl.BlockSpec((NC, MB, 128), lambda i: (0, i, 0)),
            pl.BlockSpec((MB, 256), lambda i: (i, 0)),
            pl.BlockSpec((1, 256), lambda i: (0, 0)),
        ],
        out_specs=[
            pl.BlockSpec((MB, 256), lambda i: (i, 0)),
            pl.BlockSpec((2, 256), lambda i: (0, 0)),
        ],
        out_shape=[
            jax.ShapeDtypeStruct((N, 256), jnp.bfloat16),
            jax.ShapeDtypeStruct((2, 256), jnp.float32),
        ],
    )(agg0, agg0, cnt_p, xroot0, b0r)

    tbl1, hroot1 = _mm1_call(hpre, stats, g0r, be0r, wcat1, N, R)
    agg1 = sc_agg(tbl1.reshape(NC, N * R, 128), idx_all, zacc)

    out = pl.pallas_call(
        _stage_c_body,
        grid=(grid,),
        in_specs=[
            _half_spec(0),
            _half_spec(1),
            pl.BlockSpec((NC, MB, 128), lambda i: (0, i, 0)),
            pl.BlockSpec((MB, 256), lambda i: (i, 0)),
            pl.BlockSpec((1, 256), lambda i: (0, 0)),
            pl.BlockSpec((MB, 256), lambda i: (i, 0)),
            pl.BlockSpec((1, 256), lambda i: (0, 0)),
        ],
        out_specs=pl.BlockSpec((MB, 256), lambda i: (i, 0)),
        out_shape=jax.ShapeDtypeStruct((N, 256), jnp.float32),
    )(agg1, agg1, cnt_p, hroot1, b1r, xskip, sbr)
    return out

# --- scband reference (transcript-rebuilt; emitter-appended) ---
"""Pipeline reference for scband-rgae-encoder-73538430042435 (READ-ONLY COPY).

The authoritative reference and input builder live on the scoring server;
editing this copy changes nothing except your own understanding.
"""

import jax, jax.numpy as jnp
import numpy as np

N_NODES = 10000
N_EDGES = 160000
IN_CH = 256
OUT_CH = 256
NUM_REL = 8
NUM_LAYERS = 2
EPS = 1e-5


def setup_inputs(seed: int = 0) -> dict:
    key = jax.random.key(seed)
    ks = jax.random.split(key, 16)
    x = jax.random.normal(ks[0], (N_NODES, IN_CH), dtype=jnp.float32)
    edge_index = jax.random.randint(ks[1], (2, N_EDGES), 0, N_NODES, dtype=jnp.int64)
    edge_types = jax.random.randint(ks[2], (N_EDGES,), 0, NUM_REL, dtype=jnp.int64)
    # layer 0: in->out, layer 1: out->out (FastRGCNConv params)
    w0 = jax.random.normal(ks[3], (NUM_REL, IN_CH, OUT_CH), dtype=jnp.float32) * (1.0 / np.sqrt(IN_CH))
    root0 = jax.random.normal(ks[4], (IN_CH, OUT_CH), dtype=jnp.float32) * (1.0 / np.sqrt(IN_CH))
    b0 = jnp.zeros((OUT_CH,), dtype=jnp.float32)
    w1 = jax.random.normal(ks[5], (NUM_REL, OUT_CH, OUT_CH), dtype=jnp.float32) * (1.0 / np.sqrt(OUT_CH))
    root1 = jax.random.normal(ks[6], (OUT_CH, OUT_CH), dtype=jnp.float32) * (1.0 / np.sqrt(OUT_CH))
    b1 = jnp.zeros((OUT_CH,), dtype=jnp.float32)
    gamma0 = jnp.ones((OUT_CH,), dtype=jnp.float32)
    beta0 = jnp.zeros((OUT_CH,), dtype=jnp.float32)
    skip_w = jax.random.normal(ks[7], (IN_CH, OUT_CH), dtype=jnp.float32) * (1.0 / np.sqrt(IN_CH))
    skip_b = jnp.zeros((OUT_CH,), dtype=jnp.float32)
    return {"x": x, "edge_index": edge_index, "edge_types": edge_types,
            "w0": w0, "root0": root0, "b0": b0,
            "w1": w1, "root1": root1, "b1": b1,
            "gamma0": gamma0, "beta0": beta0,
            "skip_w": skip_w, "skip_b": skip_b}


def _fast_rgcn_conv(x, src, dst, edge_types, weight, root, bias):
    # FastRGCNConv: transform all nodes by all relation weights, then gather per edge.
    xr = jnp.einsum('nf,rfo->nro', x, weight)           # [N, R, out]
    msg = xr[src, edge_types]                            # [E, out]
    agg_sum = jax.ops.segment_sum(msg, dst, num_segments=N_NODES)
    cnt = jax.ops.segment_sum(jnp.ones((msg.shape[0],), dtype=x.dtype), dst, num_segments=N_NODES)
    agg = agg_sum / jnp.clip(cnt, 1.0, None)[:, None]    # aggr='mean'
    return agg + x @ root + bias


def _batch_norm(x, gamma, beta):
    mean = jnp.mean(x, axis=0)
    var = jnp.var(x, axis=0)
    return (x - mean) / jnp.sqrt(var + EPS) * gamma + beta


def reference(x, edge_index, edge_types, w0, root0, b0, w1, root1, b1, gamma0, beta0, skip_w, skip_b):
    src = edge_index[0]
    dst = edge_index[1]
    skip_input = x
    # layer 0
    h = _fast_rgcn_conv(x, src, dst, edge_types, w0, root0, b0)
    h = _batch_norm(h, gamma0, beta0)  # batch_norm applied since i < num_layers-1
    h = jax.nn.elu(h)
    # dropout: eval mode -> identity
    # layer 1 (last layer: no batch norm)
    h = _fast_rgcn_conv(h, src, dst, edge_types, w1, root1, b1)
    h = jax.nn.elu(h)
    # skip connection
    skip_out = skip_input @ skip_w + skip_b
    h = h + skip_out
    h = jax.nn.elu(h)
    return h

if __name__ == "__main__":
    import jax
    _d = setup_inputs()
    print(jax.jit(kernel)(*tuple(_d.values())))

</pallas_src>

<mosaic_0001>
#map = affine_map<(d0, d1) -> (0, 0, 0)>
#map1 = affine_map<(d0, d1) -> (0, 0, 0, 0)>
#map2 = affine_map<(d0, d1) -> (0, 0)>
module attributes {stable_mosaic.version = 14 : i64} {
  func.func @body(%arg0: i32, %arg1: i32, %arg2: memref<2x80000x128xf32, #tpu.memory_space<hbm>>, %arg3: memref<16x80x2x128xi32, #tpu.memory_space<hbm>>, %arg4: memref<10112x128xf32, #tpu.memory_space<hbm>>, %arg5: memref<2x10112x128xf32, #tpu.memory_space<hbm>>, %arg6: memref<10112x128xf32, #tpu.memory_space<vmem_shared>>, %arg7: memref<8x2x128xi32, #tpu.memory_space<vmem>>, %arg8: memref<128x128xf32, #tpu.memory_space<vmem>>, %arg9: memref<128x128xf32, #tpu.memory_space<vmem>>, %arg10: memref<!tpu.dma_semaphore, #tpu.memory_space<semaphore_mem>>, %arg11: memref<!tpu.dma_semaphore, #tpu.memory_space<semaphore_mem>>) attributes {dimension_semantics = [#tpu.dimension_semantics<core_parallel>, #tpu.dimension_semantics<subcore_parallel>], iteration_bounds = array<i64: 2, 16>, scalar_prefetch = 0 : i64, scratch_operands = 6 : i64, tpu.core_type = #tpu.core_type<sc_vector_subcore>, window_params = [{transform_indices = #map}, {transform_indices = #map1}, {transform_indices = #map2}, {transform_indices = #map}]} {
    %mul3A = arith.constant 632 : i32
    %mul3A_0 = arith.muli %arg1, %mul3A : i32
    "tpu.region"() ({
      %run_scoped3A = tpu.sem_alloc : memref<!tpu.dma_semaphore, #tpu.memory_space<semaphore_mem>>
      %dma_start3A = arith.constant 0 : i32
      %dma_start3A_7 = tpu.memref_slice %arg6[%mul3A_0, %dma_start3A] : memref<10112x128xf32, #tpu.memory_space<vmem_shared>> -> memref<632x128xf32, #tpu.memory_space<vmem_shared>>
      %dma_start3A_8 = arith.constant 0 : i32
      %dma_start3A_9 = tpu.memref_slice %arg4[%mul3A_0, %dma_start3A_8] : memref<10112x128xf32, #tpu.memory_space<hbm>> -> memref<632x128xf32, #tpu.memory_space<hbm>>
      tpu.enqueue_dma source(%dma_start3A_9 : memref<632x128xf32, #tpu.memory_space<hbm>>) target(%dma_start3A_7 : memref<632x128xf32, #tpu.memory_space<vmem_shared>>) target_semaphore(%run_scoped3A : memref<!tpu.dma_semaphore, #tpu.memory_space<semaphore_mem>>)
      %dma_wait3A = arith.constant 0 : i32
      %dma_wait3A_10 = tpu.memref_slice %arg6[%mul3A_0, %dma_wait3A] : memref<10112x128xf32, #tpu.memory_space<vmem_shared>> -> memref<632x128xf32, #tpu.memory_space<vmem_shared>>
      %dma_wait3A_11 = arith.constant 0 : i32
      %dma_wait3A_12 = tpu.memref_slice %arg4[%mul3A_0, %dma_wait3A_11] : memref<10112x128xf32, #tpu.memory_space<hbm>> -> memref<632x128xf32, #tpu.memory_space<hbm>>
      tpu.wait_dma2 semaphore(%run_scoped3A : memref<!tpu.dma_semaphore, #tpu.memory_space<semaphore_mem>>) src(%dma_wait3A_12 : memref<632x128xf32, #tpu.memory_space<hbm>>) dst(%dma_wait3A_10 : memref<632x128xf32, #tpu.memory_space<vmem_shared>>)
      tpu.yield
    }) : () -> ()
    %barrier3A = arith.constant 0 : index
    tpu.barrier barrier_id(%barrier3A)
    %scan3A = arith.constant 0 : i32
    %scan3A_1 = arith.constant 0 : i32
    %scan3A_2 = arith.constant 10 : i32
    %scan3A_3 = arith.addi %scan3A_1, %scan3A_2 : i32
    %scan3A_4 = arith.constant 1 : i32
    scf.for %scan3A_7 = %scan3A_1 to %scan3A_3 step %scan3A_4  : i32 {
      %mul3A_8 = arith.constant 8 : i32
      %mul3A_9 = arith.muli %mul3A_8, %scan3A_7 : i32
      "tpu.region"() ({
        %run_scoped3A_279 = tpu.sem_alloc : memref<!tpu.dma_semaphore, #tpu.memory_space<semaphore_mem>>
        %dma_start3A_280 = arith.constant 0 : i32
        %dma_start3A_281 = arith.constant 0 : i32
        %dma_start3A_282 = arith.constant 0 : i32
        %dma_start3A_283 = tpu.memref_slice %arg3[%arg1, %dma_start3A_280, %dma_start3A_281, %dma_start3A_282] : memref<16x80x2x128xi32, #tpu.memory_space<hbm>> -> memref<1x80x2x128xi32, #tpu.memory_space<hbm>>
        %dma_start3A_284 = tpu.memref_squeeze %dma_start3A_283 : memref<1x80x2x128xi32, #tpu.memory_space<hbm>> -> memref<80x2x128xi32, #tpu.memory_space<hbm>>
        %dma_start3A_285 = arith.constant 0 : i32
        %dma_start3A_286 = arith.constant 0 : i32
        %dma_start3A_287 = tpu.memref_slice %dma_start3A_284[%mul3A_9, %dma_start3A_285, %dma_start3A_286] : memref<80x2x128xi32, #tpu.memory_space<hbm>> -> memref<8x2x128xi32, #tpu.memory_space<hbm>>
        %dma_start3A_288 = arith.constant 0 : i32
        %dma_start3A_289 = arith.constant 0 : i32
        %dma_start3A_290 = arith.constant 0 : i32
        %dma_start3A_291 = tpu.memref_slice %arg3[%arg1, %dma_start3A_288, %dma_start3A_289, %dma_start3A_290] : memref<16x80x2x128xi32, #tpu.memory_space<hbm>> -> memref<1x80x2x128xi32, #tpu.memory_space<hbm>>
        %dma_start3A_292 = tpu.memref_squeeze %dma_start3A_291 : memref<1x80x2x128xi32, #tpu.memory_space<hbm>> -> memref<80x2x128xi32, #tpu.memory_space<hbm>>
        %dma_start3A_293 = arith.constant 0 : i32
        %dma_start3A_294 = arith.constant 0 : i32
        %dma_start3A_295 = tpu.memref_slice %dma_start3A_292[%mul3A_9, %dma_start3A_293, %dma_start3A_294] : memref<80x2x128xi32, #tpu.memory_space<hbm>> -> memref<8x2x128xi32, #tpu.memory_space<hbm>>
        tpu.enqueue_dma source(%dma_start3A_295 : memref<8x2x128xi32, #tpu.memory_space<hbm>>) target(%arg7 : memref<8x2x128xi32, #tpu.memory_space<vmem>>) target_semaphore(%run_scoped3A_279 : memref<!tpu.dma_semaphore, #tpu.memory_space<semaphore_mem>>)
        %dma_wait3A_296 = arith.constant 0 : i32
        %dma_wait3A_297 = arith.constant 0 : i32
        %dma_wait3A_298 = arith.constant 0 : i32
        %dma_wait3A_299 = tpu.memref_slice %arg3[%arg1, %dma_wait3A_296, %dma_wait3A_297, %dma_wait3A_298] : memref<16x80x2x128xi32, #tpu.memory_space<hbm>> -> memref<1x80x2x128xi32, #tpu.memory_space<hbm>>
        %dma_wait3A_300 = tpu.memref_squeeze %dma_wait3A_299 : memref<1x80x2x128xi32, #tpu.memory_space<hbm>> -> memref<80x2x128xi32, #tpu.memory_space<hbm>>
        %dma_wait3A_301 = arith.constant 0 : i32
        %dma_wait3A_302 = arith.constant 0 : i32
        %dma_wait3A_303 = tpu.memref_slice %dma_wait3A_300[%mul3A_9, %dma_wait3A_301, %dma_wait3A_302] : memref<80x2x128xi32, #tpu.memory_space<hbm>> -> memref<8x2x128xi32, #tpu.memory_space<hbm>>
        %dma_wait3A_304 = arith.constant 0 : i32
        %dma_wait3A_305 = arith.constant 0 : i32
        %dma_wait3A_306 = arith.constant 0 : i32
        %dma_wait3A_307 = tpu.memref_slice %arg3[%arg1, %dma_wait3A_304, %dma_wait3A_305, %dma_wait3A_306] : memref<16x80x2x128xi32, #tpu.memory_space<hbm>> -> memref<1x80x2x128xi32, #tpu.memory_space<hbm>>
        %dma_wait3A_308 = tpu.memref_squeeze %dma_wait3A_307 : memref<1x80x2x128xi32, #tpu.memory_space<hbm>> -> memref<80x2x128xi32, #tpu.memory_space<hbm>>
        %dma_wait3A_309 = arith.constant 0 : i32
        %dma_wait3A_310 = arith.constant 0 : i32
        %dma_wait3A_311 = tpu.memref_slice %dma_wait3A_308[%mul3A_9, %dma_wait3A_309, %dma_wait3A_310] : memref<80x2x128xi32, #tpu.memory_space<hbm>> -> memref<8x2x128xi32, #tpu.memory_space<hbm>>
        tpu.wait_dma2 semaphore(%run_scoped3A_279 : memref<!tpu.dma_semaphore, #tpu.memory_space<semaphore_mem>>) src(%dma_wait3A_311 : memref<8x2x128xi32, #tpu.memory_space<hbm>>) dst(%arg7 : memref<8x2x128xi32, #tpu.memory_space<vmem>>)
        tpu.yield
      }) : () -> ()
      %dma_start3A = arith.constant 0 : i32
      %dma_start3A_10 = arith.constant 0 : i32
      %dma_start3A_11 = arith.constant 0 : i32
      %dma_start3A_12 = arith.constant 0 : i32
      %dma_start3A_13 = tpu.memref_slice %arg7[%dma_start3A, %dma_start3A_11, %dma_start3A_12] : memref<8x2x128xi32, #tpu.memory_space<vmem>> -> memref<1x2x128xi32, #tpu.memory_space<vmem>>
      %dma_start3A_14 = tpu.memref_squeeze %dma_start3A_13 : memref<1x2x128xi32, #tpu.memory_space<vmem>> -> memref<2x128xi32, #tpu.memory_space<vmem>>
      %dma_start3A_15 = arith.constant 0 : i32
      %dma_start3A_16 = tpu.memref_slice %dma_start3A_14[%dma_start3A_10, %dma_start3A_15] : memref<2x128xi32, #tpu.memory_space<vmem>> -> memref<1x128xi32, #tpu.memory_space<vmem>>
      %dma_start3A_17 = tpu.memref_squeeze %dma_start3A_16 : memref<1x128xi32, #tpu.memory_space<vmem>> -> memref<128xi32, #tpu.memory_space<vmem>>
      %dma_start3A_18 = arith.constant 0 : i32
      %dma_start3A_19 = arith.constant 0 : i32
      %dma_start3A_20 = tpu.memref_slice %arg2[%arg0, %dma_start3A_18, %dma_start3A_19] : memref<2x80000x128xf32, #tpu.memory_space<hbm>> -> memref<1x80000x128xf32, #tpu.memory_space<hbm>>
      %dma_start3A_21 = tpu.memref_squeeze %dma_start3A_20 : memref<1x80000x128xf32, #tpu.memory_space<hbm>> -> memref<80000x128xf32, #tpu.memory_space<hbm>>
      %dma_start3A_22 = arith.constant 0 : i32
      %dma_start3A_23 = arith.constant 0 : i32
      %dma_start3A_24 = tpu.memref_slice %dma_start3A_21[%dma_start3A_22, %dma_start3A_23] : memref<80000x128xf32, #tpu.memory_space<hbm>> -> memref<80000x128xf32, #tpu.memory_space<hbm>>
      tpu.enqueue_indirect_dma source(%dma_start3A_24 : memref<80000x128xf32, #tpu.memory_space<hbm>>) target(%arg8 : memref<128x128xf32, #tpu.memory_space<vmem>>) offsets(%dma_start3A_17 : memref<128xi32, #tpu.memory_space<vmem>>) semaphore(%arg10 : memref<!tpu.dma_semaphore, #tpu.memory_space<semaphore_mem>>)
      %dma_start3A_25 = arith.constant 1 : i32
      %dma_start3A_26 = arith.constant 0 : i32
      %dma_start3A_27 = arith.constant 0 : i32
      %dma_start3A_28 = arith.constant 0 : i32
      %dma_start3A_29 = tpu.memref_slice %arg7[%dma_start3A_25, %dma_start3A_27, %dma_start3A_28] : memref<8x2x128xi32, #tpu.memory_space<vmem>> -> memref<1x2x128xi32, #tpu.memory_space<vmem>>
      %dma_start3A_30 = tpu.memref_squeeze %dma_start3A_29 : memref<1x2x128xi32, #tpu.memory_space<vmem>> -> memref<2x128xi32, #tpu.memory_space<vmem>>
      %dma_start3A_31 = arith.constant 0 : i32
      %dma_start3A_32 = tpu.memref_slice %dma_start3A_30[%dma_start3A_26, %dma_start3A_31] : memref<2x128xi32, #tpu.memory_space<vmem>> -> memref<1x128xi32, #tpu.memory_space<vmem>>
      %dma_start3A_33 = tpu.memref_squeeze %dma_start3A_32 : memref<1x128xi32, #tpu.memory_space<vmem>> -> memref<128xi32, #tpu.memory_space<vmem>>
      %dma_start3A_34 = arith.constant 0 : i32
      %dma_start3A_35 = arith.constant 0 : i32
      %dma_start3A_36 = tpu.memref_slice %arg2[%arg0, %dma_start3A_34, %dma_start3A_35] : memref<2x80000x128xf32, #tpu.memory_space<hbm>> -> memref<1x80000x128xf32, #tpu.memory_space<hbm>>
      %dma_start3A_37 = tpu.memref_squeeze %dma_start3A_36 : memref<1x80000x128xf32, #tpu.memory_space<hbm>> -> memref<80000x128xf32, #tpu.memory_space<hbm>>
      %dma_start3A_38 = arith.constant 0 : i32
      %dma_start3A_39 = arith.constant 0 : i32
      %dma_start3A_40 = tpu.memref_slice %dma_start3A_37[%dma_start3A_38, %dma_start3A_39] : memref<80000x128xf32, #tpu.memory_space<hbm>> -> memref<80000x128xf32, #tpu.memory_space<hbm>>
      tpu.enqueue_indirect_dma source(%dma_start3A_40 : memref<80000x128xf32, #tpu.memory_space<hbm>>) target(%arg9 : memref<128x128xf32, #tpu.memory_space<vmem>>) offsets(%dma_start3A_33 : memref<128xi32, #tpu.memory_space<vmem>>) semaphore(%arg11 : memref<!tpu.dma_semaphore, #tpu.memory_space<semaphore_mem>>)
      %dma_wait3A = arith.constant 0 : i32
      %dma_wait3A_41 = arith.constant 0 : i32
      %dma_wait3A_42 = arith.constant 0 : i32
      %dma_wait3A_43 = arith.constant 0 : i32
      %dma_wait3A_44 = tpu.memref_slice %arg7[%dma_wait3A, %dma_wait3A_42, %dma_wait3A_43] : memref<8x2x128xi32, #tpu.memory_space<vmem>> -> memref<1x2x128xi32, #tpu.memory_space<vmem>>
      %dma_wait3A_45 = tpu.memref_squeeze %dma_wait3A_44 : memref<1x2x128xi32, #tpu.memory_space<vmem>> -> memref<2x128xi32, #tpu.memory_space<vmem>>
      %dma_wait3A_46 = arith.constant 0 : i32
      %dma_wait3A_47 = tpu.memref_slice %dma_wait3A_45[%dma_wait3A_41, %dma_wait3A_46] : memref<2x128xi32, #tpu.memory_space<vmem>> -> memref<1x128xi32, #tpu.memory_space<vmem>>
      %dma_wait3A_48 = tpu.memref_squeeze %dma_wait3A_47 : memref<1x128xi32, #tpu.memory_space<vmem>> -> memref<128xi32, #tpu.memory_space<vmem>>
      %dma_wait3A_49 = arith.constant 0 : i32
      %dma_wait3A_50 = arith.constant 0 : i32
      %dma_wait3A_51 = tpu.memref_slice %arg2[%arg0, %dma_wait3A_49, %dma_wait3A_50] : memref<2x80000x128xf32, #tpu.memory_space<hbm>> -> memref<1x80000x128xf32, #tpu.memory_space<hbm>>
      %dma_wait3A_52 = tpu.memref_squeeze %dma_wait3A_51 : memref<1x80000x128xf32, #tpu.memory_space<hbm>> -> memref<80000x128xf32, #tpu.memory_space<hbm>>
      %dma_wait3A_53 = arith.constant 0 : i32
      %dma_wait3A_54 = arith.constant 0 : i32
      %dma_wait3A_55 = tpu.memref_slice %dma_wait3A_52[%dma_wait3A_53, %dma_wait3A_54] : memref<80000x128xf32, #tpu.memory_space<hbm>> -> memref<80000x128xf32, #tpu.memory_space<hbm>>
      tpu.wait_indirect_dma semaphore(%arg10 : memref<!tpu.dma_semaphore, #tpu.memory_space<semaphore_mem>>) src(%dma_wait3A_55 : memref<80000x128xf32, #tpu.memory_space<hbm>>) dst(%arg8 : memref<128x128xf32, #tpu.memory_space<vmem>>)
      %run_scoped3A = arith.constant 0 : i32
      %run_scoped3A_56 = arith.constant 1 : i32
      "tpu.region"() ({
        %run_scoped3A_279 = tpu.sem_alloc : memref<!tpu.dma_semaphore, #tpu.memory_space<semaphore_mem>>
        %dma_start3A_280 = arith.constant 0 : i32
        %dma_start3A_281 = arith.constant 0 : i32
        %dma_start3A_282 = tpu.memref_slice %arg7[%run_scoped3A, %dma_start3A_280, %dma_start3A_281] : memref<8x2x128xi32, #tpu.memory_space<vmem>> -> memref<1x2x128xi32, #tpu.memory_space<vmem>>
        %dma_start3A_283 = tpu.memref_squeeze %dma_start3A_282 : memref<1x2x128xi32, #tpu.memory_space<vmem>> -> memref<2x128xi32, #tpu.memory_space<vmem>>
        %dma_start3A_284 = arith.constant 0 : i32
        %dma_start3A_285 = tpu.memref_slice %dma_start3A_283[%run_scoped3A_56, %dma_start3A_284] : memref<2x128xi32, #tpu.memory_space<vmem>> -> memref<1x128xi32, #tpu.memory_space<vmem>>
        %dma_start3A_286 = tpu.memref_squeeze %dma_start3A_285 : memref<1x128xi32, #tpu.memory_space<vmem>> -> memref<128xi32, #tpu.memory_space<vmem>>
        %dma_start3A_287 = arith.constant 0 : i32
        %dma_start3A_288 = arith.constant 0 : i32
        %dma_start3A_289 = tpu.memref_slice %arg6[%dma_start3A_287, %dma_start3A_288] : memref<10112x128xf32, #tpu.memory_space<vmem_shared>> -> memref<10112x128xf32, #tpu.memory_space<vmem_shared>>
        tpu.enqueue_indirect_dma source(%arg8 : memref<128x128xf32, #tpu.memory_space<vmem>>) target(%dma_start3A_289 : memref<10112x128xf32, #tpu.memory_space<vmem_shared>>) offsets(%dma_start3A_286 : memref<128xi32, #tpu.memory_space<vmem>>) semaphore(%run_scoped3A_279 : memref<!tpu.dma_semaphore, #tpu.memory_space<semaphore_mem>>) {add = true}
        %dma_wait3A_290 = arith.constant 0 : i32
        %dma_wait3A_291 = arith.constant 0 : i32
        %dma_wait3A_292 = tpu.memref_slice %arg7[%run_scoped3A, %dma_wait3A_290, %dma_wait3A_291] : memref<8x2x128xi32, #tpu.memory_space<vmem>> -> memref<1x2x128xi32, #tpu.memory_space<vmem>>
        %dma_wait3A_293 = tpu.memref_squeeze %dma_wait3A_292 : memref<1x2x128xi32, #tpu.memory_space<vmem>> -> memref<2x128xi32, #tpu.memory_space<vmem>>
        %dma_wait3A_294 = arith.constant 0 : i32
        %dma_wait3A_295 = tpu.memref_slice %dma_wait3A_293[%run_scoped3A_56, %dma_wait3A_294] : memref<2x128xi32, #tpu.memory_space<vmem>> -> memref<1x128xi32, #tpu.memory_space<vmem>>
        %dma_wait3A_296 = tpu.memref_squeeze %dma_wait3A_295 : memref<1x128xi32, #tpu.memory_space<vmem>> -> memref<128xi32, #tpu.memory_space<vmem>>
        %dma_wait3A_297 = arith.constant 0 : i32
        %dma_wait3A_298 = arith.constant 0 : i32
        %dma_wait3A_299 = tpu.memref_slice %arg6[%dma_wait3A_297, %dma_wait3A_298] : memref<10112x128xf32, #tpu.memory_space<vmem_shared>> -> memref<10112x128xf32, #tpu.memory_space<vmem_shared>>
        tpu.wait_indirect_dma semaphore(%run_scoped3A_279 : memref<!tpu.dma_semaphore, #tpu.memory_space<semaphore_mem>>) src(%arg8 : memref<128x128xf32, #tpu.memory_space<vmem>>) dst(%dma_wait3A_299 : memref<10112x128xf32, #tpu.memory_space<vmem_shared>>)
        tpu.yield
      }) : () -> ()
      %dma_start3A_57 = arith.constant 2 : i32
      %dma_start3A_58 = arith.constant 0 : i32
      %dma_start3A_59 = arith.constant 0 : i32
      %dma_start3A_60 = arith.constant 0 : i32
      %dma_start3A_61 = tpu.memref_slice %arg7[%dma_start3A_57, %dma_start3A_59, %dma_start3A_60] : memref<8x2x128xi32, #tpu.memory_space<vmem>> -> memref<1x2x128xi32, #tpu.memory_space<vmem>>
      %dma_start3A_62 = tpu.memref_squeeze %dma_start3A_61 : memref<1x2x128xi32, #tpu.memory_space<vmem>> -> memref<2x128xi32, #tpu.memory_space<vmem>>
      %dma_start3A_63 = arith.constant 0 : i32
      %dma_start3A_64 = tpu.memref_slice %dma_start3A_62[%dma_start3A_58, %dma_start3A_63] : memref<2x128xi32, #tpu.memory_space<vmem>> -> memref<1x128xi32, #tpu.memory_space<vmem>>
      %dma_start3A_65 = tpu.memref_squeeze %dma_start3A_64 : memref<1x128xi32, #tpu.memory_space<vmem>> -> memref<128xi32, #tpu.memory_space<vmem>>
      %dma_start3A_66 = arith.constant 0 : i32
      %dma_start3A_67 = arith.constant 0 : i32
      %dma_start3A_68 = tpu.memref_slice %arg2[%arg0, %dma_start3A_66, %dma_start3A_67] : memref<2x80000x128xf32, #tpu.memory_space<hbm>> -> memref<1x80000x128xf32, #tpu.memory_space<hbm>>
      %dma_start3A_69 = tpu.memref_squeeze %dma_start3A_68 : memref<1x80000x128xf32, #tpu.memory_space<hbm>> -> memref<80000x128xf32, #tpu.memory_space<hbm>>
      %dma_start3A_70 = arith.constant 0 : i32
      %dma_start3A_71 = arith.constant 0 : i32
      %dma_start3A_72 = tpu.memref_slice %dma_start3A_69[%dma_start3A_70, %dma_start3A_71] : memref<80000x128xf32, #tpu.memory_space<hbm>> -> memref<80000x128xf32, #tpu.memory_space<hbm>>
      tpu.enqueue_indirect_dma source(%dma_start3A_72 : memref<80000x128xf32, #tpu.memory_space<hbm>>) target(%arg8 : memref<128x128xf32, #tpu.memory_space<vmem>>) offsets(%dma_start3A_65 : memref<128xi32, #tpu.memory_space<vmem>>) semaphore(%arg10 : memref<!tpu.dma_semaphore, #tpu.memory_space<semaphore_mem>>)
      %dma_wait3A_73 = arith.constant 1 : i32
      %dma_wait3A_74 = arith.constant 0 : i32
      %dma_wait3A_75 = arith.constant 0 : i32
      %dma_wait3A_76 = arith.constant 0 : i32
      %dma_wait3A_77 = tpu.memref_slice %arg7[%dma_wait3A_73, %dma_wait3A_75, %dma_wait3A_76] : memref<8x2x128xi32, #tpu.memory_space<vmem>> -> memref<1x2x128xi32, #tpu.memory_space<vmem>>
      %dma_wait3A_78 = tpu.memref_squeeze %dma_wait3A_77 : memref<1x2x128xi32, #tpu.memory_space<vmem>> -> memref<2x128xi32, #tpu.memory_space<vmem>>
      %dma_wait3A_79 = arith.constant 0 : i32
      %dma_wait3A_80 = tpu.memref_slice %dma_wait3A_78[%dma_wait3A_74, %dma_wait3A_79] : memref<2x128xi32, #tpu.memory_space<vmem>> -> memref<1x128xi32, #tpu.memory_space<vmem>>
      %dma_wait3A_81 = tpu.memref_squeeze %dma_wait3A_80 : memref<1x128xi32, #tpu.memory_space<vmem>> -> memref<128xi32, #tpu.memory_space<vmem>>
      %dma_wait3A_82 = arith.constant 0 : i32
      %dma_wait3A_83 = arith.constant 0 : i32
      %dma_wait3A_84 = tpu.memref_slice %arg2[%arg0, %dma_wait3A_82, %dma_wait3A_83] : memref<2x80000x128xf32, #tpu.memory_space<hbm>> -> memref<1x80000x128xf32, #tpu.memory_space<hbm>>
      %dma_wait3A_85 = tpu.memref_squeeze %dma_wait3A_84 : memref<1x80000x128xf32, #tpu.memory_space<hbm>> -> memref<80000x128xf32, #tpu.memory_space<hbm>>
      %dma_wait3A_86 = arith.constant 0 : i32
      %dma_wait3A_87 = arith.constant 0 : i32
      %dma_wait3A_88 = tpu.memref_slice %dma_wait3A_85[%dma_wait3A_86, %dma_wait3A_87] : memref<80000x128xf32, #tpu.memory_space<hbm>> -> memref<80000x128xf32, #tpu.memory_space<hbm>>
      tpu.wait_indirect_dma semaphore(%arg11 : memref<!tpu.dma_semaphore, #tpu.memory_space<semaphore_mem>>) src(%dma_wait3A_88 : memref<80000x128xf32, #tpu.memory_space<hbm>>) dst(%arg9 : memref<128x128xf32, #tpu.memory_space<vmem>>)
      %run_scoped3A_89 = arith.constant 1 : i32
      %run_scoped3A_90 = arith.constant 1 : i32
      "tpu.region"() ({
        %run_scoped3A_279 = tpu.sem_alloc : memref<!tpu.dma_semaphore, #tpu.memory_space<semaphore_mem>>
        %dma_start3A_280 = arith.constant 0 : i32
        %dma_start3A_281 = arith.constant 0 : i32
        %dma_start3A_282 = tpu.memref_slice %arg7[%run_scoped3A_89, %dma_start3A_280, %dma_start3A_281] : memref<8x2x128xi32, #tpu.memory_space<vmem>> -> memref<1x2x128xi32, #tpu.memory_space<vmem>>
        %dma_start3A_283 = tpu.memref_squeeze %dma_start3A_282 : memref<1x2x128xi32, #tpu.memory_space<vmem>> -> memref<2x128xi32, #tpu.memory_space<vmem>>
        %dma_start3A_284 = arith.constant 0 : i32
        %dma_start3A_285 = tpu.memref_slice %dma_start3A_283[%run_scoped3A_90, %dma_start3A_284] : memref<2x128xi32, #tpu.memory_space<vmem>> -> memref<1x128xi32, #tpu.memory_space<vmem>>
        %dma_start3A_286 = tpu.memref_squeeze %dma_start3A_285 : memref<1x128xi32, #tpu.memory_space<vmem>> -> memref<128xi32, #tpu.memory_space<vmem>>
        %dma_start3A_287 = arith.constant 0 : i32
        %dma_start3A_288 = arith.constant 0 : i32
        %dma_start3A_289 = tpu.memref_slice %arg6[%dma_start3A_287, %dma_start3A_288] : memref<10112x128xf32, #tpu.memory_space<vmem_shared>> -> memref<10112x128xf32, #tpu.memory_space<vmem_shared>>
        tpu.enqueue_indirect_dma source(%arg9 : memref<128x128xf32, #tpu.memory_space<vmem>>) target(%dma_start3A_289 : memref<10112x128xf32, #tpu.memory_space<vmem_shared>>) offsets(%dma_start3A_286 : memref<128xi32, #tpu.memory_space<vmem>>) semaphore(%run_scoped3A_279 : memref<!tpu.dma_semaphore, #tpu.memory_space<semaphore_mem>>) {add = true}
        %dma_wait3A_290 = arith.constant 0 : i32
        %dma_wait3A_291 = arith.constant 0 : i32
        %dma_wait3A_292 = tpu.memref_slice %arg7[%run_scoped3A_89, %dma_wait3A_290, %dma_wait3A_291] : memref<8x2x128xi32, #tpu.memory_space<vmem>> -> memref<1x2x128xi32, #tpu.memory_space<vmem>>
        %dma_wait3A_293 = tpu.memref_squeeze %dma_wait3A_292 : memref<1x2x128xi32, #tpu.memory_space<vmem>> -> memref<2x128xi32, #tpu.memory_space<vmem>>
        %dma_wait3A_294 = arith.constant 0 : i32
        %dma_wait3A_295 = tpu.memref_slice %dma_wait3A_293[%run_scoped3A_90, %dma_wait3A_294] : memref<2x128xi32, #tpu.memory_space<vmem>> -> memref<1x128xi32, #tpu.memory_space<vmem>>
        %dma_wait3A_296 = tpu.memref_squeeze %dma_wait3A_295 : memref<1x128xi32, #tpu.memory_space<vmem>> -> memref<128xi32, #tpu.memory_space<vmem>>
        %dma_wait3A_297 = arith.constant 0 : i32
        %dma_wait3A_298 = arith.constant 0 : i32
        %dma_wait3A_299 = tpu.memref_slice %arg6[%dma_wait3A_297, %dma_wait3A_298] : memref<10112x128xf32, #tpu.memory_space<vmem_shared>> -> memref<10112x128xf32, #tpu.memory_space<vmem_shared>>
        tpu.wait_indirect_dma semaphore(%run_scoped3A_279 : memref<!tpu.dma_semaphore, #tpu.memory_space<semaphore_mem>>) src(%arg9 : memref<128x128xf32, #tpu.memory_space<vmem>>) dst(%dma_wait3A_299 : memref<10112x128xf32, #tpu.memory_space<vmem_shared>>)
        tpu.yield
      }) : () -> ()
      %dma_start3A_91 = arith.constant 3 : i32
      %dma_start3A_92 = arith.constant 0 : i32
      %dma_start3A_93 = arith.constant 0 : i32
      %dma_start3A_94 = arith.constant 0 : i32
      %dma_start3A_95 = tpu.memref_slice %arg7[%dma_start3A_91, %dma_start3A_93, %dma_start3A_94] : memref<8x2x128xi32, #tpu.memory_space<vmem>> -> memref<1x2x128xi32, #tpu.memory_space<vmem>>
      %dma_start3A_96 = tpu.memref_squeeze %dma_start3A_95 : memref<1x2x128xi32, #tpu.memory_space<vmem>> -> memref<2x128xi32, #tpu.memory_space<vmem>>
      %dma_start3A_97 = arith.constant 0 : i32
      %dma_start3A_98 = tpu.memref_slice %dma_start3A_96[%dma_start3A_92, %dma_start3A_97] : memref<2x128xi32, #tpu.memory_space<vmem>> -> memref<1x128xi32, #tpu.memory_space<vmem>>
      %dma_start3A_99 = tpu.memref_squeeze %dma_start3A_98 : memref<1x128xi32, #tpu.memory_space<vmem>> -> memref<128xi32, #tpu.memory_space<vmem>>
      %dma_start3A_100 = arith.constant 0 : i32
      %dma_start3A_101 = arith.constant 0 : i32
      %dma_start3A_102 = tpu.memref_slice %arg2[%arg0, %dma_start3A_100, %dma_start3A_101] : memref<2x80000x128xf32, #tpu.memory_space<hbm>> -> memref<1x80000x128xf32, #tpu.memory_space<hbm>>
      %dma_start3A_103 = tpu.memref_squeeze %dma_start3A_102 : memref<1x80000x128xf32, #tpu.memory_space<hbm>> -> memref<80000x128xf32, #tpu.memory_space<hbm>>
      %dma_start3A_104 = arith.constant 0 : i32
      %dma_start3A_105 = arith.constant 0 : i32
      %dma_start3A_106 = tpu.memref_slice %dma_start3A_103[%dma_start3A_104, %dma_start3A_105] : memref<80000x128xf32, #tpu.memory_space<hbm>> -> memref<80000x128xf32, #tpu.memory_space<hbm>>
      tpu.enqueue_indirect_dma source(%dma_start3A_106 : memref<80000x128xf32, #tpu.memory_space<hbm>>) target(%arg9 : memref<128x128xf32, #tpu.memory_space<vmem>>) offsets(%dma_start3A_99 : memref<128xi32, #tpu.memory_space<vmem>>) semaphore(%arg11 : memref<!tpu.dma_semaphore, #tpu.memory_space<semaphore_mem>>)
      %dma_wait3A_107 = arith.constant 2 : i32
      %dma_wait3A_108 = arith.constant 0 : i32
      %dma_wait3A_109 = arith.constant 0 : i32
      %dma_wait3A_110 = arith.constant 0 : i32
      %dma_wait3A_111 = tpu.memref_slice %arg7[%dma_wait3A_107, %dma_wait3A_109, %dma_wait3A_110] : memref<8x2x128xi32, #tpu.memory_space<vmem>> -> memref<1x2x128xi32, #tpu.memory_space<vmem>>
      %dma_wait3A_112 = tpu.memref_squeeze %dma_wait3A_111 : memref<1x2x128xi32, #tpu.memory_space<vmem>> -> memref<2x128xi32, #tpu.memory_space<vmem>>
      %dma_wait3A_113 = arith.constant 0 : i32
      %dma_wait3A_114 = tpu.memref_slice %dma_wait3A_112[%dma_wait3A_108, %dma_wait3A_113] : memref<2x128xi32, #tpu.memory_space<vmem>> -> memref<1x128xi32, #tpu.memory_space<vmem>>
      %dma_wait3A_115 = tpu.memref_squeeze %dma_wait3A_114 : memref<1x128xi32, #tpu.memory_space<vmem>> -> memref<128xi32, #tpu.memory_space<vmem>>
      %dma_wait3A_116 = arith.constant 0 : i32
      %dma_wait3A_117 = arith.constant 0 : i32
      %dma_wait3A_118 = tpu.memref_slice %arg2[%arg0, %dma_wait3A_116, %dma_wait3A_117] : memref<2x80000x128xf32, #tpu.memory_space<hbm>> -> memref<1x80000x128xf32, #tpu.memory_space<hbm>>
      %dma_wait3A_119 = tpu.memref_squeeze %dma_wait3A_118 : memref<1x80000x128xf32, #tpu.memory_space<hbm>> -> memref<80000x128xf32, #tpu.memory_space<hbm>>
      %dma_wait3A_120 = arith.constant 0 : i32
      %dma_wait3A_121 = arith.constant 0 : i32
      %dma_wait3A_122 = tpu.memref_slice %dma_wait3A_119[%dma_wait3A_120, %dma_wait3A_121] : memref<80000x128xf32, #tpu.memory_space<hbm>> -> memref<80000x128xf32, #tpu.memory_space<hbm>>
      tpu.wait_indirect_dma semaphore(%arg10 : memref<!tpu.dma_semaphore, #tpu.memory_space<semaphore_mem>>) src(%dma_wait3A_122 : memref<80000x128xf32, #tpu.memory_space<hbm>>) dst(%arg8 : memref<128x128xf32, #tpu.memory_space<vmem>>)
      %run_scoped3A_123 = arith.constant 2 : i32
      %run_scoped3A_124 = arith.constant 1 : i32
      "tpu.region"() ({
        %run_scoped3A_279 = tpu.sem_alloc : memref<!tpu.dma_semaphore, #tpu.memory_space<semaphore_mem>>
        %dma_start3A_280 = arith.constant 0 : i32
        %dma_start3A_281 = arith.constant 0 : i32
        %dma_start3A_282 = tpu.memref_slice %arg7[%run_scoped3A_123, %dma_start3A_280, %dma_start3A_281] : memref<8x2x128xi32, #tpu.memory_space<vmem>> -> memref<1x2x128xi32, #tpu.memory_space<vmem>>
        %dma_start3A_283 = tpu.memref_squeeze %dma_start3A_282 : memref<1x2x128xi32, #tpu.memory_space<vmem>> -> memref<2x128xi32, #tpu.memory_space<vmem>>
        %dma_start3A_284 = arith.constant 0 : i32
        %dma_start3A_285 = tpu.memref_slice %dma_start3A_283[%run_scoped3A_124, %dma_start3A_284] : memref<2x128xi32, #tpu.memory_space<vmem>> -> memref<1x128xi32, #tpu.memory_space<vmem>>
        %dma_start3A_286 = tpu.memref_squeeze %dma_start3A_285 : memref<1x128xi32, #tpu.memory_space<vmem>> -> memref<128xi32, #tpu.memory_space<vmem>>
        %dma_start3A_287 = arith.constant 0 : i32
        %dma_start3A_288 = arith.constant 0 : i32
        %dma_start3A_289 = tpu.memref_slice %arg6[%dma_start3A_287, %dma_start3A_288] : memref<10112x128xf32, #tpu.memory_space<vmem_shared>> -> memref<10112x128xf32, #tpu.memory_space<vmem_shared>>
        tpu.enqueue_indirect_dma source(%arg8 : memref<128x128xf32, #tpu.memory_space<vmem>>) target(%dma_start3A_289 : memref<10112x128xf32, #tpu.memory_space<vmem_shared>>) offsets(%dma_start3A_286 : memref<128xi32, #tpu.memory_space<vmem>>) semaphore(%run_scoped3A_279 : memref<!tpu.dma_semaphore, #tpu.memory_space<semaphore_mem>>) {add = true}
        %dma_wait3A_290 = arith.constant 0 : i32
        %dma_wait3A_291 = arith.constant 0 : i32
        %dma_wait3A_292 = tpu.memref_slice %arg7[%run_scoped3A_123, %dma_wait3A_290, %dma_wait3A_291] : memref<8x2x128xi32, #tpu.memory_space<vmem>> -> memref<1x2x128xi32, #tpu.memory_space<vmem>>
        %dma_wait3A_293 = tpu.memref_squeeze %dma_wait3A_292 : memref<1x2x128xi32, #tpu.memory_space<vmem>> -> memref<2x128xi32, #tpu.memory_space<vmem>>
        %dma_wait3A_294 = arith.constant 0 : i32
        %dma_wait3A_295 = tpu.memref_slice %dma_wait3A_293[%run_scoped3A_124, %dma_wait3A_294] : memref<2x128xi32, #tpu.memory_space<vmem>> -> memref<1x128xi32, #tpu.memory_space<vmem>>
        %dma_wait3A_296 = tpu.memref_squeeze %dma_wait3A_295 : memref<1x128xi32, #tpu.memory_space<vmem>> -> memref<128xi32, #tpu.memory_space<vmem>>
        %dma_wait3A_297 = arith.constant 0 : i32
        %dma_wait3A_298 = arith.constant 0 : i32
        %dma_wait3A_299 = tpu.memref_slice %arg6[%dma_wait3A_297, %dma_wait3A_298] : memref<10112x128xf32, #tpu.memory_space<vmem_shared>> -> memref<10112x128xf32, #tpu.memory_space<vmem_shared>>
        tpu.wait_indirect_dma semaphore(%run_scoped3A_279 : memref<!tpu.dma_semaphore, #tpu.memory_space<semaphore_mem>>) src(%arg8 : memref<128x128xf32, #tpu.memory_space<vmem>>) dst(%dma_wait3A_299 : memref<10112x128xf32, #tpu.memory_space<vmem_shared>>)
        tpu.yield
      }) : () -> ()
      %dma_start3A_125 = arith.constant 4 : i32
      %dma_start3A_126 = arith.constant 0 : i32
      %dma_start3A_127 = arith.constant 0 : i32
      %dma_start3A_128 = arith.constant 0 : i32
      %dma_start3A_129 = tpu.memref_slice %arg7[%dma_start3A_125, %dma_start3A_127, %dma_start3A_128] : memref<8x2x128xi32, #tpu.memory_space<vmem>> -> memref<1x2x128xi32, #tpu.memory_space<vmem>>
      %dma_start3A_130 = tpu.memref_squeeze %dma_start3A_129 : memref<1x2x128xi32, #tpu.memory_space<vmem>> -> memref<2x128xi32, #tpu.memory_space<vmem>>
      %dma_start3A_131 = arith.constant 0 : i32
      %dma_start3A_132 = tpu.memref_slice %dma_start3A_130[%dma_start3A_126, %dma_start3A_131] : memref<2x128xi32, #tpu.memory_space<vmem>> -> memref<1x128xi32, #tpu.memory_space<vmem>>
      %dma_start3A_133 = tpu.memref_squeeze %dma_start3A_132 : memref<1x128xi32, #tpu.memory_space<vmem>> -> memref<128xi32, #tpu.memory_space<vmem>>
      %dma_start3A_134 = arith.constant 0 : i32
      %dma_start3A_135 = arith.constant 0 : i32
      %dma_start3A_136 = tpu.memref_slice %arg2[%arg0, %dma_start3A_134, %dma_start3A_135] : memref<2x80000x128xf32, #tpu.memory_space<hbm>> -> memref<1x80000x128xf32, #tpu.memory_space<hbm>>
      %dma_start3A_137 = tpu.memref_squeeze %dma_start3A_136 : memref<1x80000x128xf32, #tpu.memory_space<hbm>> -> memref<80000x128xf32, #tpu.memory_space<hbm>>
      %dma_start3A_138 = arith.constant 0 : i32
      %dma_start3A_139 = arith.constant 0 : i32
      %dma_start3A_140 = tpu.memref_slice %dma_start3A_137[%dma_start3A_138, %dma_start3A_139] : memref<80000x128xf32, #tpu.memory_space<hbm>> -> memref<80000x128xf32, #tpu.memory_space<hbm>>
      tpu.enqueue_indirect_dma source(%dma_start3A_140 : memref<80000x128xf32, #tpu.memory_space<hbm>>) target(%arg8 : memref<128x128xf32, #tpu.memory_space<vmem>>) offsets(%dma_start3A_133 : memref<128xi32, #tpu.memory_space<vmem>>) semaphore(%arg10 : memref<!tpu.dma_semaphore, #tpu.memory_space<semaphore_mem>>)
      %dma_wait3A_141 = arith.constant 3 : i32
      %dma_wait3A_142 = arith.constant 0 : i32
      %dma_wait3A_143 = arith.constant 0 : i32
      %dma_wait3A_144 = arith.constant 0 : i32
      %dma_wait3A_145 = tpu.memref_slice %arg7[%dma_wait3A_141, %dma_wait3A_143, %dma_wait3A_144] : memref<8x2x128xi32, #tpu.memory_space<vmem>> -> memref<1x2x128xi32, #tpu.memory_space<vmem>>
      %dma_wait3A_146 = tpu.memref_squeeze %dma_wait3A_145 : memref<1x2x128xi32, #tpu.memory_space<vmem>> -> memref<2x128xi32, #tpu.memory_space<vmem>>
      %dma_wait3A_147 = arith.constant 0 : i32
      %dma_wait3A_148 = tpu.memref_slice %dma_wait3A_146[%dma_wait3A_142, %dma_wait3A_147] : memref<2x128xi32, #tpu.memory_space<vmem>> -> memref<1x128xi32, #tpu.memory_space<vmem>>
      %dma_wait3A_149 = tpu.memref_squeeze %dma_wait3A_148 : memref<1x128xi32, #tpu.memory_space<vmem>> -> memref<128xi32, #tpu.memory_space<vmem>>
      %dma_wait3A_150 = arith.constant 0 : i32
      %dma_wait3A_151 = arith.constant 0 : i32
      %dma_wait3A_152 = tpu.memref_slice %arg2[%arg0, %dma_wait3A_150, %dma_wait3A_151] : memref<2x80000x128xf32, #tpu.memory_space<hbm>> -> memref<1x80000x128xf32, #tpu.memory_space<hbm>>
      %dma_wait3A_153 = tpu.memref_squeeze %dma_wait3A_152 : memref<1x80000x128xf32, #tpu.memory_space<hbm>> -> memref<80000x128xf32, #tpu.memory_space<hbm>>
      %dma_wait3A_154 = arith.constant 0 : i32
      %dma_wait3A_155 = arith.constant 0 : i32
      %dma_wait3A_156 = tpu.memref_slice %dma_wait3A_153[%dma_wait3A_154, %dma_wait3A_155] : memref<80000x128xf32, #tpu.memory_space<hbm>> -> memref<80000x128xf32, #tpu.memory_space<hbm>>
      tpu.wait_indirect_dma semaphore(%arg11 : memref<!tpu.dma_semaphore, #tpu.memory_space<semaphore_mem>>) src(%dma_wait3A_156 : memref<80000x128xf32, #tpu.memory_space<hbm>>) dst(%arg9 : memref<128x128xf32, #tpu.memory_space<vmem>>)
      %run_scoped3A_157 = arith.constant 3 : i32
      %run_scoped3A_158 = arith.constant 1 : i32
      "tpu.region"() ({
        %run_scoped3A_279 = tpu.sem_alloc : memref<!tpu.dma_semaphore, #tpu.memory_space<semaphore_mem>>
        %dma_start3A_280 = arith.constant 0 : i32
        %dma_start3A_281 = arith.constant 0 : i32
        %dma_start3A_282 = tpu.memref_slice %arg7[%run_scoped3A_157, %dma_start3A_280, %dma_start3A_281] : memref<8x2x128xi32, #tpu.memory_space<vmem>> -> memref<1x2x128xi32, #tpu.memory_space<vmem>>
        %dma_start3A_283 = tpu.memref_squeeze %dma_start3A_282 : memref<1x2x128xi32, #tpu.memory_space<vmem>> -> memref<2x128xi32, #tpu.memory_space<vmem>>
        %dma_start3A_284 = arith.constant 0 : i32
        %dma_start3A_285 = tpu.memref_slice %dma_start3A_283[%run_scoped3A_158, %dma_start3A_284] : memref<2x128xi32, #tpu.memory_space<vmem>> -> memref<1x128xi32, #tpu.memory_space<vmem>>
        %dma_start3A_286 = tpu.memref_squeeze %dma_start3A_285 : memref<1x128xi32, #tpu.memory_space<vmem>> -> memref<128xi32, #tpu.memory_space<vmem>>
        %dma_start3A_287 = arith.constant 0 : i32
        %dma_start3A_288 = arith.constant 0 : i32
        %dma_start3A_289 = tpu.memref_slice %arg6[%dma_start3A_287, %dma_start3A_288] : memref<10112x128xf32, #tpu.memory_space<vmem_shared>> -> memref<10112x128xf32, #tpu.memory_space<vmem_shared>>
        tpu.enqueue_indirect_dma source(%arg9 : memref<128x128xf32, #tpu.memory_space<vmem>>) target(%dma_start3A_289 : memref<10112x128xf32, #tpu.memory_space<vmem_shared>>) offsets(%dma_start3A_286 : memref<128xi32, #tpu.memory_space<vmem>>) semaphore(%run_scoped3A_279 : memref<!tpu.dma_semaphore, #tpu.memory_space<semaphore_mem>>) {add = true}
        %dma_wait3A_290 = arith.constant 0 : i32
        %dma_wait3A_291 = arith.constant 0 : i32
        %dma_wait3A_292 = tpu.memref_slice %arg7[%run_scoped3A_157, %dma_wait3A_290, %dma_wait3A_291] : memref<8x2x128xi32, #tpu.memory_space<vmem>> -> memref<1x2x128xi32, #tpu.memory_space<vmem>>
        %dma_wait3A_293 = tpu.memref_squeeze %dma_wait3A_292 : memref<1x2x128xi32, #tpu.memory_space<vmem>> -> memref<2x128xi32, #tpu.memory_space<vmem>>
        %dma_wait3A_294 = arith.constant 0 : i32
        %dma_wait3A_295 = tpu.memref_slice %dma_wait3A_293[%run_scoped3A_158, %dma_wait3A_294] : memref<2x128xi32, #tpu.memory_space<vmem>> -> memref<1x128xi32, #tpu.memory_space<vmem>>
        %dma_wait3A_296 = tpu.memref_squeeze %dma_wait3A_295 : memref<1x128xi32, #tpu.memory_space<vmem>> -> memref<128xi32, #tpu.memory_space<vmem>>
        %dma_wait3A_297 = arith.constant 0 : i32
        %dma_wait3A_298 = arith.constant 0 : i32
        %dma_wait3A_299 = tpu.memref_slice %arg6[%dma_wait3A_297, %dma_wait3A_298] : memref<10112x128xf32, #tpu.memory_space<vmem_shared>> -> memref<10112x128xf32, #tpu.memory_space<vmem_shared>>
        tpu.wait_indirect_dma semaphore(%run_scoped3A_279 : memref<!tpu.dma_semaphore, #tpu.memory_space<semaphore_mem>>) src(%arg9 : memref<128x128xf32, #tpu.memory_space<vmem>>) dst(%dma_wait3A_299 : memref<10112x128xf32, #tpu.memory_space<vmem_shared>>)
        tpu.yield
      }) : () -> ()
      %dma_start3A_159 = arith.constant 5 : i32
      %dma_start3A_160 = arith.constant 0 : i32
      %dma_start3A_161 = arith.constant 0 : i32
      %dma_start3A_162 = arith.constant 0 : i32
      %dma_start3A_163 = tpu.memref_slice %arg7[%dma_start3A_159, %dma_start3A_161, %dma_start3A_162] : memref<8x2x128xi32, #tpu.memory_space<vmem>> -> memref<1x2x128xi32, #tpu.memory_space<vmem>>
      %dma_start3A_164 = tpu.memref_squeeze %dma_start3A_163 : memref<1x2x128xi32, #tpu.memory_space<vmem>> -> memref<2x128xi32, #tpu.memory_space<vmem>>
      %dma_start3A_165 = arith.constant 0 : i32
      %dma_start3A_166 = tpu.memref_slice %dma_start3A_164[%dma_start3A_160, %dma_start3A_165] : memref<2x128xi32, #tpu.memory_space<vmem>> -> memref<1x128xi32, #tpu.memory_space<vmem>>
      %dma_start3A_167 = tpu.memref_squeeze %dma_start3A_166 : memref<1x128xi32, #tpu.memory_space<vmem>> -> memref<128xi32, #tpu.memory_space<vmem>>
      %dma_start3A_168 = arith.constant 0 : i32
      %dma_start3A_169 = arith.constant 0 : i32
      %dma_start3A_170 = tpu.memref_slice %arg2[%arg0, %dma_start3A_168, %dma_start3A_169] : memref<2x80000x128xf32, #tpu.memory_space<hbm>> -> memref<1x80000x128xf32, #tpu.memory_space<hbm>>
      %dma_start3A_171 = tpu.memref_squeeze %dma_start3A_170 : memref<1x80000x128xf32, #tpu.memory_space<hbm>> -> memref<80000x128xf32, #tpu.memory_space<hbm>>
      %dma_start3A_172 = arith.constant 0 : i32
      %dma_start3A_173 = arith.constant 0 : i32
      %dma_start3A_174 = tpu.memref_slice %dma_start3A_171[%dma_start3A_172, %dma_start3A_173] : memref<80000x128xf32, #tpu.memory_space<hbm>> -> memref<80000x128xf32, #tpu.memory_space<hbm>>
      tpu.enqueue_indirect_dma source(%dma_start3A_174 : memref<80000x128xf32, #tpu.memory_space<hbm>>) target(%arg9 : memref<128x128xf32, #tpu.memory_space<vmem>>) offsets(%dma_start3A_167 : memref<128xi32, #tpu.memory_space<vmem>>) semaphore(%arg11 : memref<!tpu.dma_semaphore, #tpu.memory_space<semaphore_mem>>)
      %dma_wait3A_175 = arith.constant 4 : i32
      %dma_wait3A_176 = arith.constant 0 : i32
      %dma_wait3A_177 = arith.constant 0 : i32
      %dma_wait3A_178 = arith.constant 0 : i32
      %dma_wait3A_179 = tpu.memref_slice %arg7[%dma_wait3A_175, %dma_wait3A_177, %dma_wait3A_178] : memref<8x2x128xi32, #tpu.memory_space<vmem>> -> memref<1x2x128xi32, #tpu.memory_space<vmem>>
      %dma_wait3A_180 = tpu.memref_squeeze %dma_wait3A_179 : memref<1x2x128xi32, #tpu.memory_space<vmem>> -> memref<2x128xi32, #tpu.memory_space<vmem>>
      %dma_wait3A_181 = arith.constant 0 : i32
      %dma_wait3A_182 = tpu.memref_slice %dma_wait3A_180[%dma_wait3A_176, %dma_wait3A_181] : memref<2x128xi32, #tpu.memory_space<vmem>> -> memref<1x128xi32, #tpu.memory_space<vmem>>
      %dma_wait3A_183 = tpu.memref_squeeze %dma_wait3A_182 : memref<1x128xi32, #tpu.memory_space<vmem>> -> memref<128xi32, #tpu.memory_space<vmem>>
      %dma_wait3A_184 = arith.constant 0 : i32
      %dma_wait3A_185 = arith.constant 0 : i32
      %dma_wait3A_186 = tpu.memref_slice %arg2[%arg0, %dma_wait3A_184, %dma_wait3A_185] : memref<2x80000x128xf32, #tpu.memory_space<hbm>> -> memref<1x80000x128xf32, #tpu.memory_space<hbm>>
      %dma_wait3A_187 = tpu.memref_squeeze %dma_wait3A_186 : memref<1x80000x128xf32, #tpu.memory_space<hbm>> -> memref<80000x128xf32, #tpu.memory_space<hbm>>
      %dma_wait3A_188 = arith.constant 0 : i32
      %dma_wait3A_189 = arith.constant 0 : i32
      %dma_wait3A_190 = tpu.memref_slice %dma_wait3A_187[%dma_wait3A_188, %dma_wait3A_189] : memref<80000x128xf32, #tpu.memory_space<hbm>> -> memref<80000x128xf32, #tpu.memory_space<hbm>>
      tpu.wait_indirect_dma semaphore(%arg10 : memref<!tpu.dma_semaphore, #tpu.memory_space<semaphore_mem>>) src(%dma_wait3A_190 : memref<80000x128xf32, #tpu.memory_space<hbm>>) dst(%arg8 : memref<128x128xf32, #tpu.memory_space<vmem>>)
      %run_scoped3A_191 = arith.constant 4 : i32
      %run_scoped3A_192 = arith.constant 1 : i32
      "tpu.region"() ({
        %run_scoped3A_279 = tpu.sem_alloc : memref<!tpu.dma_semaphore, #tpu.memory_space<semaphore_mem>>
        %dma_start3A_280 = arith.constant 0 : i32
        %dma_start3A_281 = arith.constant 0 : i32
        %dma_start3A_282 = tpu.memref_slice %arg7[%run_scoped3A_191, %dma_start3A_280, %dma_start3A_281] : memref<8x2x128xi32, #tpu.memory_space<vmem>> -> memref<1x2x128xi32, #tpu.memory_space<vmem>>
        %dma_start3A_283 = tpu.memref_squeeze %dma_start3A_282 : memref<1x2x128xi32, #tpu.memory_space<vmem>> -> memref<2x128xi32, #tpu.memory_space<vmem>>
        %dma_start3A_284 = arith.constant 0 : i32
        %dma_start3A_285 = tpu.memref_slice %dma_start3A_283[%run_scoped3A_192, %dma_start3A_284] : memref<2x128xi32, #tpu.memory_space<vmem>> -> memref<1x128xi32, #tpu.memory_space<vmem>>
        %dma_start3A_286 = tpu.memref_squeeze %dma_start3A_285 : memref<1x128xi32, #tpu.memory_space<vmem>> -> memref<128xi32, #tpu.memory_space<vmem>>
        %dma_start3A_287 = arith.constant 0 : i32
        %dma_start3A_288 = arith.constant 0 : i32
        %dma_start3A_289 = tpu.memref_slice %arg6[%dma_start3A_287, %dma_start3A_288] : memref<10112x128xf32, #tpu.memory_space<vmem_shared>> -> memref<10112x128xf32, #tpu.memory_space<vmem_shared>>
        tpu.enqueue_indirect_dma source(%arg8 : memref<128x128xf32, #tpu.memory_space<vmem>>) target(%dma_start3A_289 : memref<10112x128xf32, #tpu.memory_space<vmem_shared>>) offsets(%dma_start3A_286 : memref<128xi32, #tpu.memory_space<vmem>>) semaphore(%run_scoped3A_279 : memref<!tpu.dma_semaphore, #tpu.memory_space<semaphore_mem>>) {add = true}
        %dma_wait3A_290 = arith.constant 0 : i32
        %dma_wait3A_291 = arith.constant 0 : i32
        %dma_wait3A_292 = tpu.memref_slice %arg7[%run_scoped3A_191, %dma_wait3A_290, %dma_wait3A_291] : memref<8x2x128xi32, #tpu.memory_space<vmem>> -> memref<1x2x128xi32, #tpu.memory_space<vmem>>
        %dma_wait3A_293 = tpu.memref_squeeze %dma_wait3A_292 : memref<1x2x128xi32, #tpu.memory_space<vmem>> -> memref<2x128xi32, #tpu.memory_space<vmem>>
        %dma_wait3A_294 = arith.constant 0 : i32
        %dma_wait3A_295 = tpu.memref_slice %dma_wait3A_293[%run_scoped3A_192, %dma_wait3A_294] : memref<2x128xi32, #tpu.memory_space<vmem>> -> memref<1x128xi32, #tpu.memory_space<vmem>>
        %dma_wait3A_296 = tpu.memref_squeeze %dma_wait3A_295 : memref<1x128xi32, #tpu.memory_space<vmem>> -> memref<128xi32, #tpu.memory_space<vmem>>
        %dma_wait3A_297 = arith.constant 0 : i32
        %dma_wait3A_298 = arith.constant 0 : i32
        %dma_wait3A_299 = tpu.memref_slice %arg6[%dma_wait3A_297, %dma_wait3A_298] : memref<10112x128xf32, #tpu.memory_space<vmem_shared>> -> memref<10112x128xf32, #tpu.memory_space<vmem_shared>>
        tpu.wait_indirect_dma semaphore(%run_scoped3A_279 : memref<!tpu.dma_semaphore, #tpu.memory_space<semaphore_mem>>) src(%arg8 : memref<128x128xf32, #tpu.memory_space<vmem>>) dst(%dma_wait3A_299 : memref<10112x128xf32, #tpu.memory_space<vmem_shared>>)
        tpu.yield
      }) : () -> ()
      %dma_start3A_193 = arith.constant 6 : i32
      %dma_start3A_194 = arith.constant 0 : i32
      %dma_start3A_195 = arith.constant 0 : i32
      %dma_start3A_196 = arith.constant 0 : i32
      %dma_start3A_197 = tpu.memref_slice %arg7[%dma_start3A_193, %dma_start3A_195, %dma_start3A_196] : memref<8x2x128xi32, #tpu.memory_space<vmem>> -> memref<1x2x128xi32, #tpu.memory_space<vmem>>
      %dma_start3A_198 = tpu.memref_squeeze %dma_start3A_197 : memref<1x2x128xi32, #tpu.memory_space<vmem>> -> memref<2x128xi32, #tpu.memory_space<vmem>>
      %dma_start3A_199 = arith.constant 0 : i32
      %dma_start3A_200 = tpu.memref_slice %dma_start3A_198[%dma_start3A_194, %dma_start3A_199] : memref<2x128xi32, #tpu.memory_space<vmem>> -> memref<1x128xi32, #tpu.memory_space<vmem>>
      %dma_start3A_201 = tpu.memref_squeeze %dma_start3A_200 : memref<1x128xi32, #tpu.memory_space<vmem>> -> memref<128xi32, #tpu.memory_space<vmem>>
      %dma_start3A_202 = arith.constant 0 : i32
      %dma_start3A_203 = arith.constant 0 : i32
      %dma_start3A_204 = tpu.memref_slice %arg2[%arg0, %dma_start3A_202, %dma_start3A_203] : memref<2x80000x128xf32, #tpu.memory_space<hbm>> -> memref<1x80000x128xf32, #tpu.memory_space<hbm>>
      %dma_start3A_205 = tpu.memref_squeeze %dma_start3A_204 : memref<1x80000x128xf32, #tpu.memory_space<hbm>> -> memref<80000x128xf32, #tpu.memory_space<hbm>>
      %dma_start3A_206 = arith.constant 0 : i32
      %dma_start3A_207 = arith.constant 0 : i32
      %dma_start3A_208 = tpu.memref_slice %dma_start3A_205[%dma_start3A_206, %dma_start3A_207] : memref<80000x128xf32, #tpu.memory_space<hbm>> -> memref<80000x128xf32, #tpu.memory_space<hbm>>
      tpu.enqueue_indirect_dma source(%dma_start3A_208 : memref<80000x128xf32, #tpu.memory_space<hbm>>) target(%arg8 : memref<128x128xf32, #tpu.memory_space<vmem>>) offsets(%dma_start3A_201 : memref<128xi32, #tpu.memory_space<vmem>>) semaphore(%arg10 : memref<!tpu.dma_semaphore, #tpu.memory_space<semaphore_mem>>)
      %dma_wait3A_209 = arith.constant 5 : i32
      %dma_wait3A_210 = arith.constant 0 : i32
      %dma_wait3A_211 = arith.constant 0 : i32
      %dma_wait3A_212 = arith.constant 0 : i32
      %dma_wait3A_213 = tpu.memref_slice %arg7[%dma_wait3A_209, %dma_wait3A_211, %dma_wait3A_212] : memref<8x2x128xi32, #tpu.memory_space<vmem>> -> memref<1x2x128xi32, #tpu.memory_space<vmem>>
      %dma_wait3A_214 = tpu.memref_squeeze %dma_wait3A_213 : memref<1x2x128xi32, #tpu.memory_space<vmem>> -> memref<2x128xi32, #tpu.memory_space<vmem>>
      %dma_wait3A_215 = arith.constant 0 : i32
      %dma_wait3A_216 = tpu.memref_slice %dma_wait3A_214[%dma_wait3A_210, %dma_wait3A_215] : memref<2x128xi32, #tpu.memory_space<vmem>> -> memref<1x128xi32, #tpu.memory_space<vmem>>
      %dma_wait3A_217 = tpu.memref_squeeze %dma_wait3A_216 : memref<1x128xi32, #tpu.memory_space<vmem>> -> memref<128xi32, #tpu.memory_space<vmem>>
      %dma_wait3A_218 = arith.constant 0 : i32
      %dma_wait3A_219 = arith.constant 0 : i32
      %dma_wait3A_220 = tpu.memref_slice %arg2[%arg0, %dma_wait3A_218, %dma_wait3A_219] : memref<2x80000x128xf32, #tpu.memory_space<hbm>> -> memref<1x80000x128xf32, #tpu.memory_space<hbm>>
      %dma_wait3A_221 = tpu.memref_squeeze %dma_wait3A_220 : memref<1x80000x128xf32, #tpu.memory_space<hbm>> -> memref<80000x128xf32, #tpu.memory_space<hbm>>
      %dma_wait3A_222 = arith.constant 0 : i32
      %dma_wait3A_223 = arith.constant 0 : i32
      %dma_wait3A_224 = tpu.memref_slice %dma_wait3A_221[%dma_wait3A_222, %dma_wait3A_223] : memref<80000x128xf32, #tpu.memory_space<hbm>> -> memref<80000x128xf32, #tpu.memory_space<hbm>>
      tpu.wait_indirect_dma semaphore(%arg11 : memref<!tpu.dma_semaphore, #tpu.memory_space<semaphore_mem>>) src(%dma_wait3A_224 : memref<80000x128xf32, #tpu.memory_space<hbm>>) dst(%arg9 : memref<128x128xf32, #tpu.memory_space<vmem>>)
      %run_scoped3A_225 = arith.constant 5 : i32
      %run_scoped3A_226 = arith.constant 1 : i32
      "tpu.region"() ({
        %run_scoped3A_279 = tpu.sem_alloc : memref<!tpu.dma_semaphore, #tpu.memory_space<semaphore_mem>>
        %dma_start3A_280 = arith.constant 0 : i32
        %dma_start3A_281 = arith.constant 0 : i32
        %dma_start3A_282 = tpu.memref_slice %arg7[%run_scoped3A_225, %dma_start3A_280, %dma_start3A_281] : memref<8x2x128xi32, #tpu.memory_space<vmem>> -> memref<1x2x128xi32, #tpu.memory_space<vmem>>
        %dma_start3A_283 = tpu.memref_squeeze %dma_start3A_282 : memref<1x2x128xi32, #tpu.memory_space<vmem>> -> memref<2x128xi32, #tpu.memory_space<vmem>>
        %dma_start3A_284 = arith.constant 0 : i32
        %dma_start3A_285 = tpu.memref_slice %dma_start3A_283[%run_scoped3A_226, %dma_start3A_284] : memref<2x128xi32, #tpu.memory_space<vmem>> -> memref<1x128xi32, #tpu.memory_space<vmem>>
        %dma_start3A_286 = tpu.memref_squeeze %dma_start3A_285 : memref<1x128xi32, #tpu.memory_space<vmem>> -> memref<128xi32, #tpu.memory_space<vmem>>
        %dma_start3A_287 = arith.constant 0 : i32
        %dma_start3A_288 = arith.constant 0 : i32
        %dma_start3A_289 = tpu.memref_slice %arg6[%dma_start3A_287, %dma_start3A_288] : memref<10112x128xf32, #tpu.memory_space<vmem_shared>> -> memref<10112x128xf32, #tpu.memory_space<vmem_shared>>
        tpu.enqueue_indirect_dma source(%arg9 : memref<128x128xf32, #tpu.memory_space<vmem>>) target(%dma_start3A_289 : memref<10112x128xf32, #tpu.memory_space<vmem_shared>>) offsets(%dma_start3A_286 : memref<128xi32, #tpu.memory_space<vmem>>) semaphore(%run_scoped3A_279 : memref<!tpu.dma_semaphore, #tpu.memory_space<semaphore_mem>>) {add = true}
        %dma_wait3A_290 = arith.constant 0 : i32
        %dma_wait3A_291 = arith.constant 0 : i32
        %dma_wait3A_292 = tpu.memref_slice %arg7[%run_scoped3A_225, %dma_wait3A_290, %dma_wait3A_291] : memref<8x2x128xi32, #tpu.memory_space<vmem>> -> memref<1x2x128xi32, #tpu.memory_space<vmem>>
        %dma_wait3A_293 = tpu.memref_squeeze %dma_wait3A_292 : memref<1x2x128xi32, #tpu.memory_space<vmem>> -> memref<2x128xi32, #tpu.memory_space<vmem>>
        %dma_wait3A_294 = arith.constant 0 : i32
        %dma_wait3A_295 = tpu.memref_slice %dma_wait3A_293[%run_scoped3A_226, %dma_wait3A_294] : memref<2x128xi32, #tpu.memory_space<vmem>> -> memref<1x128xi32, #tpu.memory_space<vmem>>
        %dma_wait3A_296 = tpu.memref_squeeze %dma_wait3A_295 : memref<1x128xi32, #tpu.memory_space<vmem>> -> memref<128xi32, #tpu.memory_space<vmem>>
        %dma_wait3A_297 = arith.constant 0 : i32
        %dma_wait3A_298 = arith.constant 0 : i32
        %dma_wait3A_299 = tpu.memref_slice %arg6[%dma_wait3A_297, %dma_wait3A_298] : memref<10112x128xf32, #tpu.memory_space<vmem_shared>> -> memref<10112x128xf32, #tpu.memory_space<vmem_shared>>
        tpu.wait_indirect_dma semaphore(%run_scoped3A_279 : memref<!tpu.dma_semaphore, #tpu.memory_space<semaphore_mem>>) src(%arg9 : memref<128x128xf32, #tpu.memory_space<vmem>>) dst(%dma_wait3A_299 : memref<10112x128xf32, #tpu.memory_space<vmem_shared>>)
        tpu.yield
      }) : () -> ()
      %dma_start3A_227 = arith.constant 7 : i32
      %dma_start3A_228 = arith.constant 0 : i32
      %dma_start3A_229 = arith.constant 0 : i32
      %dma_start3A_230 = arith.constant 0 : i32
      %dma_start3A_231 = tpu.memref_slice %arg7[%dma_start3A_227, %dma_start3A_229, %dma_start3A_230] : memref<8x2x128xi32, #tpu.memory_space<vmem>> -> memref<1x2x128xi32, #tpu.memory_space<vmem>>
      %dma_start3A_232 = tpu.memref_squeeze %dma_start3A_231 : memref<1x2x128xi32, #tpu.memory_space<vmem>> -> memref<2x128xi32, #tpu.memory_space<vmem>>
      %dma_start3A_233 = arith.constant 0 : i32
      %dma_start3A_234 = tpu.memref_slice %dma_start3A_232[%dma_start3A_228, %dma_start3A_233] : memref<2x128xi32, #tpu.memory_space<vmem>> -> memref<1x128xi32, #tpu.memory_space<vmem>>
      %dma_start3A_235 = tpu.memref_squeeze %dma_start3A_234 : memref<1x128xi32, #tpu.memory_space<vmem>> -> memref<128xi32, #tpu.memory_space<vmem>>
      %dma_start3A_236 = arith.constant 0 : i32
      %dma_start3A_237 = arith.constant 0 : i32
      %dma_start3A_238 = tpu.memref_slice %arg2[%arg0, %dma_start3A_236, %dma_start3A_237] : memref<2x80000x128xf32, #tpu.memory_space<hbm>> -> memref<1x80000x128xf32, #tpu.memory_space<hbm>>
      %dma_start3A_239 = tpu.memref_squeeze %dma_start3A_238 : memref<1x80000x128xf32, #tpu.memory_space<hbm>> -> memref<80000x128xf32, #tpu.memory_space<hbm>>
      %dma_start3A_240 = arith.constant 0 : i32
      %dma_start3A_241 = arith.constant 0 : i32
      %dma_start3A_242 = tpu.memref_slice %dma_start3A_239[%dma_start3A_240, %dma_start3A_241] : memref<80000x128xf32, #tpu.memory_space<hbm>> -> memref<80000x128xf32, #tpu.memory_space<hbm>>
      tpu.enqueue_indirect_dma source(%dma_start3A_242 : memref<80000x128xf32, #tpu.memory_space<hbm>>) target(%arg9 : memref<128x128xf32, #tpu.memory_space<vmem>>) offsets(%dma_start3A_235 : memref<128xi32, #tpu.memory_space<vmem>>) semaphore(%arg11 : memref<!tpu.dma_semaphore, #tpu.memory_space<semaphore_mem>>)
      %dma_wait3A_243 = arith.constant 6 : i32
      %dma_wait3A_244 = arith.constant 0 : i32
      %dma_wait3A_245 = arith.constant 0 : i32
      %dma_wait3A_246 = arith.constant 0 : i32
      %dma_wait3A_247 = tpu.memref_slice %arg7[%dma_wait3A_243, %dma_wait3A_245, %dma_wait3A_246] : memref<8x2x128xi32, #tpu.memory_space<vmem>> -> memref<1x2x128xi32, #tpu.memory_space<vmem>>
      %dma_wait3A_248 = tpu.memref_squeeze %dma_wait3A_247 : memref<1x2x128xi32, #tpu.memory_space<vmem>> -> memref<2x128xi32, #tpu.memory_space<vmem>>
      %dma_wait3A_249 = arith.constant 0 : i32
      %dma_wait3A_250 = tpu.memref_slice %dma_wait3A_248[%dma_wait3A_244, %dma_wait3A_249] : memref<2x128xi32, #tpu.memory_space<vmem>> -> memref<1x128xi32, #tpu.memory_space<vmem>>
      %dma_wait3A_251 = tpu.memref_squeeze %dma_wait3A_250 : memref<1x128xi32, #tpu.memory_space<vmem>> -> memref<128xi32, #tpu.memory_space<vmem>>
      %dma_wait3A_252 = arith.constant 0 : i32
      %dma_wait3A_253 = arith.constant 0 : i32
      %dma_wait3A_254 = tpu.memref_slice %arg2[%arg0, %dma_wait3A_252, %dma_wait3A_253] : memref<2x80000x128xf32, #tpu.memory_space<hbm>> -> memref<1x80000x128xf32, #tpu.memory_space<hbm>>
      %dma_wait3A_255 = tpu.memref_squeeze %dma_wait3A_254 : memref<1x80000x128xf32, #tpu.memory_space<hbm>> -> memref<80000x128xf32, #tpu.memory_space<hbm>>
      %dma_wait3A_256 = arith.constant 0 : i32
      %dma_wait3A_257 = arith.constant 0 : i32
      %dma_wait3A_258 = tpu.memref_slice %dma_wait3A_255[%dma_wait3A_256, %dma_wait3A_257] : memref<80000x128xf32, #tpu.memory_space<hbm>> -> memref<80000x128xf32, #tpu.memory_space<hbm>>
      tpu.wait_indirect_dma semaphore(%arg10 : memref<!tpu.dma_semaphore, #tpu.memory_space<semaphore_mem>>) src(%dma_wait3A_258 : memref<80000x128xf32, #tpu.memory_space<hbm>>) dst(%arg8 : memref<128x128xf32, #tpu.memory_space<vmem>>)
      %run_scoped3A_259 = arith.constant 6 : i32
      %run_scoped3A_260 = arith.constant 1 : i32
      "tpu.region"() ({
        %run_scoped3A_279 = tpu.sem_alloc : memref<!tpu.dma_semaphore, #tpu.memory_space<semaphore_mem>>
        %dma_start3A_280 = arith.constant 0 : i32
        %dma_start3A_281 = arith.constant 0 : i32
        %dma_start3A_282 = tpu.memref_slice %arg7[%run_scoped3A_259, %dma_start3A_280, %dma_start3A_281] : memref<8x2x128xi32, #tpu.memory_space<vmem>> -> memref<1x2x128xi32, #tpu.memory_space<vmem>>
        %dma_start3A_283 = tpu.memref_squeeze %dma_start3A_282 : memref<1x2x128xi32, #tpu.memory_space<vmem>> -> memref<2x128xi32, #tpu.memory_space<vmem>>
        %dma_start3A_284 = arith.constant 0 : i32
        %dma_start3A_285 = tpu.memref_slice %dma_start3A_283[%run_scoped3A_260, %dma_start3A_284] : memref<2x128xi32, #tpu.memory_space<vmem>> -> memref<1x128xi32, #tpu.memory_space<vmem>>
        %dma_start3A_286 = tpu.memref_squeeze %dma_start3A_285 : memref<1x128xi32, #tpu.memory_space<vmem>> -> memref<128xi32, #tpu.memory_space<vmem>>
        %dma_start3A_287 = arith.constant 0 : i32
        %dma_start3A_288 = arith.constant 0 : i32
        %dma_start3A_289 = tpu.memref_slice %arg6[%dma_start3A_287, %dma_start3A_288] : memref<10112x128xf32, #tpu.memory_space<vmem_shared>> -> memref<10112x128xf32, #tpu.memory_space<vmem_shared>>
        tpu.enqueue_indirect_dma source(%arg8 : memref<128x128xf32, #tpu.memory_space<vmem>>) target(%dma_start3A_289 : memref<10112x128xf32, #tpu.memory_space<vmem_shared>>) offsets(%dma_start3A_286 : memref<128xi32, #tpu.memory_space<vmem>>) semaphore(%run_scoped3A_279 : memref<!tpu.dma_semaphore, #tpu.memory_space<semaphore_mem>>) {add = true}
        %dma_wait3A_290 = arith.constant 0 : i32
        %dma_wait3A_291 = arith.constant 0 : i32
        %dma_wait3A_292 = tpu.memref_slice %arg7[%run_scoped3A_259, %dma_wait3A_290, %dma_wait3A_291] : memref<8x2x128xi32, #tpu.memory_space<vmem>> -> memref<1x2x128xi32, #tpu.memory_space<vmem>>
        %dma_wait3A_293 = tpu.memref_squeeze %dma_wait3A_292 : memref<1x2x128xi32, #tpu.memory_space<vmem>> -> memref<2x128xi32, #tpu.memory_space<vmem>>
        %dma_wait3A_294 = arith.constant 0 : i32
        %dma_wait3A_295 = tpu.memref_slice %dma_wait3A_293[%run_scoped3A_260, %dma_wait3A_294] : memref<2x128xi32, #tpu.memory_space<vmem>> -> memref<1x128xi32, #tpu.memory_space<vmem>>
        %dma_wait3A_296 = tpu.memref_squeeze %dma_wait3A_295 : memref<1x128xi32, #tpu.memory_space<vmem>> -> memref<128xi32, #tpu.memory_space<vmem>>
        %dma_wait3A_297 = arith.constant 0 : i32
        %dma_wait3A_298 = arith.constant 0 : i32
        %dma_wait3A_299 = tpu.memref_slice %arg6[%dma_wait3A_297, %dma_wait3A_298] : memref<10112x128xf32, #tpu.memory_space<vmem_shared>> -> memref<10112x128xf32, #tpu.memory_space<vmem_shared>>
        tpu.wait_indirect_dma semaphore(%run_scoped3A_279 : memref<!tpu.dma_semaphore, #tpu.memory_space<semaphore_mem>>) src(%arg8 : memref<128x128xf32, #tpu.memory_space<vmem>>) dst(%dma_wait3A_299 : memref<10112x128xf32, #tpu.memory_space<vmem_shared>>)
        tpu.yield
      }) : () -> ()
      %dma_wait3A_261 = arith.constant 7 : i32
      %dma_wait3A_262 = arith.constant 0 : i32
      %dma_wait3A_263 = arith.constant 0 : i32
      %dma_wait3A_264 = arith.constant 0 : i32
      %dma_wait3A_265 = tpu.memref_slice %arg7[%dma_wait3A_261, %dma_wait3A_263, %dma_wait3A_264] : memref<8x2x128xi32, #tpu.memory_space<vmem>> -> memref<1x2x128xi32, #tpu.memory_space<vmem>>
      %dma_wait3A_266 = tpu.memref_squeeze %dma_wait3A_265 : memref<1x2x128xi32, #tpu.memory_space<vmem>> -> memref<2x128xi32, #tpu.memory_space<vmem>>
      %dma_wait3A_267 = arith.constant 0 : i32
      %dma_wait3A_268 = tpu.memref_slice %dma_wait3A_266[%dma_wait3A_262, %dma_wait3A_267] : memref<2x128xi32, #tpu.memory_space<vmem>> -> memref<1x128xi32, #tpu.memory_space<vmem>>
      %dma_wait3A_269 = tpu.memref_squeeze %dma_wait3A_268 : memref<1x128xi32, #tpu.memory_space<vmem>> -> memref<128xi32, #tpu.memory_space<vmem>>
      %dma_wait3A_270 = arith.constant 0 : i32
      %dma_wait3A_271 = arith.constant 0 : i32
      %dma_wait3A_272 = tpu.memref_slice %arg2[%arg0, %dma_wait3A_270, %dma_wait3A_271] : memref<2x80000x128xf32, #tpu.memory_space<hbm>> -> memref<1x80000x128xf32, #tpu.memory_space<hbm>>
      %dma_wait3A_273 = tpu.memref_squeeze %dma_wait3A_272 : memref<1x80000x128xf32, #tpu.memory_space<hbm>> -> memref<80000x128xf32, #tpu.memory_space<hbm>>
      %dma_wait3A_274 = arith.constant 0 : i32
      %dma_wait3A_275 = arith.constant 0 : i32
      %dma_wait3A_276 = tpu.memref_slice %dma_wait3A_273[%dma_wait3A_274, %dma_wait3A_275] : memref<80000x128xf32, #tpu.memory_space<hbm>> -> memref<80000x128xf32, #tpu.memory_space<hbm>>
      tpu.wait_indirect_dma semaphore(%arg11 : memref<!tpu.dma_semaphore, #tpu.memory_space<semaphore_mem>>) src(%dma_wait3A_276 : memref<80000x128xf32, #tpu.memory_space<hbm>>) dst(%arg9 : memref<128x128xf32, #tpu.memory_space<vmem>>)
      %run_scoped3A_277 = arith.constant 7 : i32
      %run_scoped3A_278 = arith.constant 1 : i32
      "tpu.region"() ({
        %run_scoped3A_279 = tpu.sem_alloc : memref<!tpu.dma_semaphore, #tpu.memory_space<semaphore_mem>>
        %dma_start3A_280 = arith.constant 0 : i32
        %dma_start3A_281 = arith.constant 0 : i32
        %dma_start3A_282 = tpu.memref_slice %arg7[%run_scoped3A_277, %dma_start3A_280, %dma_start3A_281] : memref<8x2x128xi32, #tpu.memory_space<vmem>> -> memref<1x2x128xi32, #tpu.memory_space<vmem>>
        %dma_start3A_283 = tpu.memref_squeeze %dma_start3A_282 : memref<1x2x128xi32, #tpu.memory_space<vmem>> -> memref<2x128xi32, #tpu.memory_space<vmem>>
        %dma_start3A_284 = arith.constant 0 : i32
        %dma_start3A_285 = tpu.memref_slice %dma_start3A_283[%run_scoped3A_278, %dma_start3A_284] : memref<2x128xi32, #tpu.memory_space<vmem>> -> memref<1x128xi32, #tpu.memory_space<vmem>>
        %dma_start3A_286 = tpu.memref_squeeze %dma_start3A_285 : memref<1x128xi32, #tpu.memory_space<vmem>> -> memref<128xi32, #tpu.memory_space<vmem>>
        %dma_start3A_287 = arith.constant 0 : i32
        %dma_start3A_288 = arith.constant 0 : i32
        %dma_start3A_289 = tpu.memref_slice %arg6[%dma_start3A_287, %dma_start3A_288] : memref<10112x128xf32, #tpu.memory_space<vmem_shared>> -> memref<10112x128xf32, #tpu.memory_space<vmem_shared>>
        tpu.enqueue_indirect_dma source(%arg9 : memref<128x128xf32, #tpu.memory_space<vmem>>) target(%dma_start3A_289 : memref<10112x128xf32, #tpu.memory_space<vmem_shared>>) offsets(%dma_start3A_286 : memref<128xi32, #tpu.memory_space<vmem>>) semaphore(%run_scoped3A_279 : memref<!tpu.dma_semaphore, #tpu.memory_space<semaphore_mem>>) {add = true}
        %dma_wait3A_290 = arith.constant 0 : i32
        %dma_wait3A_291 = arith.constant 0 : i32
        %dma_wait3A_292 = tpu.memref_slice %arg7[%run_scoped3A_277, %dma_wait3A_290, %dma_wait3A_291] : memref<8x2x128xi32, #tpu.memory_space<vmem>> -> memref<1x2x128xi32, #tpu.memory_space<vmem>>
        %dma_wait3A_293 = tpu.memref_squeeze %dma_wait3A_292 : memref<1x2x128xi32, #tpu.memory_space<vmem>> -> memref<2x128xi32, #tpu.memory_space<vmem>>
        %dma_wait3A_294 = arith.constant 0 : i32
        %dma_wait3A_295 = tpu.memref_slice %dma_wait3A_293[%run_scoped3A_278, %dma_wait3A_294] : memref<2x128xi32, #tpu.memory_space<vmem>> -> memref<1x128xi32, #tpu.memory_space<vmem>>
        %dma_wait3A_296 = tpu.memref_squeeze %dma_wait3A_295 : memref<1x128xi32, #tpu.memory_space<vmem>> -> memref<128xi32, #tpu.memory_space<vmem>>
        %dma_wait3A_297 = arith.constant 0 : i32
        %dma_wait3A_298 = arith.constant 0 : i32
        %dma_wait3A_299 = tpu.memref_slice %arg6[%dma_wait3A_297, %dma_wait3A_298] : memref<10112x128xf32, #tpu.memory_space<vmem_shared>> -> memref<10112x128xf32, #tpu.memory_space<vmem_shared>>
        tpu.wait_indirect_dma semaphore(%run_scoped3A_279 : memref<!tpu.dma_semaphore, #tpu.memory_space<semaphore_mem>>) src(%arg9 : memref<128x128xf32, #tpu.memory_space<vmem>>) dst(%dma_wait3A_299 : memref<10112x128xf32, #tpu.memory_space<vmem_shared>>)
        tpu.yield
      }) : () -> ()
    }
    %scan3A_5 = arith.constant 10 : i32
    %barrier3A_6 = arith.constant 0 : index
    tpu.barrier barrier_id(%barrier3A_6)
    "tpu.region"() ({
      %run_scoped3A = tpu.sem_alloc : memref<!tpu.dma_semaphore, #tpu.memory_space<semaphore_mem>>
      %dma_start3A = arith.constant 0 : i32
      %dma_start3A_7 = arith.constant 0 : i32
      %dma_start3A_8 = tpu.memref_slice %arg5[%arg0, %dma_start3A, %dma_start3A_7] : memref<2x10112x128xf32, #tpu.memory_space<hbm>> -> memref<1x10112x128xf32, #tpu.memory_space<hbm>>
      %dma_start3A_9 = tpu.memref_squeeze %dma_start3A_8 : memref<1x10112x128xf32, #tpu.memory_space<hbm>> -> memref<10112x128xf32, #tpu.memory_space<hbm>>
      %dma_start3A_10 = arith.constant 0 : i32
      %dma_start3A_11 = tpu.memref_slice %dma_start3A_9[%mul3A_0, %dma_start3A_10] : memref<10112x128xf32, #tpu.memory_space<hbm>> -> memref<632x128xf32, #tpu.memory_space<hbm>>
      %dma_start3A_12 = arith.constant 0 : i32
      %dma_start3A_13 = tpu.memref_slice %arg6[%mul3A_0, %dma_start3A_12] : memref<10112x128xf32, #tpu.memory_space<vmem_shared>> -> memref<632x128xf32, #tpu.memory_space<vmem_shared>>
      tpu.enqueue_dma source(%dma_start3A_13 : memref<632x128xf32, #tpu.memory_space<vmem_shared>>) target(%dma_start3A_11 : memref<632x128xf32, #tpu.memory_space<hbm>>) target_semaphore(%run_scoped3A : memref<!tpu.dma_semaphore, #tpu.memory_space<semaphore_mem>>)
      %dma_wait3A = arith.constant 0 : i32
      %dma_wait3A_14 = arith.constant 0 : i32
      %dma_wait3A_15 = tpu.memref_slice %arg5[%arg0, %dma_wait3A, %dma_wait3A_14] : memref<2x10112x128xf32, #tpu.memory_space<hbm>> -> memref<1x10112x128xf32, #tpu.memory_space<hbm>>
      %dma_wait3A_16 = tpu.memref_squeeze %dma_wait3A_15 : memref<1x10112x128xf32, #tpu.memory_space<hbm>> -> memref<10112x128xf32, #tpu.memory_space<hbm>>
      %dma_wait3A_17 = arith.constant 0 : i32
      %dma_wait3A_18 = tpu.memref_slice %dma_wait3A_16[%mul3A_0, %dma_wait3A_17] : memref<10112x128xf32, #tpu.memory_space<hbm>> -> memref<632x128xf32, #tpu.memory_space<hbm>>
      %dma_wait3A_19 = arith.constant 0 : i32
      %dma_wait3A_20 = tpu.memref_slice %arg6[%mul3A_0, %dma_wait3A_19] : memref<10112x128xf32, #tpu.memory_space<vmem_shared>> -> memref<632x128xf32, #tpu.memory_space<vmem_shared>>
      tpu.wait_dma2 semaphore(%run_scoped3A : memref<!tpu.dma_semaphore, #tpu.memory_space<semaphore_mem>>) src(%dma_wait3A_20 : memref<632x128xf32, #tpu.memory_space<vmem_shared>>) dst(%dma_wait3A_18 : memref<632x128xf32, #tpu.memory_space<hbm>>)
      tpu.yield
    }) : () -> ()
    return
  }
}

#map = affine_map<(d0, d1) -> (0, 0, 0)>
#map1 = affine_map<(d0, d1) -> (0, 0, 0, 0)>
#map2 = affine_map<(d0, d1) -> (0, 0)>
module attributes {stable_mosaic.version = 14 : i64} {
  func.func @body(%arg0: i32, %arg1: i32, %arg2: memref<2x80000x128xf32, #tpu.memory_space<hbm>>, %arg3: memref<16x80x2x128xi32, #tpu.memory_space<hbm>>, %arg4: memref<10112x128xf32, #tpu.memory_space<hbm>>, %arg5: memref<2x10112x128xf32, #tpu.memory_space<hbm>>, %arg6: memref<10112x128xf32, #tpu.memory_space<vmem_shared>>, %arg7: memref<8x2x128xi32, #tpu.memory_space<vmem>>, %arg8: memref<128x128xf32, #tpu.memory_space<vmem>>, %arg9: memref<128x128xf32, #tpu.memory_space<vmem>>, %arg10: memref<!tpu.dma_semaphore, #tpu.memory_space<semaphore_mem>>, %arg11: memref<!tpu.dma_semaphore, #tpu.memory_space<semaphore_mem>>) attributes {dimension_semantics = [#tpu.dimension_semantics<core_parallel>, #tpu.dimension_semantics<subcore_parallel>], iteration_bounds = array<i64: 2, 16>, scalar_prefetch = 0 : i64, scratch_operands = 6 : i64, tpu.core_type = #tpu.core_type<sc_vector_subcore>, window_params = [{transform_indices = #map}, {transform_indices = #map1}, {transform_indices = #map2}, {transform_indices = #map}]} {
    %mul3A = arith.constant 632 : i32
    %mul3A_0 = arith.muli %arg1, %mul3A : i32
    "tpu.region"() ({
      %run_scoped3A = tpu.sem_alloc : memref<!tpu.dma_semaphore, #tpu.memory_space<semaphore_mem>>
      %dma_start3A = arith.constant 0 : i32
      %dma_start3A_7 = tpu.memref_slice %arg6[%mul3A_0, %dma_start3A] : memref<10112x128xf32, #tpu.memory_space<vmem_shared>> -> memref<632x128xf32, #tpu.memory_space<vmem_shared>>
      %dma_start3A_8 = arith.constant 0 : i32
      %dma_start3A_9 = tpu.memref_slice %arg4[%mul3A_0, %dma_start3A_8] : memref<10112x128xf32, #tpu.memory_space<hbm>> -> memref<632x128xf32, #tpu.memory_space<hbm>>
      tpu.enqueue_dma source(%dma_start3A_9 : memref<632x128xf32, #tpu.memory_space<hbm>>) target(%dma_start3A_7 : memref<632x128xf32, #tpu.memory_space<vmem_shared>>) target_semaphore(%run_scoped3A : memref<!tpu.dma_semaphore, #tpu.memory_space<semaphore_mem>>)
      %dma_wait3A = arith.constant 0 : i32
      %dma_wait3A_10 = tpu.memref_slice %arg6[%mul3A_0, %dma_wait3A] : memref<10112x128xf32, #tpu.memory_space<vmem_shared>> -> memref<632x128xf32, #tpu.memory_space<vmem_shared>>
      %dma_wait3A_11 = arith.constant 0 : i32
      %dma_wait3A_12 = tpu.memref_slice %arg4[%mul3A_0, %dma_wait3A_11] : memref<10112x128xf32, #tpu.memory_space<hbm>> -> memref<632x128xf32, #tpu.memory_space<hbm>>
      tpu.wait_dma2 semaphore(%run_scoped3A : memref<!tpu.dma_semaphore, #tpu.memory_space<semaphore_mem>>) src(%dma_wait3A_12 : memref<632x128xf32, #tpu.memory_space<hbm>>) dst(%dma_wait3A_10 : memref<632x128xf32, #tpu.memory_space<vmem_shared>>)
      tpu.yield
    }) : () -> ()
    %barrier3A = arith.constant 0 : index
    tpu.barrier barrier_id(%barrier3A)
    %scan3A = arith.constant 0 : i32
    %scan3A_1 = arith.constant 0 : i32
    %scan3A_2 = arith.constant 10 : i32
    %scan3A_3 = arith.addi %scan3A_1, %scan3A_2 : i32
    %scan3A_4 = arith.constant 1 : i32
    scf.for %scan3A_7 = %scan3A_1 to %scan3A_3 step %scan3A_4  : i32 {
      %mul3A_8 = arith.constant 8 : i32
      %mul3A_9 = arith.muli %mul3A_8, %scan3A_7 : i32
      "tpu.region"() ({
        %run_scoped3A_279 = tpu.sem_alloc : memref<!tpu.dma_semaphore, #tpu.memory_space<semaphore_mem>>
        %dma_start3A_280 = arith.constant 0 : i32
        %dma_start3A_281 = arith.constant 0 : i32
        %dma_start3A_282 = arith.constant 0 : i32
        %dma_start3A_283 = tpu.memref_slice %arg3[%arg1, %dma_start3A_280, %dma_start3A_281, %dma_start3A_282] : memref<16x80x2x128xi32, #tpu.memory_space<hbm>> -> memref<1x80x2x128xi32, #tpu.memory_space<hbm>>
        %dma_start3A_284 = tpu.memref_squeeze %dma_start3A_283 : memref<1x80x2x128xi32, #tpu.memory_space<hbm>> -> memref<80x2x128xi32, #tpu.memory_space<hbm>>
        %dma_start3A_285 = arith.constant 0 : i32
        %dma_start3A_286 = arith.constant 0 : i32
        %dma_start3A_287 = tpu.memref_slice %dma_start3A_284[%mul3A_9, %dma_start3A_285, %dma_start3A_286] : memref<80x2x128xi32, #tpu.memory_space<hbm>> -> memref<8x2x128xi32, #tpu.memory_space<hbm>>
        %dma_start3A_288 = arith.constant 0 : i32
        %dma_start3A_289 = arith.constant 0 : i32
        %dma_start3A_290 = arith.constant 0 : i32
        %dma_start3A_291 = tpu.memref_slice %arg3[%arg1, %dma_start3A_288, %dma_start3A_289, %dma_start3A_290] : memref<16x80x2x128xi32, #tpu.memory_space<hbm>> -> memref<1x80x2x128xi32, #tpu.memory_space<hbm>>
        %dma_start3A_292 = tpu.memref_squeeze %dma_start3A_291 : memref<1x80x2x128xi32, #tpu.memory_space<hbm>> -> memref<80x2x128xi32, #tpu.memory_space<hbm>>
        %dma_start3A_293 = arith.constant 0 : i32
        %dma_start3A_294 = arith.constant 0 : i32
        %dma_start3A_295 = tpu.memref_slice %dma_start3A_292[%mul3A_9, %dma_start3A_293, %dma_start3A_294] : memref<80x2x128xi32, #tpu.memory_space<hbm>> -> memref<8x2x128xi32, #tpu.memory_space<hbm>>
        tpu.enqueue_dma source(%dma_start3A_295 : memref<8x2x128xi32, #tpu.memory_space<hbm>>) target(%arg7 : memref<8x2x128xi32, #tpu.memory_space<vmem>>) target_semaphore(%run_scoped3A_279 : memref<!tpu.dma_semaphore, #tpu.memory_space<semaphore_mem>>)
        %dma_wait3A_296 = arith.constant 0 : i32
        %dma_wait3A_297 = arith.constant 0 : i32
        %dma_wait3A_298 = arith.constant 0 : i32
        %dma_wait3A_299 = tpu.memref_slice %arg3[%arg1, %dma_wait3A_296, %dma_wait3A_297, %dma_wait3A_298] : memref<16x80x2x128xi32, #tpu.memory_space<hbm>> -> memref<1x80x2x128xi32, #tpu.memory_space<hbm>>
        %dma_wait3A_300 = tpu.memref_squeeze %dma_wait3A_299 : memref<1x80x2x128xi32, #tpu.memory_space<hbm>> -> memref<80x2x128xi32, #tpu.memory_space<hbm>>
        %dma_wait3A_301 = arith.constant 0 : i32
        %dma_wait3A_302 = arith.constant 0 : i32
        %dma_wait3A_303 = tpu.memref_slice %dma_wait3A_300[%mul3A_9, %dma_wait3A_301, %dma_wait3A_302] : memref<80x2x128xi32, #tpu.memory_space<hbm>> -> memref<8x2x128xi32, #tpu.memory_space<hbm>>
        %dma_wait3A_304 = arith.constant 0 : i32
        %dma_wait3A_305 = arith.constant 0 : i32
        %dma_wait3A_306 = arith.constant 0 : i32
        %dma_wait3A_307 = tpu.memref_slice %arg3[%arg1, %dma_wait3A_304, %dma_wait3A_305, %dma_wait3A_306] : memref<16x80x2x128xi32, #tpu.memory_space<hbm>> -> memref<1x80x2x128xi32, #tpu.memory_space<hbm>>
        %dma_wait3A_308 = tpu.memref_squeeze %dma_wait3A_307 : memref<1x80x2x128xi32, #tpu.memory_space<hbm>> -> memref<80x2x128xi32, #tpu.memory_space<hbm>>
        %dma_wait3A_309 = arith.constant 0 : i32
        %dma_wait3A_310 = arith.constant 0 : i32
        %dma_wait3A_311 = tpu.memref_slice %dma_wait3A_308[%mul3A_9, %dma_wait3A_309, %dma_wait3A_310] : memref<80x2x128xi32, #tpu.memory_space<hbm>> -> memref<8x2x128xi32, #tpu.memory_space<hbm>>
        tpu.wait_dma2 semaphore(%run_scoped3A_279 : memref<!tpu.dma_semaphore, #tpu.memory_space<semaphore_mem>>) src(%dma_wait3A_311 : memref<8x2x128xi32, #tpu.memory_space<hbm>>) dst(%arg7 : memref<8x2x128xi32, #tpu.memory_space<vmem>>)
        tpu.yield
      }) : () -> ()
      %dma_start3A = arith.constant 0 : i32
      %dma_start3A_10 = arith.constant 0 : i32
      %dma_start3A_11 = arith.constant 0 : i32
      %dma_start3A_12 = arith.constant 0 : i32
      %dma_start3A_13 = tpu.memref_slice %arg7[%dma_start3A, %dma_start3A_11, %dma_start3A_12] : memref<8x2x128xi32, #tpu.memory_space<vmem>> -> memref<1x2x128xi32, #tpu.memory_space<vmem>>
      %dma_start3A_14 = tpu.memref_squeeze %dma_start3A_13 : memref<1x2x128xi32, #tpu.memory_space<vmem>> -> memref<2x128xi32, #tpu.memory_space<vmem>>
      %dma_start3A_15 = arith.constant 0 : i32
      %dma_start3A_16 = tpu.memref_slice %dma_start3A_14[%dma_start3A_10, %dma_start3A_15] : memref<2x128xi32, #tpu.memory_space<vmem>> -> memref<1x128xi32, #tpu.memory_space<vmem>>
      %dma_start3A_17 = tpu.memref_squeeze %dma_start3A_16 : memref<1x128xi32, #tpu.memory_space<vmem>> -> memref<128xi32, #tpu.memory_space<vmem>>
      %dma_start3A_18 = arith.constant 0 : i32
      %dma_start3A_19 = arith.constant 0 : i32
      %dma_start3A_20 = tpu.memref_slice %arg2[%arg0, %dma_start3A_18, %dma_start3A_19] : memref<2x80000x128xf32, #tpu.memory_space<hbm>> -> memref<1x80000x128xf32, #tpu.memory_space<hbm>>
      %dma_start3A_21 = tpu.memref_squeeze %dma_start3A_20 : memref<1x80000x128xf32, #tpu.memory_space<hbm>> -> memref<80000x128xf32, #tpu.memory_space<hbm>>
      %dma_start3A_22 = arith.constant 0 : i32
      %dma_start3A_23 = arith.constant 0 : i32
      %dma_start3A_24 = tpu.memref_slice %dma_start3A_21[%dma_start3A_22, %dma_start3A_23] : memref<80000x128xf32, #tpu.memory_space<hbm>> -> memref<80000x128xf32, #tpu.memory_space<hbm>>
      tpu.enqueue_indirect_dma source(%dma_start3A_24 : memref<80000x128xf32, #tpu.memory_space<hbm>>) target(%arg8 : memref<128x128xf32, #tpu.memory_space<vmem>>) offsets(%dma_start3A_17 : memref<128xi32, #tpu.memory_space<vmem>>) semaphore(%arg10 : memref<!tpu.dma_semaphore, #tpu.memory_space<semaphore_mem>>)
      %dma_start3A_25 = arith.constant 1 : i32
      %dma_start3A_26 = arith.constant 0 : i32
      %dma_start3A_27 = arith.constant 0 : i32
      %dma_start3A_28 = arith.constant 0 : i32
      %dma_start3A_29 = tpu.memref_slice %arg7[%dma_start3A_25, %dma_start3A_27, %dma_start3A_28] : memref<8x2x128xi32, #tpu.memory_space<vmem>> -> memref<1x2x128xi32, #tpu.memory_space<vmem>>
      %dma_start3A_30 = tpu.memref_squeeze %dma_start3A_29 : memref<1x2x128xi32, #tpu.memory_space<vmem>> -> memref<2x128xi32, #tpu.memory_space<vmem>>
      %dma_start3A_31 = arith.constant 0 : i32
      %dma_start3A_32 = tpu.memref_slice %dma_start3A_30[%dma_start3A_26, %dma_start3A_31] : memref<2x128xi32, #tpu.memory_space<vmem>> -> memref<1x128xi32, #tpu.memory_space<vmem>>
      %dma_start3A_33 = tpu.memref_squeeze %dma_start3A_32 : memref<1x128xi32, #tpu.memory_space<vmem>> -> memref<128xi32, #tpu.memory_space<vmem>>
      %dma_start3A_34 = arith.constant 0 : i32
      %dma_start3A_35 = arith.constant 0 : i32
      %dma_start3A_36 = tpu.memref_slice %arg2[%arg0, %dma_start3A_34, %dma_start3A_35] : memref<2x80000x128xf32, #tpu.memory_space<hbm>> -> memref<1x80000x128xf32, #tpu.memory_space<hbm>>
      %dma_start3A_37 = tpu.memref_squeeze %dma_start3A_36 : memref<1x80000x128xf32, #tpu.memory_space<hbm>> -> memref<80000x128xf32, #tpu.memory_space<hbm>>
      %dma_start3A_38 = arith.constant 0 : i32
      %dma_start3A_39 = arith.constant 0 : i32
      %dma_start3A_40 = tpu.memref_slice %dma_start3A_37[%dma_start3A_38, %dma_start3A_39] : memref<80000x128xf32, #tpu.memory_space<hbm>> -> memref<80000x128xf32, #tpu.memory_space<hbm>>
      tpu.enqueue_indirect_dma source(%dma_start3A_40 : memref<80000x128xf32, #tpu.memory_space<hbm>>) target(%arg9 : memref<128x128xf32, #tpu.memory_space<vmem>>) offsets(%dma_start3A_33 : memref<128xi32, #tpu.memory_space<vmem>>) semaphore(%arg11 : memref<!tpu.dma_semaphore, #tpu.memory_space<semaphore_mem>>)
      %dma_wait3A = arith.constant 0 : i32
      %dma_wait3A_41 = arith.constant 0 : i32
      %dma_wait3A_42 = arith.constant 0 : i32
      %dma_wait3A_43 = arith.constant 0 : i32
      %dma_wait3A_44 = tpu.memref_slice %arg7[%dma_wait3A, %dma_wait3A_42, %dma_wait3A_43] : memref<8x2x128xi32, #tpu.memory_space<vmem>> -> memref<1x2x128xi32, #tpu.memory_space<vmem>>
      %dma_wait3A_45 = tpu.memref_squeeze %dma_wait3A_44 : memref<1x2x128xi32, #tpu.memory_space<vmem>> -> memref<2x128xi32, #tpu.memory_space<vmem>>
      %dma_wait3A_46 = arith.constant 0 : i32
      %dma_wait3A_47 = tpu.memref_slice %dma_wait3A_45[%dma_wait3A_41, %dma_wait3A_46] : memref<2x128xi32, #tpu.memory_space<vmem>> -> memref<1x128xi32, #tpu.memory_space<vmem>>
      %dma_wait3A_48 = tpu.memref_squeeze %dma_wait3A_47 : memref<1x128xi32, #tpu.memory_space<vmem>> -> memref<128xi32, #tpu.memory_space<vmem>>
      %dma_wait3A_49 = arith.constant 0 : i32
      %dma_wait3A_50 = arith.constant 0 : i32
      %dma_wait3A_51 = tpu.memref_slice %arg2[%arg0, %dma_wait3A_49, %dma_wait3A_50] : memref<2x80000x128xf32, #tpu.memory_space<hbm>> -> memref<1x80000x128xf32, #tpu.memory_space<hbm>>
      %dma_wait3A_52 = tpu.memref_squeeze %dma_wait3A_51 : memref<1x80000x128xf32, #tpu.memory_space<hbm>> -> memref<80000x128xf32, #tpu.memory_space<hbm>>
      %dma_wait3A_53 = arith.constant 0 : i32
      %dma_wait3A_54 = arith.constant 0 : i32
      %dma_wait3A_55 = tpu.memref_slice %dma_wait3A_52[%dma_wait3A_53, %dma_wait3A_54] : memref<80000x128xf32, #tpu.memory_space<hbm>> -> memref<80000x128xf32, #tpu.memory_space<hbm>>
      tpu.wait_indirect_dma semaphore(%arg10 : memref<!tpu.dma_semaphore, #tpu.memory_space<semaphore_mem>>) src(%dma_wait3A_55 : memref<80000x128xf32, #tpu.memory_space<hbm>>) dst(%arg8 : memref<128x128xf32, #tpu.memory_space<vmem>>)
      %run_scoped3A = arith.constant 0 : i32
      %run_scoped3A_56 = arith.constant 1 : i32
      "tpu.region"() ({
        %run_scoped3A_279 = tpu.sem_alloc : memref<!tpu.dma_semaphore, #tpu.memory_space<semaphore_mem>>
        %dma_start3A_280 = arith.constant 0 : i32
        %dma_start3A_281 = arith.constant 0 : i32
        %dma_start3A_282 = tpu.memref_slice %arg7[%run_scoped3A, %dma_start3A_280, %dma_start3A_281] : memref<8x2x128xi32, #tpu.memory_space<vmem>> -> memref<1x2x128xi32, #tpu.memory_space<vmem>>
        %dma_start3A_283 = tpu.memref_squeeze %dma_start3A_282 : memref<1x2x128xi32, #tpu.memory_space<vmem>> -> memref<2x128xi32, #tpu.memory_space<vmem>>
        %dma_start3A_284 = arith.constant 0 : i32
        %dma_start3A_285 = tpu.memref_slice %dma_start3A_283[%run_scoped3A_56, %dma_start3A_284] : memref<2x128xi32, #tpu.memory_space<vmem>> -> memref<1x128xi32, #tpu.memory_space<vmem>>
        %dma_start3A_286 = tpu.memref_squeeze %dma_start3A_285 : memref<1x128xi32, #tpu.memory_space<vmem>> -> memref<128xi32, #tpu.memory_space<vmem>>
        %dma_start3A_287 = arith.constant 0 : i32
        %dma_start3A_288 = arith.constant 0 : i32
        %dma_start3A_289 = tpu.memref_slice %arg6[%dma_start3A_287, %dma_start3A_288] : memref<10112x128xf32, #tpu.memory_space<vmem_shared>> -> memref<10112x128xf32, #tpu.memory_space<vmem_shared>>
        tpu.enqueue_indirect_dma source(%arg8 : memref<128x128xf32, #tpu.memory_space<vmem>>) target(%dma_start3A_289 : memref<10112x128xf32, #tpu.memory_space<vmem_shared>>) offsets(%dma_start3A_286 : memref<128xi32, #tpu.memory_space<vmem>>) semaphore(%run_scoped3A_279 : memref<!tpu.dma_semaphore, #tpu.memory_space<semaphore_mem>>) {add = true}
        %dma_wait3A_290 = arith.constant 0 : i32
        %dma_wait3A_291 = arith.constant 0 : i32
        %dma_wait3A_292 = tpu.memref_slice %arg7[%run_scoped3A, %dma_wait3A_290, %dma_wait3A_291] : memref<8x2x128xi32, #tpu.memory_space<vmem>> -> memref<1x2x128xi32, #tpu.memory_space<vmem>>
        %dma_wait3A_293 = tpu.memref_squeeze %dma_wait3A_292 : memref<1x2x128xi32, #tpu.memory_space<vmem>> -> memref<2x128xi32, #tpu.memory_space<vmem>>
        %dma_wait3A_294 = arith.constant 0 : i32
        %dma_wait3A_295 = tpu.memref_slice %dma_wait3A_293[%run_scoped3A_56, %dma_wait3A_294] : memref<2x128xi32, #tpu.memory_space<vmem>> -> memref<1x128xi32, #tpu.memory_space<vmem>>
        %dma_wait3A_296 = tpu.memref_squeeze %dma_wait3A_295 : memref<1x128xi32, #tpu.memory_space<vmem>> -> memref<128xi32, #tpu.memory_space<vmem>>
        %dma_wait3A_297 = arith.constant 0 : i32
        %dma_wait3A_298 = arith.constant 0 : i32
        %dma_wait3A_299 = tpu.memref_slice %arg6[%dma_wait3A_297, %dma_wait3A_298] : memref<10112x128xf32, #tpu.memory_space<vmem_shared>> -> memref<10112x128xf32, #tpu.memory_space<vmem_shared>>
        tpu.wait_indirect_dma semaphore(%run_scoped3A_279 : memref<!tpu.dma_semaphore, #tpu.memory_space<semaphore_mem>>) src(%arg8 : memref<128x128xf32, #tpu.memory_space<vmem>>) dst(%dma_wait3A_299 : memref<10112x128xf32, #tpu.memory_space<vmem_shared>>)
        tpu.yield
      }) : () -> ()
      %dma_start3A_57 = arith.constant 2 : i32
      %dma_start3A_58 = arith.constant 0 : i32
      %dma_start3A_59 = arith.constant 0 : i32
      %dma_start3A_60 = arith.constant 0 : i32
      %dma_start3A_61 = tpu.memref_slice %arg7[%dma_start3A_57, %dma_start3A_59, %dma_start3A_60] : memref<8x2x128xi32, #tpu.memory_space<vmem>> -> memref<1x2x128xi32, #tpu.memory_space<vmem>>
      %dma_start3A_62 = tpu.memref_squeeze %dma_start3A_61 : memref<1x2x128xi32, #tpu.memory_space<vmem>> -> memref<2x128xi32, #tpu.memory_space<vmem>>
      %dma_start3A_63 = arith.constant 0 : i32
      %dma_start3A_64 = tpu.memref_slice %dma_start3A_62[%dma_start3A_58, %dma_start3A_63] : memref<2x128xi32, #tpu.memory_space<vmem>> -> memref<1x128xi32, #tpu.memory_space<vmem>>
      %dma_start3A_65 = tpu.memref_squeeze %dma_start3A_64 : memref<1x128xi32, #tpu.memory_space<vmem>> -> memref<128xi32, #tpu.memory_space<vmem>>
      %dma_start3A_66 = arith.constant 0 : i32
      %dma_start3A_67 = arith.constant 0 : i32
      %dma_start3A_68 = tpu.memref_slice %arg2[%arg0, %dma_start3A_66, %dma_start3A_67] : memref<2x80000x128xf32, #tpu.memory_space<hbm>> -> memref<1x80000x128xf32, #tpu.memory_space<hbm>>
      %dma_start3A_69 = tpu.memref_squeeze %dma_start3A_68 : memref<1x80000x128xf32, #tpu.memory_space<hbm>> -> memref<80000x128xf32, #tpu.memory_space<hbm>>
      %dma_start3A_70 = arith.constant 0 : i32
      %dma_start3A_71 = arith.constant 0 : i32
      %dma_start3A_72 = tpu.memref_slice %dma_start3A_69[%dma_start3A_70, %dma_start3A_71] : memref<80000x128xf32, #tpu.memory_space<hbm>> -> memref<80000x128xf32, #tpu.memory_space<hbm>>
      tpu.enqueue_indirect_dma source(%dma_start3A_72 : memref<80000x128xf32, #tpu.memory_space<hbm>>) target(%arg8 : memref<128x128xf32, #tpu.memory_space<vmem>>) offsets(%dma_start3A_65 : memref<128xi32, #tpu.memory_space<vmem>>) semaphore(%arg10 : memref<!tpu.dma_semaphore, #tpu.memory_space<semaphore_mem>>)
      %dma_wait3A_73 = arith.constant 1 : i32
      %dma_wait3A_74 = arith.constant 0 : i32
      %dma_wait3A_75 = arith.constant 0 : i32
      %dma_wait3A_76 = arith.constant 0 : i32
      %dma_wait3A_77 = tpu.memref_slice %arg7[%dma_wait3A_73, %dma_wait3A_75, %dma_wait3A_76] : memref<8x2x128xi32, #tpu.memory_space<vmem>> -> memref<1x2x128xi32, #tpu.memory_space<vmem>>
      %dma_wait3A_78 = tpu.memref_squeeze %dma_wait3A_77 : memref<1x2x128xi32, #tpu.memory_space<vmem>> -> memref<2x128xi32, #tpu.memory_space<vmem>>
      %dma_wait3A_79 = arith.constant 0 : i32
      %dma_wait3A_80 = tpu.memref_slice %dma_wait3A_78[%dma_wait3A_74, %dma_wait3A_79] : memref<2x128xi32, #tpu.memory_space<vmem>> -> memref<1x128xi32, #tpu.memory_space<vmem>>
      %dma_wait3A_81 = tpu.memref_squeeze %dma_wait3A_80 : memref<1x128xi32, #tpu.memory_space<vmem>> -> memref<128xi32, #tpu.memory_space<vmem>>
      %dma_wait3A_82 = arith.constant 0 : i32
      %dma_wait3A_83 = arith.constant 0 : i32
      %dma_wait3A_84 = tpu.memref_slice %arg2[%arg0, %dma_wait3A_82, %dma_wait3A_83] : memref<2x80000x128xf32, #tpu.memory_space<hbm>> -> memref<1x80000x128xf32, #tpu.memory_space<hbm>>
      %dma_wait3A_85 = tpu.memref_squeeze %dma_wait3A_84 : memref<1x80000x128xf32, #tpu.memory_space<hbm>> -> memref<80000x128xf32, #tpu.memory_space<hbm>>
      %dma_wait3A_86 = arith.constant 0 : i32
      %dma_wait3A_87 = arith.constant 0 : i32
      %dma_wait3A_88 = tpu.memref_slice %dma_wait3A_85[%dma_wait3A_86, %dma_wait3A_87] : memref<80000x128xf32, #tpu.memory_space<hbm>> -> memref<80000x128xf32, #tpu.memory_space<hbm>>
      tpu.wait_indirect_dma semaphore(%arg11 : memref<!tpu.dma_semaphore, #tpu.memory_space<semaphore_mem>>) src(%dma_wait3A_88 : memref<80000x128xf32, #tpu.memory_space<hbm>>) dst(%arg9 : memref<128x128xf32, #tpu.memory_space<vmem>>)
      %run_scoped3A_89 = arith.constant 1 : i32
      %run_scoped3A_90 = arith.constant 1 : i32
      "tpu.region"() ({
        %run_scoped3A_279 = tpu.sem_alloc : memref<!tpu.dma_semaphore, #tpu.memory_space<semaphore_mem>>
        %dma_start3A_280 = arith.constant 0 : i32
        %dma_start3A_281 = arith.constant 0 : i32
        %dma_start3A_282 = tpu.memref_slice %arg7[%run_scoped3A_89, %dma_start3A_280, %dma_start3A_281] : memref<8x2x128xi32, #tpu.memory_space<vmem>> -> memref<1x2x128xi32, #tpu.memory_space<vmem>>
        %dma_start3A_283 = tpu.memref_squeeze %dma_start3A_282 : memref<1x2x128xi32, #tpu.memory_space<vmem>> -> memref<2x128xi32, #tpu.memory_space<vmem>>
        %dma_start3A_284 = arith.constant 0 : i32
        %dma_start3A_285 = tpu.memref_slice %dma_start3A_283[%run_scoped3A_90, %dma_start3A_284] : memref<2x128xi32, #tpu.memory_space<vmem>> -> memref<1x128xi32, #tpu.memory_space<vmem>>
        %dma_start3A_286 = tpu.memref_squeeze %dma_start3A_285 : memref<1x128xi32, #tpu.memory_space<vmem>> -> memref<128xi32, #tpu.memory_space<vmem>>
        %dma_start3A_287 = arith.constant 0 : i32
        %dma_start3A_288 = arith.constant 0 : i32
        %dma_start3A_289 = tpu.memref_slice %arg6[%dma_start3A_287, %dma_start3A_288] : memref<10112x128xf32, #tpu.memory_space<vmem_shared>> -> memref<10112x128xf32, #tpu.memory_space<vmem_shared>>
        tpu.enqueue_indirect_dma source(%arg9 : memref<128x128xf32, #tpu.memory_space<vmem>>) target(%dma_start3A_289 : memref<10112x128xf32, #tpu.memory_space<vmem_shared>>) offsets(%dma_start3A_286 : memref<128xi32, #tpu.memory_space<vmem>>) semaphore(%run_scoped3A_279 : memref<!tpu.dma_semaphore, #tpu.memory_space<semaphore_mem>>) {add = true}
        %dma_wait3A_290 = arith.constant 0 : i32
        %dma_wait3A_291 = arith.constant 0 : i32
        %dma_wait3A_292 = tpu.memref_slice %arg7[%run_scoped3A_89, %dma_wait3A_290, %dma_wait3A_291] : memref<8x2x128xi32, #tpu.memory_space<vmem>> -> memref<1x2x128xi32, #tpu.memory_space<vmem>>
        %dma_wait3A_293 = tpu.memref_squeeze %dma_wait3A_292 : memref<1x2x128xi32, #tpu.memory_space<vmem>> -> memref<2x128xi32, #tpu.memory_space<vmem>>
        %dma_wait3A_294 = arith.constant 0 : i32
        %dma_wait3A_295 = tpu.memref_slice %dma_wait3A_293[%run_scoped3A_90, %dma_wait3A_294] : memref<2x128xi32, #tpu.memory_space<vmem>> -> memref<1x128xi32, #tpu.memory_space<vmem>>
        %dma_wait3A_296 = tpu.memref_squeeze %dma_wait3A_295 : memref<1x128xi32, #tpu.memory_space<vmem>> -> memref<128xi32, #tpu.memory_space<vmem>>
        %dma_wait3A_297 = arith.constant 0 : i32
        %dma_wait3A_298 = arith.constant 0 : i32
        %dma_wait3A_299 = tpu.memref_slice %arg6[%dma_wait3A_297, %dma_wait3A_298] : memref<10112x128xf32, #tpu.memory_space<vmem_shared>> -> memref<10112x128xf32, #tpu.memory_space<vmem_shared>>
        tpu.wait_indirect_dma semaphore(%run_scoped3A_279 : memref<!tpu.dma_semaphore, #tpu.memory_space<semaphore_mem>>) src(%arg9 : memref<128x128xf32, #tpu.memory_space<vmem>>) dst(%dma_wait3A_299 : memref<10112x128xf32, #tpu.memory_space<vmem_shared>>)
        tpu.yield
      }) : () -> ()
      %dma_start3A_91 = arith.constant 3 : i32
      %dma_start3A_92 = arith.constant 0 : i32
      %dma_start3A_93 = arith.constant 0 : i32
      %dma_start3A_94 = arith.constant 0 : i32
      %dma_start3A_95 = tpu.memref_slice %arg7[%dma_start3A_91, %dma_start3A_93, %dma_start3A_94] : memref<8x2x128xi32, #tpu.memory_space<vmem>> -> memref<1x2x128xi32, #tpu.memory_space<vmem>>
      %dma_start3A_96 = tpu.memref_squeeze %dma_start3A_95 : memref<1x2x128xi32, #tpu.memory_space<vmem>> -> memref<2x128xi32, #tpu.memory_space<vmem>>
      %dma_start3A_97 = arith.constant 0 : i32
      %dma_start3A_98 = tpu.memref_slice %dma_start3A_96[%dma_start3A_92, %dma_start3A_97] : memref<2x128xi32, #tpu.memory_space<vmem>> -> memref<1x128xi32, #tpu.memory_space<vmem>>
      %dma_start3A_99 = tpu.memref_squeeze %dma_start3A_98 : memref<1x128xi32, #tpu.memory_space<vmem>> -> memref<128xi32, #tpu.memory_space<vmem>>
      %dma_start3A_100 = arith.constant 0 : i32
      %dma_start3A_101 = arith.constant 0 : i32
      %dma_start3A_102 = tpu.memref_slice %arg2[%arg0, %dma_start3A_100, %dma_start3A_101] : memref<2x80000x128xf32, #tpu.memory_space<hbm>> -> memref<1x80000x128xf32, #tpu.memory_space<hbm>>
      %dma_start3A_103 = tpu.memref_squeeze %dma_start3A_102 : memref<1x80000x128xf32, #tpu.memory_space<hbm>> -> memref<80000x128xf32, #tpu.memory_space<hbm>>
      %dma_start3A_104 = arith.constant 0 : i32
      %dma_start3A_105 = arith.constant 0 : i32
      %dma_start3A_106 = tpu.memref_slice %dma_start3A_103[%dma_start3A_104, %dma_start3A_105] : memref<80000x128xf32, #tpu.memory_space<hbm>> -> memref<80000x128xf32, #tpu.memory_space<hbm>>
      tpu.enqueue_indirect_dma source(%dma_start3A_106 : memref<80000x128xf32, #tpu.memory_space<hbm>>) target(%arg9 : memref<128x128xf32, #tpu.memory_space<vmem>>) offsets(%dma_start3A_99 : memref<128xi32, #tpu.memory_space<vmem>>) semaphore(%arg11 : memref<!tpu.dma_semaphore, #tpu.memory_space<semaphore_mem>>)
      %dma_wait3A_107 = arith.constant 2 : i32
      %dma_wait3A_108 = arith.constant 0 : i32
      %dma_wait3A_109 = arith.constant 0 : i32
      %dma_wait3A_110 = arith.constant 0 : i32
      %dma_wait3A_111 = tpu.memref_slice %arg7[%dma_wait3A_107, %dma_wait3A_109, %dma_wait3A_110] : memref<8x2x128xi32, #tpu.memory_space<vmem>> -> memref<1x2x128xi32, #tpu.memory_space<vmem>>
      %dma_wait3A_112 = tpu.memref_squeeze %dma_wait3A_111 : memref<1x2x128xi32, #tpu.memory_space<vmem>> -> memref<2x128xi32, #tpu.memory_space<vmem>>
      %dma_wait3A_113 = arith.constant 0 : i32
      %dma_wait3A_114 = tpu.memref_slice %dma_wait3A_112[%dma_wait3A_108, %dma_wait3A_113] : memref<2x128xi32, #tpu.memory_space<vmem>> -> memref<1x128xi32, #tpu.memory_space<vmem>>
      %dma_wait3A_115 = tpu.memref_squeeze %dma_wait3A_114 : memref<1x128xi32, #tpu.memory_space<vmem>> -> memref<128xi32, #tpu.memory_space<vmem>>
      %dma_wait3A_116 = arith.constant 0 : i32
      %dma_wait3A_117 = arith.constant 0 : i32
      %dma_wait3A_118 = tpu.memref_slice %arg2[%arg0, %dma_wait3A_116, %dma_wait3A_117] : memref<2x80000x128xf32, #tpu.memory_space<hbm>> -> memref<1x80000x128xf32, #tpu.memory_space<hbm>>
      %dma_wait3A_119 = tpu.memref_squeeze %dma_wait3A_118 : memref<1x80000x128xf32, #tpu.memory_space<hbm>> -> memref<80000x128xf32, #tpu.memory_space<hbm>>
      %dma_wait3A_120 = arith.constant 0 : i32
      %dma_wait3A_121 = arith.constant 0 : i32
      %dma_wait3A_122 = tpu.memref_slice %dma_wait3A_119[%dma_wait3A_120, %dma_wait3A_121] : memref<80000x128xf32, #tpu.memory_space<hbm>> -> memref<80000x128xf32, #tpu.memory_space<hbm>>
      tpu.wait_indirect_dma semaphore(%arg10 : memref<!tpu.dma_semaphore, #tpu.memory_space<semaphore_mem>>) src(%dma_wait3A_122 : memref<80000x128xf32, #tpu.memory_space<hbm>>) dst(%arg8 : memref<128x128xf32, #tpu.memory_space<vmem>>)
      %run_scoped3A_123 = arith.constant 2 : i32
      %run_scoped3A_124 = arith.constant 1 : i32
      "tpu.region"() ({
        %run_scoped3A_279 = tpu.sem_alloc : memref<!tpu.dma_semaphore, #tpu.memory_space<semaphore_mem>>
        %dma_start3A_280 = arith.constant 0 : i32
        %dma_start3A_281 = arith.constant 0 : i32
        %dma_start3A_282 = tpu.memref_slice %arg7[%run_scoped3A_123, %dma_start3A_280, %dma_start3A_281] : memref<8x2x128xi32, #tpu.memory_space<vmem>> -> memref<1x2x128xi32, #tpu.memory_space<vmem>>
        %dma_start3A_283 = tpu.memref_squeeze %dma_start3A_282 : memref<1x2x128xi32, #tpu.memory_space<vmem>> -> memref<2x128xi32, #tpu.memory_space<vmem>>
        %dma_start3A_284 = arith.constant 0 : i32
        %dma_start3A_285 = tpu.memref_slice %dma_start3A_283[%run_scoped3A_124, %dma_start3A_284] : memref<2x128xi32, #tpu.memory_space<vmem>> -> memref<1x128xi32, #tpu.memory_space<vmem>>
        %dma_start3A_286 = tpu.memref_squeeze %dma_start3A_285 : memref<1x128xi32, #tpu.memory_space<vmem>> -> memref<128xi32, #tpu.memory_space<vmem>>
        %dma_start3A_287 = arith.constant 0 : i32
        %dma_start3A_288 = arith.constant 0 : i32
        %dma_start3A_289 = tpu.memref_slice %arg6[%dma_start3A_287, %dma_start3A_288] : memref<10112x128xf32, #tpu.memory_space<vmem_shared>> -> memref<10112x128xf32, #tpu.memory_space<vmem_shared>>
        tpu.enqueue_indirect_dma source(%arg8 : memref<128x128xf32, #tpu.memory_space<vmem>>) target(%dma_start3A_289 : memref<10112x128xf32, #tpu.memory_space<vmem_shared>>) offsets(%dma_start3A_286 : memref<128xi32, #tpu.memory_space<vmem>>) semaphore(%run_scoped3A_279 : memref<!tpu.dma_semaphore, #tpu.memory_space<semaphore_mem>>) {add = true}
        %dma_wait3A_290 = arith.constant 0 : i32
        %dma_wait3A_291 = arith.constant 0 : i32
        %dma_wait3A_292 = tpu.memref_slice %arg7[%run_scoped3A_123, %dma_wait3A_290, %dma_wait3A_291] : memref<8x2x128xi32, #tpu.memory_space<vmem>> -> memref<1x2x128xi32, #tpu.memory_space<vmem>>
        %dma_wait3A_293 = tpu.memref_squeeze %dma_wait3A_292 : memref<1x2x128xi32, #tpu.memory_space<vmem>> -> memref<2x128xi32, #tpu.memory_space<vmem>>
        %dma_wait3A_294 = arith.constant 0 : i32
        %dma_wait3A_295 = tpu.memref_slice %dma_wait3A_293[%run_scoped3A_124, %dma_wait3A_294] : memref<2x128xi32, #tpu.memory_space<vmem>> -> memref<1x128xi32, #tpu.memory_space<vmem>>
        %dma_wait3A_296 = tpu.memref_squeeze %dma_wait3A_295 : memref<1x128xi32, #tpu.memory_space<vmem>> -> memref<128xi32, #tpu.memory_space<vmem>>
        %dma_wait3A_297 = arith.constant 0 : i32
        %dma_wait3A_298 = arith.constant 0 : i32
        %dma_wait3A_299 = tpu.memref_slice %arg6[%dma_wait3A_297, %dma_wait3A_298] : memref<10112x128xf32, #tpu.memory_space<vmem_shared>> -> memref<10112x128xf32, #tpu.memory_space<vmem_shared>>
        tpu.wait_indirect_dma semaphore(%run_scoped3A_279 : memref<!tpu.dma_semaphore, #tpu.memory_space<semaphore_mem>>) src(%arg8 : memref<128x128xf32, #tpu.memory_space<vmem>>) dst(%dma_wait3A_299 : memref<10112x128xf32, #tpu.memory_space<vmem_shared>>)
        tpu.yield
      }) : () -> ()
      %dma_start3A_125 = arith.constant 4 : i32
      %dma_start3A_126 = arith.constant 0 : i32
      %dma_start3A_127 = arith.constant 0 : i32
      %dma_start3A_128 = arith.constant 0 : i32
      %dma_start3A_129 = tpu.memref_slice %arg7[%dma_start3A_125, %dma_start3A_127, %dma_start3A_128] : memref<8x2x128xi32, #tpu.memory_space<vmem>> -> memref<1x2x128xi32, #tpu.memory_space<vmem>>
      %dma_start3A_130 = tpu.memref_squeeze %dma_start3A_129 : memref<1x2x128xi32, #tpu.memory_space<vmem>> -> memref<2x128xi32, #tpu.memory_space<vmem>>
      %dma_start3A_131 = arith.constant 0 : i32
      %dma_start3A_132 = tpu.memref_slice %dma_start3A_130[%dma_start3A_126, %dma_start3A_131] : memref<2x128xi32, #tpu.memory_space<vmem>> -> memref<1x128xi32, #tpu.memory_space<vmem>>
      %dma_start3A_133 = tpu.memref_squeeze %dma_start3A_132 : memref<1x128xi32, #tpu.memory_space<vmem>> -> memref<128xi32, #tpu.memory_space<vmem>>
      %dma_start3A_134 = arith.constant 0 : i32
      %dma_start3A_135 = arith.constant 0 : i32
      %dma_start3A_136 = tpu.memref_slice %arg2[%arg0, %dma_start3A_134, %dma_start3A_135] : memref<2x80000x128xf32, #tpu.memory_space<hbm>> -> memref<1x80000x128xf32, #tpu.memory_space<hbm>>
      %dma_start3A_137 = tpu.memref_squeeze %dma_start3A_136 : memref<1x80000x128xf32, #tpu.memory_space<hbm>> -> memref<80000x128xf32, #tpu.memory_space<hbm>>
      %dma_start3A_138 = arith.constant 0 : i32
      %dma_start3A_139 = arith.constant 0 : i32
      %dma_start3A_140 = tpu.memref_slice %dma_start3A_137[%dma_start3A_138, %dma_start3A_139] : memref<80000x128xf32, #tpu.memory_space<hbm>> -> memref<80000x128xf32, #tpu.memory_space<hbm>>
      tpu.enqueue_indirect_dma source(%dma_start3A_140 : memref<80000x128xf32, #tpu.memory_space<hbm>>) target(%arg8 : memref<128x128xf32, #tpu.memory_space<vmem>>) offsets(%dma_start3A_133 : memref<128xi32, #tpu.memory_space<vmem>>) semaphore(%arg10 : memref<!tpu.dma_semaphore, #tpu.memory_space<semaphore_mem>>)
      %dma_wait3A_141 = arith.constant 3 : i32
      %dma_wait3A_142 = arith.constant 0 : i32
      %dma_wait3A_143 = arith.constant 0 : i32
      %dma_wait3A_144 = arith.constant 0 : i32
      %dma_wait3A_145 = tpu.memref_slice %arg7[%dma_wait3A_141, %dma_wait3A_143, %dma_wait3A_144] : memref<8x2x128xi32, #tpu.memory_space<vmem>> -> memref<1x2x128xi32, #tpu.memory_space<vmem>>
      %dma_wait3A_146 = tpu.memref_squeeze %dma_wait3A_145 : memref<1x2x128xi32, #tpu.memory_space<vmem>> -> memref<2x128xi32, #tpu.memory_space<vmem>>
      %dma_wait3A_147 = arith.constant 0 : i32
      %dma_wait3A_148 = tpu.memref_slice %dma_wait3A_146[%dma_wait3A_142, %dma_wait3A_147] : memref<2x128xi32, #tpu.memory_space<vmem>> -> memref<1x128xi32, #tpu.memory_space<vmem>>
      %dma_wait3A_149 = tpu.memref_squeeze %dma_wait3A_148 : memref<1x128xi32, #tpu.memory_space<vmem>> -> memref<128xi32, #tpu.memory_space<vmem>>
      %dma_wait3A_150 = arith.constant 0 : i32
      %dma_wait3A_151 = arith.constant 0 : i32
      %dma_wait3A_152 = tpu.memref_slice %arg2[%arg0, %dma_wait3A_150, %dma_wait3A_151] : memref<2x80000x128xf32, #tpu.memory_space<hbm>> -> memref<1x80000x128xf32, #tpu.memory_space<hbm>>
      %dma_wait3A_153 = tpu.memref_squeeze %dma_wait3A_152 : memref<1x80000x128xf32, #tpu.memory_space<hbm>> -> memref<80000x128xf32, #tpu.memory_space<hbm>>
      %dma_wait3A_154 = arith.constant 0 : i32
      %dma_wait3A_155 = arith.constant 0 : i32
      %dma_wait3A_156 = tpu.memref_slice %dma_wait3A_153[%dma_wait3A_154, %dma_wait3A_155] : memref<80000x128xf32, #tpu.memory_space<hbm>> -> memref<80000x128xf32, #tpu.memory_space<hbm>>
      tpu.wait_indirect_dma semaphore(%arg11 : memref<!tpu.dma_semaphore, #tpu.memory_space<semaphore_mem>>) src(%dma_wait3A_156 : memref<80000x128xf32, #tpu.memory_space<hbm>>) dst(%arg9 : memref<128x128xf32, #tpu.memory_space<vmem>>)
      %run_scoped3A_157 = arith.constant 3 : i32
      %run_scoped3A_158 = arith.constant 1 : i32
      "tpu.region"() ({
        %run_scoped3A_279 = tpu.sem_alloc : memref<!tpu.dma_semaphore, #tpu.memory_space<semaphore_mem>>
        %dma_start3A_280 = arith.constant 0 : i32
        %dma_start3A_281 = arith.constant 0 : i32
        %dma_start3A_282 = tpu.memref_slice %arg7[%run_scoped3A_157, %dma_start3A_280, %dma_start3A_281] : memref<8x2x128xi32, #tpu.memory_space<vmem>> -> memref<1x2x128xi32, #tpu.memory_space<vmem>>
        %dma_start3A_283 = tpu.memref_squeeze %dma_start3A_282 : memref<1x2x128xi32, #tpu.memory_space<vmem>> -> memref<2x128xi32, #tpu.memory_space<vmem>>
        %dma_start3A_284 = arith.constant 0 : i32
        %dma_start3A_285 = tpu.memref_slice %dma_start3A_283[%run_scoped3A_158, %dma_start3A_284] : memref<2x128xi32, #tpu.memory_space<vmem>> -> memref<1x128xi32, #tpu.memory_space<vmem>>
        %dma_start3A_286 = tpu.memref_squeeze %dma_start3A_285 : memref<1x128xi32, #tpu.memory_space<vmem>> -> memref<128xi32, #tpu.memory_space<vmem>>
        %dma_start3A_287 = arith.constant 0 : i32
        %dma_start3A_288 = arith.constant 0 : i32
        %dma_start3A_289 = tpu.memref_slice %arg6[%dma_start3A_287, %dma_start3A_288] : memref<10112x128xf32, #tpu.memory_space<vmem_shared>> -> memref<10112x128xf32, #tpu.memory_space<vmem_shared>>
        tpu.enqueue_indirect_dma source(%arg9 : memref<128x128xf32, #tpu.memory_space<vmem>>) target(%dma_start3A_289 : memref<10112x128xf32, #tpu.memory_space<vmem_shared>>) offsets(%dma_start3A_286 : memref<128xi32, #tpu.memory_space<vmem>>) semaphore(%run_scoped3A_279 : memref<!tpu.dma_semaphore, #tpu.memory_space<semaphore_mem>>) {add = true}
        %dma_wait3A_290 = arith.constant 0 : i32
        %dma_wait3A_291 = arith.constant 0 : i32
        %dma_wait3A_292 = tpu.memref_slice %arg7[%run_scoped3A_157, %dma_wait3A_290, %dma_wait3A_291] : memref<8x2x128xi32, #tpu.memory_space<vmem>> -> memref<1x2x128xi32, #tpu.memory_space<vmem>>
        %dma_wait3A_293 = tpu.memref_squeeze %dma_wait3A_292 : memref<1x2x128xi32, #tpu.memory_space<vmem>> -> memref<2x128xi32, #tpu.memory_space<vmem>>
        %dma_wait3A_294 = arith.constant 0 : i32
        %dma_wait3A_295 = tpu.memref_slice %dma_wait3A_293[%run_scoped3A_158, %dma_wait3A_294] : memref<2x128xi32, #tpu.memory_space<vmem>> -> memref<1x128xi32, #tpu.memory_space<vmem>>
        %dma_wait3A_296 = tpu.memref_squeeze %dma_wait3A_295 : memref<1x128xi32, #tpu.memory_space<vmem>> -> memref<128xi32, #tpu.memory_space<vmem>>
        %dma_wait3A_297 = arith.constant 0 : i32
        %dma_wait3A_298 = arith.constant 0 : i32
        %dma_wait3A_299 = tpu.memref_slice %arg6[%dma_wait3A_297, %dma_wait3A_298] : memref<10112x128xf32, #tpu.memory_space<vmem_shared>> -> memref<10112x128xf32, #tpu.memory_space<vmem_shared>>
        tpu.wait_indirect_dma semaphore(%run_scoped3A_279 : memref<!tpu.dma_semaphore, #tpu.memory_space<semaphore_mem>>) src(%arg9 : memref<128x128xf32, #tpu.memory_space<vmem>>) dst(%dma_wait3A_299 : memref<10112x128xf32, #tpu.memory_space<vmem_shared>>)
        tpu.yield
      }) : () -> ()
      %dma_start3A_159 = arith.constant 5 : i32
      %dma_start3A_160 = arith.constant 0 : i32
      %dma_start3A_161 = arith.constant 0 : i32
      %dma_start3A_162 = arith.constant 0 : i32
      %dma_start3A_163 = tpu.memref_slice %arg7[%dma_start3A_159, %dma_start3A_161, %dma_start3A_162] : memref<8x2x128xi32, #tpu.memory_space<vmem>> -> memref<1x2x128xi32, #tpu.memory_space<vmem>>
      %dma_start3A_164 = tpu.memref_squeeze %dma_start3A_163 : memref<1x2x128xi32, #tpu.memory_space<vmem>> -> memref<2x128xi32, #tpu.memory_space<vmem>>
      %dma_start3A_165 = arith.constant 0 : i32
      %dma_start3A_166 = tpu.memref_slice %dma_start3A_164[%dma_start3A_160, %dma_start3A_165] : memref<2x128xi32, #tpu.memory_space<vmem>> -> memref<1x128xi32, #tpu.memory_space<vmem>>
      %dma_start3A_167 = tpu.memref_squeeze %dma_start3A_166 : memref<1x128xi32, #tpu.memory_space<vmem>> -> memref<128xi32, #tpu.memory_space<vmem>>
      %dma_start3A_168 = arith.constant 0 : i32
      %dma_start3A_169 = arith.constant 0 : i32
      %dma_start3A_170 = tpu.memref_slice %arg2[%arg0, %dma_start3A_168, %dma_start3A_169] : memref<2x80000x128xf32, #tpu.memory_space<hbm>> -> memref<1x80000x128xf32, #tpu.memory_space<hbm>>
      %dma_start3A_171 = tpu.memref_squeeze %dma_start3A_170 : memref<1x80000x128xf32, #tpu.memory_space<hbm>> -> memref<80000x128xf32, #tpu.memory_space<hbm>>
      %dma_start3A_172 = arith.constant 0 : i32
      %dma_start3A_173 = arith.constant 0 : i32
      %dma_start3A_174 = tpu.memref_slice %dma_start3A_171[%dma_start3A_172, %dma_start3A_173] : memref<80000x128xf32, #tpu.memory_space<hbm>> -> memref<80000x128xf32, #tpu.memory_space<hbm>>
      tpu.enqueue_indirect_dma source(%dma_start3A_174 : memref<80000x128xf32, #tpu.memory_space<hbm>>) target(%arg9 : memref<128x128xf32, #tpu.memory_space<vmem>>) offsets(%dma_start3A_167 : memref<128xi32, #tpu.memory_space<vmem>>) semaphore(%arg11 : memref<!tpu.dma_semaphore, #tpu.memory_space<semaphore_mem>>)
      %dma_wait3A_175 = arith.constant 4 : i32
      %dma_wait3A_176 = arith.constant 0 : i32
      %dma_wait3A_177 = arith.constant 0 : i32
      %dma_wait3A_178 = arith.constant 0 : i32
      %dma_wait3A_179 = tpu.memref_slice %arg7[%dma_wait3A_175, %dma_wait3A_177, %dma_wait3A_178] : memref<8x2x128xi32, #tpu.memory_space<vmem>> -> memref<1x2x128xi32, #tpu.memory_space<vmem>>
      %dma_wait3A_180 = tpu.memref_squeeze %dma_wait3A_179 : memref<1x2x128xi32, #tpu.memory_space<vmem>> -> memref<2x128xi32, #tpu.memory_space<vmem>>
      %dma_wait3A_181 = arith.constant 0 : i32
      %dma_wait3A_182 = tpu.memref_slice %dma_wait3A_180[%dma_wait3A_176, %dma_wait3A_181] : memref<2x128xi32, #tpu.memory_space<vmem>> -> memref<1x128xi32, #tpu.memory_space<vmem>>
      %dma_wait3A_183 = tpu.memref_squeeze %dma_wait3A_182 : memref<1x128xi32, #tpu.memory_space<vmem>> -> memref<128xi32, #tpu.memory_space<vmem>>
      %dma_wait3A_184 = arith.constant 0 : i32
      %dma_wait3A_185 = arith.constant 0 : i32
      %dma_wait3A_186 = tpu.memref_slice %arg2[%arg0, %dma_wait3A_184, %dma_wait3A_185] : memref<2x80000x128xf32, #tpu.memory_space<hbm>> -> memref<1x80000x128xf32, #tpu.memory_space<hbm>>
      %dma_wait3A_187 = tpu.memref_squeeze %dma_wait3A_186 : memref<1x80000x128xf32, #tpu.memory_space<hbm>> -> memref<80000x128xf32, #tpu.memory_space<hbm>>
      %dma_wait3A_188 = arith.constant 0 : i32
      %dma_wait3A_189 = arith.constant 0 : i32
      %dma_wait3A_190 = tpu.memref_slice %dma_wait3A_187[%dma_wait3A_188, %dma_wait3A_189] : memref<80000x128xf32, #tpu.memory_space<hbm>> -> memref<80000x128xf32, #tpu.memory_space<hbm>>
      tpu.wait_indirect_dma semaphore(%arg10 : memref<!tpu.dma_semaphore, #tpu.memory_space<semaphore_mem>>) src(%dma_wait3A_190 : memref<80000x128xf32, #tpu.memory_space<hbm>>) dst(%arg8 : memref<128x128xf32, #tpu.memory_space<vmem>>)
      %run_scoped3A_191 = arith.constant 4 : i32
      %run_scoped3A_192 = arith.constant 1 : i32
      "tpu.region"() ({
        %run_scoped3A_279 = tpu.sem_alloc : memref<!tpu.dma_semaphore, #tpu.memory_space<semaphore_mem>>
        %dma_start3A_280 = arith.constant 0 : i32
        %dma_start3A_281 = arith.constant 0 : i32
        %dma_start3A_282 = tpu.memref_slice %arg7[%run_scoped3A_191, %dma_start3A_280, %dma_start3A_281] : memref<8x2x128xi32, #tpu.memory_space<vmem>> -> memref<1x2x128xi32, #tpu.memory_space<vmem>>
        %dma_start3A_283 = tpu.memref_squeeze %dma_start3A_282 : memref<1x2x128xi32, #tpu.memory_space<vmem>> -> memref<2x128xi32, #tpu.memory_space<vmem>>
        %dma_start3A_284 = arith.constant 0 : i32
        %dma_start3A_285 = tpu.memref_slice %dma_start3A_283[%run_scoped3A_192, %dma_start3A_284] : memref<2x128xi32, #tpu.memory_space<vmem>> -> memref<1x128xi32, #tpu.memory_space<vmem>>
        %dma_start3A_286 = tpu.memref_squeeze %dma_start3A_285 : memref<1x128xi32, #tpu.memory_space<vmem>> -> memref<128xi32, #tpu.memory_space<vmem>>
        %dma_start3A_287 = arith.constant 0 : i32
        %dma_start3A_288 = arith.constant 0 : i32
        %dma_start3A_289 = tpu.memref_slice %arg6[%dma_start3A_287, %dma_start3A_288] : memref<10112x128xf32, #tpu.memory_space<vmem_shared>> -> memref<10112x128xf32, #tpu.memory_space<vmem_shared>>
        tpu.enqueue_indirect_dma source(%arg8 : memref<128x128xf32, #tpu.memory_space<vmem>>) target(%dma_start3A_289 : memref<10112x128xf32, #tpu.memory_space<vmem_shared>>) offsets(%dma_start3A_286 : memref<128xi32, #tpu.memory_space<vmem>>) semaphore(%run_scoped3A_279 : memref<!tpu.dma_semaphore, #tpu.memory_space<semaphore_mem>>) {add = true}
        %dma_wait3A_290 = arith.constant 0 : i32
        %dma_wait3A_291 = arith.constant 0 : i32
        %dma_wait3A_292 = tpu.memref_slice %arg7[%run_scoped3A_191, %dma_wait3A_290, %dma_wait3A_291] : memref<8x2x128xi32, #tpu.memory_space<vmem>> -> memref<1x2x128xi32, #tpu.memory_space<vmem>>
        %dma_wait3A_293 = tpu.memref_squeeze %dma_wait3A_292 : memref<1x2x128xi32, #tpu.memory_space<vmem>> -> memref<2x128xi32, #tpu.memory_space<vmem>>
        %dma_wait3A_294 = arith.constant 0 : i32
        %dma_wait3A_295 = tpu.memref_slice %dma_wait3A_293[%run_scoped3A_192, %dma_wait3A_294] : memref<2x128xi32, #tpu.memory_space<vmem>> -> memref<1x128xi32, #tpu.memory_space<vmem>>
        %dma_wait3A_296 = tpu.memref_squeeze %dma_wait3A_295 : memref<1x128xi32, #tpu.memory_space<vmem>> -> memref<128xi32, #tpu.memory_space<vmem>>
        %dma_wait3A_297 = arith.constant 0 : i32
        %dma_wait3A_298 = arith.constant 0 : i32
        %dma_wait3A_299 = tpu.memref_slice %arg6[%dma_wait3A_297, %dma_wait3A_298] : memref<10112x128xf32, #tpu.memory_space<vmem_shared>> -> memref<10112x128xf32, #tpu.memory_space<vmem_shared>>
        tpu.wait_indirect_dma semaphore(%run_scoped3A_279 : memref<!tpu.dma_semaphore, #tpu.memory_space<semaphore_mem>>) src(%arg8 : memref<128x128xf32, #tpu.memory_space<vmem>>) dst(%dma_wait3A_299 : memref<10112x128xf32, #tpu.memory_space<vmem_shared>>)
        tpu.yield
      }) : () -> ()
      %dma_start3A_193 = arith.constant 6 : i32
      %dma_start3A_194 = arith.constant 0 : i32
      %dma_start3A_195 = arith.constant 0 : i32
      %dma_start3A_196 = arith.constant 0 : i32
      %dma_start3A_197 = tpu.memref_slice %arg7[%dma_start3A_193, %dma_start3A_195, %dma_start3A_196] : memref<8x2x128xi32, #tpu.memory_space<vmem>> -> memref<1x2x128xi32, #tpu.memory_space<vmem>>
      %dma_start3A_198 = tpu.memref_squeeze %dma_start3A_197 : memref<1x2x128xi32, #tpu.memory_space<vmem>> -> memref<2x128xi32, #tpu.memory_space<vmem>>
      %dma_start3A_199 = arith.constant 0 : i32
      %dma_start3A_200 = tpu.memref_slice %dma_start3A_198[%dma_start3A_194, %dma_start3A_199] : memref<2x128xi32, #tpu.memory_space<vmem>> -> memref<1x128xi32, #tpu.memory_space<vmem>>
      %dma_start3A_201 = tpu.memref_squeeze %dma_start3A_200 : memref<1x128xi32, #tpu.memory_space<vmem>> -> memref<128xi32, #tpu.memory_space<vmem>>
      %dma_start3A_202 = arith.constant 0 : i32
      %dma_start3A_203 = arith.constant 0 : i32
      %dma_start3A_204 = tpu.memref_slice %arg2[%arg0, %dma_start3A_202, %dma_start3A_203] : memref<2x80000x128xf32, #tpu.memory_space<hbm>> -> memref<1x80000x128xf32, #tpu.memory_space<hbm>>
      %dma_start3A_205 = tpu.memref_squeeze %dma_start3A_204 : memref<1x80000x128xf32, #tpu.memory_space<hbm>> -> memref<80000x128xf32, #tpu.memory_space<hbm>>
      %dma_start3A_206 = arith.constant 0 : i32
      %dma_start3A_207 = arith.constant 0 : i32
      %dma_start3A_208 = tpu.memref_slice %dma_start3A_205[%dma_start3A_206, %dma_start3A_207] : memref<80000x128xf32, #tpu.memory_space<hbm>> -> memref<80000x128xf32, #tpu.memory_space<hbm>>
      tpu.enqueue_indirect_dma source(%dma_start3A_208 : memref<80000x128xf32, #tpu.memory_space<hbm>>) target(%arg8 : memref<128x128xf32, #tpu.memory_space<vmem>>) offsets(%dma_start3A_201 : memref<128xi32, #tpu.memory_space<vmem>>) semaphore(%arg10 : memref<!tpu.dma_semaphore, #tpu.memory_space<semaphore_mem>>)
      %dma_wait3A_209 = arith.constant 5 : i32
      %dma_wait3A_210 = arith.constant 0 : i32
      %dma_wait3A_211 = arith.constant 0 : i32
      %dma_wait3A_212 = arith.constant 0 : i32
      %dma_wait3A_213 = tpu.memref_slice %arg7[%dma_wait3A_209, %dma_wait3A_211, %dma_wait3A_212] : memref<8x2x128xi32, #tpu.memory_space<vmem>> -> memref<1x2x128xi32, #tpu.memory_space<vmem>>
      %dma_wait3A_214 = tpu.memref_squeeze %dma_wait3A_213 : memref<1x2x128xi32, #tpu.memory_space<vmem>> -> memref<2x128xi32, #tpu.memory_space<vmem>>
      %dma_wait3A_215 = arith.constant 0 : i32
      %dma_wait3A_216 = tpu.memref_slice %dma_wait3A_214[%dma_wait3A_210, %dma_wait3A_215] : memref<2x128xi32, #tpu.memory_space<vmem>> -> memref<1x128xi32, #tpu.memory_space<vmem>>
      %dma_wait3A_217 = tpu.memref_squeeze %dma_wait3A_216 : memref<1x128xi32, #tpu.memory_space<vmem>> -> memref<128xi32, #tpu.memory_space<vmem>>
      %dma_wait3A_218 = arith.constant 0 : i32
      %dma_wait3A_219 = arith.constant 0 : i32
      %dma_wait3A_220 = tpu.memref_slice %arg2[%arg0, %dma_wait3A_218, %dma_wait3A_219] : memref<2x80000x128xf32, #tpu.memory_space<hbm>> -> memref<1x80000x128xf32, #tpu.memory_space<hbm>>
      %dma_wait3A_221 = tpu.memref_squeeze %dma_wait3A_220 : memref<1x80000x128xf32, #tpu.memory_space<hbm>> -> memref<80000x128xf32, #tpu.memory_space<hbm>>
      %dma_wait3A_222 = arith.constant 0 : i32
      %dma_wait3A_223 = arith.constant 0 : i32
      %dma_wait3A_224 = tpu.memref_slice %dma_wait3A_221[%dma_wait3A_222, %dma_wait3A_223] : memref<80000x128xf32, #tpu.memory_space<hbm>> -> memref<80000x128xf32, #tpu.memory_space<hbm>>
      tpu.wait_indirect_dma semaphore(%arg11 : memref<!tpu.dma_semaphore, #tpu.memory_space<semaphore_mem>>) src(%dma_wait3A_224 : memref<80000x128xf32, #tpu.memory_space<hbm>>) dst(%arg9 : memref<128x128xf32, #tpu.memory_space<vmem>>)
      %run_scoped3A_225 = arith.constant 5 : i32
      %run_scoped3A_226 = arith.constant 1 : i32
      "tpu.region"() ({
        %run_scoped3A_279 = tpu.sem_alloc : memref<!tpu.dma_semaphore, #tpu.memory_space<semaphore_mem>>
        %dma_start3A_280 = arith.constant 0 : i32
        %dma_start3A_281 = arith.constant 0 : i32
        %dma_start3A_282 = tpu.memref_slice %arg7[%run_scoped3A_225, %dma_start3A_280, %dma_start3A_281] : memref<8x2x128xi32, #tpu.memory_space<vmem>> -> memref<1x2x128xi32, #tpu.memory_space<vmem>>
        %dma_start3A_283 = tpu.memref_squeeze %dma_start3A_282 : memref<1x2x128xi32, #tpu.memory_space<vmem>> -> memref<2x128xi32, #tpu.memory_space<vmem>>
        %dma_start3A_284 = arith.constant 0 : i32
        %dma_start3A_285 = tpu.memref_slice %dma_start3A_283[%run_scoped3A_226, %dma_start3A_284] : memref<2x128xi32, #tpu.memory_space<vmem>> -> memref<1x128xi32, #tpu.memory_space<vmem>>
        %dma_start3A_286 = tpu.memref_squeeze %dma_start3A_285 : memref<1x128xi32, #tpu.memory_space<vmem>> -> memref<128xi32, #tpu.memory_space<vmem>>
        %dma_start3A_287 = arith.constant 0 : i32
        %dma_start3A_288 = arith.constant 0 : i32
        %dma_start3A_289 = tpu.memref_slice %arg6[%dma_start3A_287, %dma_start3A_288] : memref<10112x128xf32, #tpu.memory_space<vmem_shared>> -> memref<10112x128xf32, #tpu.memory_space<vmem_shared>>
        tpu.enqueue_indirect_dma source(%arg9 : memref<128x128xf32, #tpu.memory_space<vmem>>) target(%dma_start3A_289 : memref<10112x128xf32, #tpu.memory_space<vmem_shared>>) offsets(%dma_start3A_286 : memref<128xi32, #tpu.memory_space<vmem>>) semaphore(%run_scoped3A_279 : memref<!tpu.dma_semaphore, #tpu.memory_space<semaphore_mem>>) {add = true}
        %dma_wait3A_290 = arith.constant 0 : i32
        %dma_wait3A_291 = arith.constant 0 : i32
        %dma_wait3A_292 = tpu.memref_slice %arg7[%run_scoped3A_225, %dma_wait3A_290, %dma_wait3A_291] : memref<8x2x128xi32, #tpu.memory_space<vmem>> -> memref<1x2x128xi32, #tpu.memory_space<vmem>>
        %dma_wait3A_293 = tpu.memref_squeeze %dma_wait3A_292 : memref<1x2x128xi32, #tpu.memory_space<vmem>> -> memref<2x128xi32, #tpu.memory_space<vmem>>
        %dma_wait3A_294 = arith.constant 0 : i32
        %dma_wait3A_295 = tpu.memref_slice %dma_wait3A_293[%run_scoped3A_226, %dma_wait3A_294] : memref<2x128xi32, #tpu.memory_space<vmem>> -> memref<1x128xi32, #tpu.memory_space<vmem>>
        %dma_wait3A_296 = tpu.memref_squeeze %dma_wait3A_295 : memref<1x128xi32, #tpu.memory_space<vmem>> -> memref<128xi32, #tpu.memory_space<vmem>>
        %dma_wait3A_297 = arith.constant 0 : i32
        %dma_wait3A_298 = arith.constant 0 : i32
        %dma_wait3A_299 = tpu.memref_slice %arg6[%dma_wait3A_297, %dma_wait3A_298] : memref<10112x128xf32, #tpu.memory_space<vmem_shared>> -> memref<10112x128xf32, #tpu.memory_space<vmem_shared>>
        tpu.wait_indirect_dma semaphore(%run_scoped3A_279 : memref<!tpu.dma_semaphore, #tpu.memory_space<semaphore_mem>>) src(%arg9 : memref<128x128xf32, #tpu.memory_space<vmem>>) dst(%dma_wait3A_299 : memref<10112x128xf32, #tpu.memory_space<vmem_shared>>)
        tpu.yield
      }) : () -> ()
      %dma_start3A_227 = arith.constant 7 : i32
      %dma_start3A_228 = arith.constant 0 : i32
      %dma_start3A_229 = arith.constant 0 : i32
      %dma_start3A_230 = arith.constant 0 : i32
      %dma_start3A_231 = tpu.memref_slice %arg7[%dma_start3A_227, %dma_start3A_229, %dma_start3A_230] : memref<8x2x128xi32, #tpu.memory_space<vmem>> -> memref<1x2x128xi32, #tpu.memory_space<vmem>>
      %dma_start3A_232 = tpu.memref_squeeze %dma_start3A_231 : memref<1x2x128xi32, #tpu.memory_space<vmem>> -> memref<2x128xi32, #tpu.memory_space<vmem>>
      %dma_start3A_233 = arith.constant 0 : i32
      %dma_start3A_234 = tpu.memref_slice %dma_start3A_232[%dma_start3A_228, %dma_start3A_233] : memref<2x128xi32, #tpu.memory_space<vmem>> -> memref<1x128xi32, #tpu.memory_space<vmem>>
      %dma_start3A_235 = tpu.memref_squeeze %dma_start3A_234 : memref<1x128xi32, #tpu.memory_space<vmem>> -> memref<128xi32, #tpu.memory_space<vmem>>
      %dma_start3A_236 = arith.constant 0 : i32
      %dma_start3A_237 = arith.constant 0 : i32
      %dma_start3A_238 = tpu.memref_slice %arg2[%arg0, %dma_start3A_236, %dma_start3A_237] : memref<2x80000x128xf32, #tpu.memory_space<hbm>> -> memref<1x80000x128xf32, #tpu.memory_space<hbm>>
      %dma_start3A_239 = tpu.memref_squeeze %dma_start3A_238 : memref<1x80000x128xf32, #tpu.memory_space<hbm>> -> memref<80000x128xf32, #tpu.memory_space<hbm>>
      %dma_start3A_240 = arith.constant 0 : i32
      %dma_start3A_241 = arith.constant 0 : i32
      %dma_start3A_242 = tpu.memref_slice %dma_start3A_239[%dma_start3A_240, %dma_start3A_241] : memref<80000x128xf32, #tpu.memory_space<hbm>> -> memref<80000x128xf32, #tpu.memory_space<hbm>>
      tpu.enqueue_indirect_dma source(%dma_start3A_242 : memref<80000x128xf32, #tpu.memory_space<hbm>>) target(%arg9 : memref<128x128xf32, #tpu.memory_space<vmem>>) offsets(%dma_start3A_235 : memref<128xi32, #tpu.memory_space<vmem>>) semaphore(%arg11 : memref<!tpu.dma_semaphore, #tpu.memory_space<semaphore_mem>>)
      %dma_wait3A_243 = arith.constant 6 : i32
      %dma_wait3A_244 = arith.constant 0 : i32
      %dma_wait3A_245 = arith.constant 0 : i32
      %dma_wait3A_246 = arith.constant 0 : i32
      %dma_wait3A_247 = tpu.memref_slice %arg7[%dma_wait3A_243, %dma_wait3A_245, %dma_wait3A_246] : memref<8x2x128xi32, #tpu.memory_space<vmem>> -> memref<1x2x128xi32, #tpu.memory_space<vmem>>
      %dma_wait3A_248 = tpu.memref_squeeze %dma_wait3A_247 : memref<1x2x128xi32, #tpu.memory_space<vmem>> -> memref<2x128xi32, #tpu.memory_space<vmem>>
      %dma_wait3A_249 = arith.constant 0 : i32
      %dma_wait3A_250 = tpu.memref_slice %dma_wait3A_248[%dma_wait3A_244, %dma_wait3A_249] : memref<2x128xi32, #tpu.memory_space<vmem>> -> memref<1x128xi32, #tpu.memory_space<vmem>>
      %dma_wait3A_251 = tpu.memref_squeeze %dma_wait3A_250 : memref<1x128xi32, #tpu.memory_space<vmem>> -> memref<128xi32, #tpu.memory_space<vmem>>
      %dma_wait3A_252 = arith.constant 0 : i32
      %dma_wait3A_253 = arith.constant 0 : i32
      %dma_wait3A_254 = tpu.memref_slice %arg2[%arg0, %dma_wait3A_252, %dma_wait3A_253] : memref<2x80000x128xf32, #tpu.memory_space<hbm>> -> memref<1x80000x128xf32, #tpu.memory_space<hbm>>
      %dma_wait3A_255 = tpu.memref_squeeze %dma_wait3A_254 : memref<1x80000x128xf32, #tpu.memory_space<hbm>> -> memref<80000x128xf32, #tpu.memory_space<hbm>>
      %dma_wait3A_256 = arith.constant 0 : i32
      %dma_wait3A_257 = arith.constant 0 : i32
      %dma_wait3A_258 = tpu.memref_slice %dma_wait3A_255[%dma_wait3A_256, %dma_wait3A_257] : memref<80000x128xf32, #tpu.memory_space<hbm>> -> memref<80000x128xf32, #tpu.memory_space<hbm>>
      tpu.wait_indirect_dma semaphore(%arg10 : memref<!tpu.dma_semaphore, #tpu.memory_space<semaphore_mem>>) src(%dma_wait3A_258 : memref<80000x128xf32, #tpu.memory_space<hbm>>) dst(%arg8 : memref<128x128xf32, #tpu.memory_space<vmem>>)
      %run_scoped3A_259 = arith.constant 6 : i32
      %run_scoped3A_260 = arith.constant 1 : i32
      "tpu.region"() ({
        %run_scoped3A_279 = tpu.sem_alloc : memref<!tpu.dma_semaphore, #tpu.memory_space<semaphore_mem>>
        %dma_start3A_280 = arith.constant 0 : i32
        %dma_start3A_281 = arith.constant 0 : i32
        %dma_start3A_282 = tpu.memref_slice %arg7[%run_scoped3A_259, %dma_start3A_280, %dma_start3A_281] : memref<8x2x128xi32, #tpu.memory_space<vmem>> -> memref<1x2x128xi32, #tpu.memory_space<vmem>>
        %dma_start3A_283 = tpu.memref_squeeze %dma_start3A_282 : memref<1x2x128xi32, #tpu.memory_space<vmem>> -> memref<2x128xi32, #tpu.memory_space<vmem>>
        %dma_start3A_284 = arith.constant 0 : i32
        %dma_start3A_285 = tpu.memref_slice %dma_start3A_283[%run_scoped3A_260, %dma_start3A_284] : memref<2x128xi32, #tpu.memory_space<vmem>> -> memref<1x128xi32, #tpu.memory_space<vmem>>
        %dma_start3A_286 = tpu.memref_squeeze %dma_start3A_285 : memref<1x128xi32, #tpu.memory_space<vmem>> -> memref<128xi32, #tpu.memory_space<vmem>>
        %dma_start3A_287 = arith.constant 0 : i32
        %dma_start3A_288 = arith.constant 0 : i32
        %dma_start3A_289 = tpu.memref_slice %arg6[%dma_start3A_287, %dma_start3A_288] : memref<10112x128xf32, #tpu.memory_space<vmem_shared>> -> memref<10112x128xf32, #tpu.memory_space<vmem_shared>>
        tpu.enqueue_indirect_dma source(%arg8 : memref<128x128xf32, #tpu.memory_space<vmem>>) target(%dma_start3A_289 : memref<10112x128xf32, #tpu.memory_space<vmem_shared>>) offsets(%dma_start3A_286 : memref<128xi32, #tpu.memory_space<vmem>>) semaphore(%run_scoped3A_279 : memref<!tpu.dma_semaphore, #tpu.memory_space<semaphore_mem>>) {add = true}
        %dma_wait3A_290 = arith.constant 0 : i32
        %dma_wait3A_291 = arith.constant 0 : i32
        %dma_wait3A_292 = tpu.memref_slice %arg7[%run_scoped3A_259, %dma_wait3A_290, %dma_wait3A_291] : memref<8x2x128xi32, #tpu.memory_space<vmem>> -> memref<1x2x128xi32, #tpu.memory_space<vmem>>
        %dma_wait3A_293 = tpu.memref_squeeze %dma_wait3A_292 : memref<1x2x128xi32, #tpu.memory_space<vmem>> -> memref<2x128xi32, #tpu.memory_space<vmem>>
        %dma_wait3A_294 = arith.constant 0 : i32
        %dma_wait3A_295 = tpu.memref_slice %dma_wait3A_293[%run_scoped3A_260, %dma_wait3A_294] : memref<2x128xi32, #tpu.memory_space<vmem>> -> memref<1x128xi32, #tpu.memory_space<vmem>>
        %dma_wait3A_296 = tpu.memref_squeeze %dma_wait3A_295 : memref<1x128xi32, #tpu.memory_space<vmem>> -> memref<128xi32, #tpu.memory_space<vmem>>
        %dma_wait3A_297 = arith.constant 0 : i32
        %dma_wait3A_298 = arith.constant 0 : i32
        %dma_wait3A_299 = tpu.memref_slice %arg6[%dma_wait3A_297, %dma_wait3A_298] : memref<10112x128xf32, #tpu.memory_space<vmem_shared>> -> memref<10112x128xf32, #tpu.memory_space<vmem_shared>>
        tpu.wait_indirect_dma semaphore(%run_scoped3A_279 : memref<!tpu.dma_semaphore, #tpu.memory_space<semaphore_mem>>) src(%arg8 : memref<128x128xf32, #tpu.memory_space<vmem>>) dst(%dma_wait3A_299 : memref<10112x128xf32, #tpu.memory_space<vmem_shared>>)
        tpu.yield
      }) : () -> ()
      %dma_wait3A_261 = arith.constant 7 : i32
      %dma_wait3A_262 = arith.constant 0 : i32
      %dma_wait3A_263 = arith.constant 0 : i32
      %dma_wait3A_264 = arith.constant 0 : i32
      %dma_wait3A_265 = tpu.memref_slice %arg7[%dma_wait3A_261, %dma_wait3A_263, %dma_wait3A_264] : memref<8x2x128xi32, #tpu.memory_space<vmem>> -> memref<1x2x128xi32, #tpu.memory_space<vmem>>
      %dma_wait3A_266 = tpu.memref_squeeze %dma_wait3A_265 : memref<1x2x128xi32, #tpu.memory_space<vmem>> -> memref<2x128xi32, #tpu.memory_space<vmem>>
      %dma_wait3A_267 = arith.constant 0 : i32
      %dma_wait3A_268 = tpu.memref_slice %dma_wait3A_266[%dma_wait3A_262, %dma_wait3A_267] : memref<2x128xi32, #tpu.memory_space<vmem>> -> memref<1x128xi32, #tpu.memory_space<vmem>>
      %dma_wait3A_269 = tpu.memref_squeeze %dma_wait3A_268 : memref<1x128xi32, #tpu.memory_space<vmem>> -> memref<128xi32, #tpu.memory_space<vmem>>
      %dma_wait3A_270 = arith.constant 0 : i32
      %dma_wait3A_271 = arith.constant 0 : i32
      %dma_wait3A_272 = tpu.memref_slice %arg2[%arg0, %dma_wait3A_270, %dma_wait3A_271] : memref<2x80000x128xf32, #tpu.memory_space<hbm>> -> memref<1x80000x128xf32, #tpu.memory_space<hbm>>
      %dma_wait3A_273 = tpu.memref_squeeze %dma_wait3A_272 : memref<1x80000x128xf32, #tpu.memory_space<hbm>> -> memref<80000x128xf32, #tpu.memory_space<hbm>>
      %dma_wait3A_274 = arith.constant 0 : i32
      %dma_wait3A_275 = arith.constant 0 : i32
      %dma_wait3A_276 = tpu.memref_slice %dma_wait3A_273[%dma_wait3A_274, %dma_wait3A_275] : memref<80000x128xf32, #tpu.memory_space<hbm>> -> memref<80000x128xf32, #tpu.memory_space<hbm>>
      tpu.wait_indirect_dma semaphore(%arg11 : memref<!tpu.dma_semaphore, #tpu.memory_space<semaphore_mem>>) src(%dma_wait3A_276 : memref<80000x128xf32, #tpu.memory_space<hbm>>) dst(%arg9 : memref<128x128xf32, #tpu.memory_space<vmem>>)
      %run_scoped3A_277 = arith.constant 7 : i32
      %run_scoped3A_278 = arith.constant 1 : i32
      "tpu.region"() ({
        %run_scoped3A_279 = tpu.sem_alloc : memref<!tpu.dma_semaphore, #tpu.memory_space<semaphore_mem>>
        %dma_start3A_280 = arith.constant 0 : i32
        %dma_start3A_281 = arith.constant 0 : i32
        %dma_start3A_282 = tpu.memref_slice %arg7[%run_scoped3A_277, %dma_start3A_280, %dma_start3A_281] : memref<8x2x128xi32, #tpu.memory_space<vmem>> -> memref<1x2x128xi32, #tpu.memory_space<vmem>>
        %dma_start3A_283 = tpu.memref_squeeze %dma_start3A_282 : memref<1x2x128xi32, #tpu.memory_space<vmem>> -> memref<2x128xi32, #tpu.memory_space<vmem>>
        %dma_start3A_284 = arith.constant 0 : i32
        %dma_start3A_285 = tpu.memref_slice %dma_start3A_283[%run_scoped3A_278, %dma_start3A_284] : memref<2x128xi32, #tpu.memory_space<vmem>> -> memref<1x128xi32, #tpu.memory_space<vmem>>
        %dma_start3A_286 = tpu.memref_squeeze %dma_start3A_285 : memref<1x128xi32, #tpu.memory_space<vmem>> -> memref<128xi32, #tpu.memory_space<vmem>>
        %dma_start3A_287 = arith.constant 0 : i32
        %dma_start3A_288 = arith.constant 0 : i32
        %dma_start3A_289 = tpu.memref_slice %arg6[%dma_start3A_287, %dma_start3A_288] : memref<10112x128xf32, #tpu.memory_space<vmem_shared>> -> memref<10112x128xf32, #tpu.memory_space<vmem_shared>>
        tpu.enqueue_indirect_dma source(%arg9 : memref<128x128xf32, #tpu.memory_space<vmem>>) target(%dma_start3A_289 : memref<10112x128xf32, #tpu.memory_space<vmem_shared>>) offsets(%dma_start3A_286 : memref<128xi32, #tpu.memory_space<vmem>>) semaphore(%run_scoped3A_279 : memref<!tpu.dma_semaphore, #tpu.memory_space<semaphore_mem>>) {add = true}
        %dma_wait3A_290 = arith.constant 0 : i32
        %dma_wait3A_291 = arith.constant 0 : i32
        %dma_wait3A_292 = tpu.memref_slice %arg7[%run_scoped3A_277, %dma_wait3A_290, %dma_wait3A_291] : memref<8x2x128xi32, #tpu.memory_space<vmem>> -> memref<1x2x128xi32, #tpu.memory_space<vmem>>
        %dma_wait3A_293 = tpu.memref_squeeze %dma_wait3A_292 : memref<1x2x128xi32, #tpu.memory_space<vmem>> -> memref<2x128xi32, #tpu.memory_space<vmem>>
        %dma_wait3A_294 = arith.constant 0 : i32
        %dma_wait3A_295 = tpu.memref_slice %dma_wait3A_293[%run_scoped3A_278, %dma_wait3A_294] : memref<2x128xi32, #tpu.memory_space<vmem>> -> memref<1x128xi32, #tpu.memory_space<vmem>>
        %dma_wait3A_296 = tpu.memref_squeeze %dma_wait3A_295 : memref<1x128xi32, #tpu.memory_space<vmem>> -> memref<128xi32, #tpu.memory_space<vmem>>
        %dma_wait3A_297 = arith.constant 0 : i32
        %dma_wait3A_298 = arith.constant 0 : i32
        %dma_wait3A_299 = tpu.memref_slice %arg6[%dma_wait3A_297, %dma_wait3A_298] : memref<10112x128xf32, #tpu.memory_space<vmem_shared>> -> memref<10112x128xf32, #tpu.memory_space<vmem_shared>>
        tpu.wait_indirect_dma semaphore(%run_scoped3A_279 : memref<!tpu.dma_semaphore, #tpu.memory_space<semaphore_mem>>) src(%arg9 : memref<128x128xf32, #tpu.memory_space<vmem>>) dst(%dma_wait3A_299 : memref<10112x128xf32, #tpu.memory_space<vmem_shared>>)
        tpu.yield
      }) : () -> ()
    }
    %scan3A_5 = arith.constant 10 : i32
    %barrier3A_6 = arith.constant 0 : index
    tpu.barrier barrier_id(%barrier3A_6)
    "tpu.region"() ({
      %run_scoped3A = tpu.sem_alloc : memref<!tpu.dma_semaphore, #tpu.memory_space<semaphore_mem>>
      %dma_start3A = arith.constant 0 : i32
      %dma_start3A_7 = arith.constant 0 : i32
      %dma_start3A_8 = tpu.memref_slice %arg5[%arg0, %dma_start3A, %dma_start3A_7] : memref<2x10112x128xf32, #tpu.memory_space<hbm>> -> memref<1x10112x128xf32, #tpu.memory_space<hbm>>
      %dma_start3A_9 = tpu.memref_squeeze %dma_start3A_8 : memref<1x10112x128xf32, #tpu.memory_space<hbm>> -> memref<10112x128xf32, #tpu.memory_space<hbm>>
      %dma_start3A_10 = arith.constant 0 : i32
      %dma_start3A_11 = tpu.memref_slice %dma_start3A_9[%mul3A_0, %dma_start3A_10] : memref<10112x128xf32, #tpu.memory_space<hbm>> -> memref<632x128xf32, #tpu.memory_space<hbm>>
      %dma_start3A_12 = arith.constant 0 : i32
      %dma_start3A_13 = tpu.memref_slice %arg6[%mul3A_0, %dma_start3A_12] : memref<10112x128xf32, #tpu.memory_space<vmem_shared>> -> memref<632x128xf32, #tpu.memory_space<vmem_shared>>
      tpu.enqueue_dma source(%dma_start3A_13 : memref<632x128xf32, #tpu.memory_space<vmem_shared>>) target(%dma_start3A_11 : memref<632x128xf32, #tpu.memory_space<hbm>>) target_semaphore(%run_scoped3A : memref<!tpu.dma_semaphore, #tpu.memory_space<semaphore_mem>>)
      %dma_wait3A = arith.constant 0 : i32
      %dma_wait3A_14 = arith.constant 0 : i32
      %dma_wait3A_15 = tpu.memref_slice %arg5[%arg0, %dma_wait3A, %dma_wait3A_14] : memref<2x10112x128xf32, #tpu.memory_space<hbm>> -> memref<1x10112x128xf32, #tpu.memory_space<hbm>>
      %dma_wait3A_16 = tpu.memref_squeeze %dma_wait3A_15 : memref<1x10112x128xf32, #tpu.memory_space<hbm>> -> memref<10112x128xf32, #tpu.memory_space<hbm>>
      %dma_wait3A_17 = arith.constant 0 : i32
      %dma_wait3A_18 = tpu.memref_slice %dma_wait3A_16[%mul3A_0, %dma_wait3A_17] : memref<10112x128xf32, #tpu.memory_space<hbm>> -> memref<632x128xf32, #tpu.memory_space<hbm>>
      %dma_wait3A_19 = arith.constant 0 : i32
      %dma_wait3A_20 = tpu.memref_slice %arg6[%mul3A_0, %dma_wait3A_19] : memref<10112x128xf32, #tpu.memory_space<vmem_shared>> -> memref<632x128xf32, #tpu.memory_space<vmem_shared>>
      tpu.wait_dma2 semaphore(%run_scoped3A : memref<!tpu.dma_semaphore, #tpu.memory_space<semaphore_mem>>) src(%dma_wait3A_20 : memref<632x128xf32, #tpu.memory_space<vmem_shared>>) dst(%dma_wait3A_18 : memref<632x128xf32, #tpu.memory_space<hbm>>)
      tpu.yield
    }) : () -> ()
    return
  }
}

#map = affine_map<(d0, d1) -> (0, 0, 0, 0)>
#map1 = affine_map<(d0, d1) -> (0, 0)>
#map2 = affine_map<(d0, d1) -> (0, 0, 0)>
module attributes {stable_mosaic.version = 14 : i64} {
  func.func @body(%arg0: i32, %arg1: i32, %arg2: memref<32x40x1x128xi32, #tpu.memory_space<hbm>>, %arg3: memref<10112x128xf32, #tpu.memory_space<hbm>>, %arg4: memref<128x128xf32, #tpu.memory_space<hbm>>, %arg5: memref<2x10112x128xf32, #tpu.memory_space<hbm>>, %arg6: memref<10112x128xf32, #tpu.memory_space<vmem_shared>>, %arg7: memref<8x1x128xi32, #tpu.memory_space<vmem>>, %arg8: memref<128x128xf32, #tpu.memory_space<vmem>>) attributes {dimension_semantics = [#tpu.dimension_semantics<core_parallel>, #tpu.dimension_semantics<subcore_parallel>], iteration_bounds = array<i64: 2, 16>, scalar_prefetch = 0 : i64, scratch_operands = 3 : i64, tpu.core_type = #tpu.core_type<sc_vector_subcore>, window_params = [{transform_indices = #map}, {transform_indices = #map1}, {transform_indices = #map1}, {transform_indices = #map2}]} {
    %mul3A = arith.constant 16 : i32
    %mul3A_0 = arith.muli %arg0, %mul3A : i32
    %add3A = arith.addi %mul3A_0, %arg1 : i32
    %mul3A_1 = arith.constant 632 : i32
    %mul3A_2 = arith.muli %arg1, %mul3A_1 : i32
    "tpu.region"() ({
      %run_scoped3A = tpu.sem_alloc : memref<!tpu.dma_semaphore, #tpu.memory_space<semaphore_mem>>
      %dma_start3A = arith.constant 0 : i32
      %dma_start3A_9 = tpu.memref_slice %arg6[%mul3A_2, %dma_start3A] : memref<10112x128xf32, #tpu.memory_space<vmem_shared>> -> memref<632x128xf32, #tpu.memory_space<vmem_shared>>
      %dma_start3A_10 = arith.constant 0 : i32
      %dma_start3A_11 = tpu.memref_slice %arg3[%mul3A_2, %dma_start3A_10] : memref<10112x128xf32, #tpu.memory_space<hbm>> -> memref<632x128xf32, #tpu.memory_space<hbm>>
      tpu.enqueue_dma source(%dma_start3A_11 : memref<632x128xf32, #tpu.memory_space<hbm>>) target(%dma_start3A_9 : memref<632x128xf32, #tpu.memory_space<vmem_shared>>) target_semaphore(%run_scoped3A : memref<!tpu.dma_semaphore, #tpu.memory_space<semaphore_mem>>)
      %dma_wait3A = arith.constant 0 : i32
      %dma_wait3A_12 = tpu.memref_slice %arg6[%mul3A_2, %dma_wait3A] : memref<10112x128xf32, #tpu.memory_space<vmem_shared>> -> memref<632x128xf32, #tpu.memory_space<vmem_shared>>
      %dma_wait3A_13 = arith.constant 0 : i32
      %dma_wait3A_14 = tpu.memref_slice %arg3[%mul3A_2, %dma_wait3A_13] : memref<10112x128xf32, #tpu.memory_space<hbm>> -> memref<632x128xf32, #tpu.memory_space<hbm>>
      tpu.wait_dma2 semaphore(%run_scoped3A : memref<!tpu.dma_semaphore, #tpu.memory_space<semaphore_mem>>) src(%dma_wait3A_14 : memref<632x128xf32, #tpu.memory_space<hbm>>) dst(%dma_wait3A_12 : memref<632x128xf32, #tpu.memory_space<vmem_shared>>)
      tpu.yield
    }) : () -> ()
    "tpu.region"() ({
      %run_scoped3A = tpu.sem_alloc : memref<!tpu.dma_semaphore, #tpu.memory_space<semaphore_mem>>
      tpu.enqueue_dma source(%arg4 : memref<128x128xf32, #tpu.memory_space<hbm>>) target(%arg8 : memref<128x128xf32, #tpu.memory_space<vmem>>) target_semaphore(%run_scoped3A : memref<!tpu.dma_semaphore, #tpu.memory_space<semaphore_mem>>)
      tpu.wait_dma2 semaphore(%run_scoped3A : memref<!tpu.dma_semaphore, #tpu.memory_space<semaphore_mem>>) src(%arg4 : memref<128x128xf32, #tpu.memory_space<hbm>>) dst(%arg8 : memref<128x128xf32, #tpu.memory_space<vmem>>)
      tpu.yield
    }) : () -> ()
    %barrier3A = arith.constant 0 : index
    tpu.barrier barrier_id(%barrier3A)
    %scan3A = arith.constant 0 : i32
    %scan3A_3 = arith.constant 0 : i32
    %scan3A_4 = arith.constant 5 : i32
    %scan3A_5 = arith.addi %scan3A_3, %scan3A_4 : i32
    %scan3A_6 = arith.constant 1 : i32
    scf.for %scan3A_9 = %scan3A_3 to %scan3A_5 step %scan3A_6  : i32 {
      %mul3A_10 = arith.constant 8 : i32
      %mul3A_11 = arith.muli %mul3A_10, %scan3A_9 : i32
      "tpu.region"() ({
        %run_scoped3A_27 = tpu.sem_alloc : memref<!tpu.dma_semaphore, #tpu.memory_space<semaphore_mem>>
        %dma_start3A = arith.constant 0 : i32
        %dma_start3A_28 = arith.constant 0 : i32
        %dma_start3A_29 = arith.constant 0 : i32
        %dma_start3A_30 = tpu.memref_slice %arg2[%add3A, %dma_start3A, %dma_start3A_28, %dma_start3A_29] : memref<32x40x1x128xi32, #tpu.memory_space<hbm>> -> memref<1x40x1x128xi32, #tpu.memory_space<hbm>>
        %dma_start3A_31 = tpu.memref_squeeze %dma_start3A_30 : memref<1x40x1x128xi32, #tpu.memory_space<hbm>> -> memref<40x1x128xi32, #tpu.memory_space<hbm>>
        %dma_start3A_32 = arith.constant 0 : i32
        %dma_start3A_33 = arith.constant 0 : i32
        %dma_start3A_34 = tpu.memref_slice %dma_start3A_31[%mul3A_11, %dma_start3A_32, %dma_start3A_33] : memref<40x1x128xi32, #tpu.memory_space<hbm>> -> memref<8x1x128xi32, #tpu.memory_space<hbm>>
        %dma_start3A_35 = arith.constant 0 : i32
        %dma_start3A_36 = arith.constant 0 : i32
        %dma_start3A_37 = arith.constant 0 : i32
        %dma_start3A_38 = tpu.memref_slice %arg2[%add3A, %dma_start3A_35, %dma_start3A_36, %dma_start3A_37] : memref<32x40x1x128xi32, #tpu.memory_space<hbm>> -> memref<1x40x1x128xi32, #tpu.memory_space<hbm>>
        %dma_start3A_39 = tpu.memref_squeeze %dma_start3A_38 : memref<1x40x1x128xi32, #tpu.memory_space<hbm>> -> memref<40x1x128xi32, #tpu.memory_space<hbm>>
        %dma_start3A_40 = arith.constant 0 : i32
        %dma_start3A_41 = arith.constant 0 : i32
        %dma_start3A_42 = tpu.memref_slice %dma_start3A_39[%mul3A_11, %dma_start3A_40, %dma_start3A_41] : memref<40x1x128xi32, #tpu.memory_space<hbm>> -> memref<8x1x128xi32, #tpu.memory_space<hbm>>
        tpu.enqueue_dma source(%dma_start3A_42 : memref<8x1x128xi32, #tpu.memory_space<hbm>>) target(%arg7 : memref<8x1x128xi32, #tpu.memory_space<vmem>>) target_semaphore(%run_scoped3A_27 : memref<!tpu.dma_semaphore, #tpu.memory_space<semaphore_mem>>)
        %dma_wait3A = arith.constant 0 : i32
        %dma_wait3A_43 = arith.constant 0 : i32
        %dma_wait3A_44 = arith.constant 0 : i32
        %dma_wait3A_45 = tpu.memref_slice %arg2[%add3A, %dma_wait3A, %dma_wait3A_43, %dma_wait3A_44] : memref<32x40x1x128xi32, #tpu.memory_space<hbm>> -> memref<1x40x1x128xi32, #tpu.memory_space<hbm>>
        %dma_wait3A_46 = tpu.memref_squeeze %dma_wait3A_45 : memref<1x40x1x128xi32, #tpu.memory_space<hbm>> -> memref<40x1x128xi32, #tpu.memory_space<hbm>>
        %dma_wait3A_47 = arith.constant 0 : i32
        %dma_wait3A_48 = arith.constant 0 : i32
        %dma_wait3A_49 = tpu.memref_slice %dma_wait3A_46[%mul3A_11, %dma_wait3A_47, %dma_wait3A_48] : memref<40x1x128xi32, #tpu.memory_space<hbm>> -> memref<8x1x128xi32, #tpu.memory_space<hbm>>
        %dma_wait3A_50 = arith.constant 0 : i32
        %dma_wait3A_51 = arith.constant 0 : i32
        %dma_wait3A_52 = arith.constant 0 : i32
        %dma_wait3A_53 = tpu.memref_slice %arg2[%add3A, %dma_wait3A_50, %dma_wait3A_51, %dma_wait3A_52] : memref<32x40x1x128xi32, #tpu.memory_space<hbm>> -> memref<1x40x1x128xi32, #tpu.memory_space<hbm>>
        %dma_wait3A_54 = tpu.memref_squeeze %dma_wait3A_53 : memref<1x40x1x128xi32, #tpu.memory_space<hbm>> -> memref<40x1x128xi32, #tpu.memory_space<hbm>>
        %dma_wait3A_55 = arith.constant 0 : i32
        %dma_wait3A_56 = arith.constant 0 : i32
        %dma_wait3A_57 = tpu.memref_slice %dma_wait3A_54[%mul3A_11, %dma_wait3A_55, %dma_wait3A_56] : memref<40x1x128xi32, #tpu.memory_space<hbm>> -> memref<8x1x128xi32, #tpu.memory_space<hbm>>
        tpu.wait_dma2 semaphore(%run_scoped3A_27 : memref<!tpu.dma_semaphore, #tpu.memory_space<semaphore_mem>>) src(%dma_wait3A_57 : memref<8x1x128xi32, #tpu.memory_space<hbm>>) dst(%arg7 : memref<8x1x128xi32, #tpu.memory_space<vmem>>)
        tpu.yield
      }) : () -> ()
      %run_scoped3A = arith.constant 0 : i32
      %run_scoped3A_12 = arith.constant 0 : i32
      "tpu.region"() ({
        %run_scoped3A_27 = tpu.sem_alloc : memref<!tpu.dma_semaphore, #tpu.memory_space<semaphore_mem>>
        %dma_start3A = arith.constant 0 : i32
        %dma_start3A_28 = arith.constant 0 : i32
        %dma_start3A_29 = tpu.memref_slice %arg7[%run_scoped3A, %dma_start3A, %dma_start3A_28] : memref<8x1x128xi32, #tpu.memory_space<vmem>> -> memref<1x1x128xi32, #tpu.memory_space<vmem>>
        %dma_start3A_30 = tpu.memref_squeeze %dma_start3A_29 : memref<1x1x128xi32, #tpu.memory_space<vmem>> -> memref<1x128xi32, #tpu.memory_space<vmem>>
        %dma_start3A_31 = arith.constant 0 : i32
        %dma_start3A_32 = tpu.memref_slice %dma_start3A_30[%run_scoped3A_12, %dma_start3A_31] : memref<1x128xi32, #tpu.memory_space<vmem>> -> memref<1x128xi32, #tpu.memory_space<vmem>>
        %dma_start3A_33 = tpu.memref_squeeze %dma_start3A_32 : memref<1x128xi32, #tpu.memory_space<vmem>> -> memref<128xi32, #tpu.memory_space<vmem>>
        %dma_start3A_34 = arith.constant 0 : i32
        %dma_start3A_35 = arith.constant 0 : i32
        %dma_start3A_36 = tpu.memref_slice %arg6[%dma_start3A_34, %dma_start3A_35] : memref<10112x128xf32, #tpu.memory_space<vmem_shared>> -> memref<10112x128xf32, #tpu.memory_space<vmem_shared>>
        tpu.enqueue_indirect_dma source(%arg8 : memref<128x128xf32, #tpu.memory_space<vmem>>) target(%dma_start3A_36 : memref<10112x128xf32, #tpu.memory_space<vmem_shared>>) offsets(%dma_start3A_33 : memref<128xi32, #tpu.memory_space<vmem>>) semaphore(%run_scoped3A_27 : memref<!tpu.dma_semaphore, #tpu.memory_space<semaphore_mem>>) {add = true}
        %dma_wait3A = arith.constant 0 : i32
        %dma_wait3A_37 = arith.constant 0 : i32
        %dma_wait3A_38 = tpu.memref_slice %arg7[%run_scoped3A, %dma_wait3A, %dma_wait3A_37] : memref<8x1x128xi32, #tpu.memory_space<vmem>> -> memref<1x1x128xi32, #tpu.memory_space<vmem>>
        %dma_wait3A_39 = tpu.memref_squeeze %dma_wait3A_38 : memref<1x1x128xi32, #tpu.memory_space<vmem>> -> memref<1x128xi32, #tpu.memory_space<vmem>>
        %dma_wait3A_40 = arith.constant 0 : i32
        %dma_wait3A_41 = tpu.memref_slice %dma_wait3A_39[%run_scoped3A_12, %dma_wait3A_40] : memref<1x128xi32, #tpu.memory_space<vmem>> -> memref<1x128xi32, #tpu.memory_space<vmem>>
        %dma_wait3A_42 = tpu.memref_squeeze %dma_wait3A_41 : memref<1x128xi32, #tpu.memory_space<vmem>> -> memref<128xi32, #tpu.memory_space<vmem>>
        %dma_wait3A_43 = arith.constant 0 : i32
        %dma_wait3A_44 = arith.constant 0 : i32
        %dma_wait3A_45 = tpu.memref_slice %arg6[%dma_wait3A_43, %dma_wait3A_44] : memref<10112x128xf32, #tpu.memory_space<vmem_shared>> -> memref<10112x128xf32, #tpu.memory_space<vmem_shared>>
        tpu.wait_indirect_dma semaphore(%run_scoped3A_27 : memref<!tpu.dma_semaphore, #tpu.memory_space<semaphore_mem>>) src(%arg8 : memref<128x128xf32, #tpu.memory_space<vmem>>) dst(%dma_wait3A_45 : memref<10112x128xf32, #tpu.memory_space<vmem_shared>>)
        tpu.yield
      }) : () -> ()
      %run_scoped3A_13 = arith.constant 1 : i32
      %run_scoped3A_14 = arith.constant 0 : i32
      "tpu.region"() ({
        %run_scoped3A_27 = tpu.sem_alloc : memref<!tpu.dma_semaphore, #tpu.memory_space<semaphore_mem>>
        %dma_start3A = arith.constant 0 : i32
        %dma_start3A_28 = arith.constant 0 : i32
        %dma_start3A_29 = tpu.memref_slice %arg7[%run_scoped3A_13, %dma_start3A, %dma_start3A_28] : memref<8x1x128xi32, #tpu.memory_space<vmem>> -> memref<1x1x128xi32, #tpu.memory_space<vmem>>
        %dma_start3A_30 = tpu.memref_squeeze %dma_start3A_29 : memref<1x1x128xi32, #tpu.memory_space<vmem>> -> memref<1x128xi32, #tpu.memory_space<vmem>>
        %dma_start3A_31 = arith.constant 0 : i32
        %dma_start3A_32 = tpu.memref_slice %dma_start3A_30[%run_scoped3A_14, %dma_start3A_31] : memref<1x128xi32, #tpu.memory_space<vmem>> -> memref<1x128xi32, #tpu.memory_space<vmem>>
        %dma_start3A_33 = tpu.memref_squeeze %dma_start3A_32 : memref<1x128xi32, #tpu.memory_space<vmem>> -> memref<128xi32, #tpu.memory_space<vmem>>
        %dma_start3A_34 = arith.constant 0 : i32
        %dma_start3A_35 = arith.constant 0 : i32
        %dma_start3A_36 = tpu.memref_slice %arg6[%dma_start3A_34, %dma_start3A_35] : memref<10112x128xf32, #tpu.memory_space<vmem_shared>> -> memref<10112x128xf32, #tpu.memory_space<vmem_shared>>
        tpu.enqueue_indirect_dma source(%arg8 : memref<128x128xf32, #tpu.memory_space<vmem>>) target(%dma_start3A_36 : memref<10112x128xf32, #tpu.memory_space<vmem_shared>>) offsets(%dma_start3A_33 : memref<128xi32, #tpu.memory_space<vmem>>) semaphore(%run_scoped3A_27 : memref<!tpu.dma_semaphore, #tpu.memory_space<semaphore_mem>>) {add = true}
        %dma_wait3A = arith.constant 0 : i32
        %dma_wait3A_37 = arith.constant 0 : i32
        %dma_wait3A_38 = tpu.memref_slice %arg7[%run_scoped3A_13, %dma_wait3A, %dma_wait3A_37] : memref<8x1x128xi32, #tpu.memory_space<vmem>> -> memref<1x1x128xi32, #tpu.memory_space<vmem>>
        %dma_wait3A_39 = tpu.memref_squeeze %dma_wait3A_38 : memref<1x1x128xi32, #tpu.memory_space<vmem>> -> memref<1x128xi32, #tpu.memory_space<vmem>>
        %dma_wait3A_40 = arith.constant 0 : i32
        %dma_wait3A_41 = tpu.memref_slice %dma_wait3A_39[%run_scoped3A_14, %dma_wait3A_40] : memref<1x128xi32, #tpu.memory_space<vmem>> -> memref<1x128xi32, #tpu.memory_space<vmem>>
        %dma_wait3A_42 = tpu.memref_squeeze %dma_wait3A_41 : memref<1x128xi32, #tpu.memory_space<vmem>> -> memref<128xi32, #tpu.memory_space<vmem>>
        %dma_wait3A_43 = arith.constant 0 : i32
        %dma_wait3A_44 = arith.constant 0 : i32
        %dma_wait3A_45 = tpu.memref_slice %arg6[%dma_wait3A_43, %dma_wait3A_44] : memref<10112x128xf32, #tpu.memory_space<vmem_shared>> -> memref<10112x128xf32, #tpu.memory_space<vmem_shared>>
        tpu.wait_indirect_dma semaphore(%run_scoped3A_27 : memref<!tpu.dma_semaphore, #tpu.memory_space<semaphore_mem>>) src(%arg8 : memref<128x128xf32, #tpu.memory_space<vmem>>) dst(%dma_wait3A_45 : memref<10112x128xf32, #tpu.memory_space<vmem_shared>>)
        tpu.yield
      }) : () -> ()
      %run_scoped3A_15 = arith.constant 2 : i32
      %run_scoped3A_16 = arith.constant 0 : i32
      "tpu.region"() ({
        %run_scoped3A_27 = tpu.sem_alloc : memref<!tpu.dma_semaphore, #tpu.memory_space<semaphore_mem>>
        %dma_start3A = arith.constant 0 : i32
        %dma_start3A_28 = arith.constant 0 : i32
        %dma_start3A_29 = tpu.memref_slice %arg7[%run_scoped3A_15, %dma_start3A, %dma_start3A_28] : memref<8x1x128xi32, #tpu.memory_space<vmem>> -> memref<1x1x128xi32, #tpu.memory_space<vmem>>
        %dma_start3A_30 = tpu.memref_squeeze %dma_start3A_29 : memref<1x1x128xi32, #tpu.memory_space<vmem>> -> memref<1x128xi32, #tpu.memory_space<vmem>>
        %dma_start3A_31 = arith.constant 0 : i32
        %dma_start3A_32 = tpu.memref_slice %dma_start3A_30[%run_scoped3A_16, %dma_start3A_31] : memref<1x128xi32, #tpu.memory_space<vmem>> -> memref<1x128xi32, #tpu.memory_space<vmem>>
        %dma_start3A_33 = tpu.memref_squeeze %dma_start3A_32 : memref<1x128xi32, #tpu.memory_space<vmem>> -> memref<128xi32, #tpu.memory_space<vmem>>
        %dma_start3A_34 = arith.constant 0 : i32
        %dma_start3A_35 = arith.constant 0 : i32
        %dma_start3A_36 = tpu.memref_slice %arg6[%dma_start3A_34, %dma_start3A_35] : memref<10112x128xf32, #tpu.memory_space<vmem_shared>> -> memref<10112x128xf32, #tpu.memory_space<vmem_shared>>
        tpu.enqueue_indirect_dma source(%arg8 : memref<128x128xf32, #tpu.memory_space<vmem>>) target(%dma_start3A_36 : memref<10112x128xf32, #tpu.memory_space<vmem_shared>>) offsets(%dma_start3A_33 : memref<128xi32, #tpu.memory_space<vmem>>) semaphore(%run_scoped3A_27 : memref<!tpu.dma_semaphore, #tpu.memory_space<semaphore_mem>>) {add = true}
        %dma_wait3A = arith.constant 0 : i32
        %dma_wait3A_37 = arith.constant 0 : i32
        %dma_wait3A_38 = tpu.memref_slice %arg7[%run_scoped3A_15, %dma_wait3A, %dma_wait3A_37] : memref<8x1x128xi32, #tpu.memory_space<vmem>> -> memref<1x1x128xi32, #tpu.memory_space<vmem>>
        %dma_wait3A_39 = tpu.memref_squeeze %dma_wait3A_38 : memref<1x1x128xi32, #tpu.memory_space<vmem>> -> memref<1x128xi32, #tpu.memory_space<vmem>>
        %dma_wait3A_40 = arith.constant 0 : i32
        %dma_wait3A_41 = tpu.memref_slice %dma_wait3A_39[%run_scoped3A_16, %dma_wait3A_40] : memref<1x128xi32, #tpu.memory_space<vmem>> -> memref<1x128xi32, #tpu.memory_space<vmem>>
        %dma_wait3A_42 = tpu.memref_squeeze %dma_wait3A_41 : memref<1x128xi32, #tpu.memory_space<vmem>> -> memref<128xi32, #tpu.memory_space<vmem>>
        %dma_wait3A_43 = arith.constant 0 : i32
        %dma_wait3A_44 = arith.constant 0 : i32
        %dma_wait3A_45 = tpu.memref_slice %arg6[%dma_wait3A_43, %dma_wait3A_44] : memref<10112x128xf32, #tpu.memory_space<vmem_shared>> -> memref<10112x128xf32, #tpu.memory_space<vmem_shared>>
        tpu.wait_indirect_dma semaphore(%run_scoped3A_27 : memref<!tpu.dma_semaphore, #tpu.memory_space<semaphore_mem>>) src(%arg8 : memref<128x128xf32, #tpu.memory_space<vmem>>) dst(%dma_wait3A_45 : memref<10112x128xf32, #tpu.memory_space<vmem_shared>>)
        tpu.yield
      }) : () -> ()
      %run_scoped3A_17 = arith.constant 3 : i32
      %run_scoped3A_18 = arith.constant 0 : i32
      "tpu.region"() ({
        %run_scoped3A_27 = tpu.sem_alloc : memref<!tpu.dma_semaphore, #tpu.memory_space<semaphore_mem>>
        %dma_start3A = arith.constant 0 : i32
        %dma_start3A_28 = arith.constant 0 : i32
        %dma_start3A_29 = tpu.memref_slice %arg7[%run_scoped3A_17, %dma_start3A, %dma_start3A_28] : memref<8x1x128xi32, #tpu.memory_space<vmem>> -> memref<1x1x128xi32, #tpu.memory_space<vmem>>
        %dma_start3A_30 = tpu.memref_squeeze %dma_start3A_29 : memref<1x1x128xi32, #tpu.memory_space<vmem>> -> memref<1x128xi32, #tpu.memory_space<vmem>>
        %dma_start3A_31 = arith.constant 0 : i32
        %dma_start3A_32 = tpu.memref_slice %dma_start3A_30[%run_scoped3A_18, %dma_start3A_31] : memref<1x128xi32, #tpu.memory_space<vmem>> -> memref<1x128xi32, #tpu.memory_space<vmem>>
        %dma_start3A_33 = tpu.memref_squeeze %dma_start3A_32 : memref<1x128xi32, #tpu.memory_space<vmem>> -> memref<128xi32, #tpu.memory_space<vmem>>
        %dma_start3A_34 = arith.constant 0 : i32
        %dma_start3A_35 = arith.constant 0 : i32
        %dma_start3A_36 = tpu.memref_slice %arg6[%dma_start3A_34, %dma_start3A_35] : memref<10112x128xf32, #tpu.memory_space<vmem_shared>> -> memref<10112x128xf32, #tpu.memory_space<vmem_shared>>
        tpu.enqueue_indirect_dma source(%arg8 : memref<128x128xf32, #tpu.memory_space<vmem>>) target(%dma_start3A_36 : memref<10112x128xf32, #tpu.memory_space<vmem_shared>>) offsets(%dma_start3A_33 : memref<128xi32, #tpu.memory_space<vmem>>) semaphore(%run_scoped3A_27 : memref<!tpu.dma_semaphore, #tpu.memory_space<semaphore_mem>>) {add = true}
        %dma_wait3A = arith.constant 0 : i32
        %dma_wait3A_37 = arith.constant 0 : i32
        %dma_wait3A_38 = tpu.memref_slice %arg7[%run_scoped3A_17, %dma_wait3A, %dma_wait3A_37] : memref<8x1x128xi32, #tpu.memory_space<vmem>> -> memref<1x1x128xi32, #tpu.memory_space<vmem>>
        %dma_wait3A_39 = tpu.memref_squeeze %dma_wait3A_38 : memref<1x1x128xi32, #tpu.memory_space<vmem>> -> memref<1x128xi32, #tpu.memory_space<vmem>>
        %dma_wait3A_40 = arith.constant 0 : i32
        %dma_wait3A_41 = tpu.memref_slice %dma_wait3A_39[%run_scoped3A_18, %dma_wait3A_40] : memref<1x128xi32, #tpu.memory_space<vmem>> -> memref<1x128xi32, #tpu.memory_space<vmem>>
        %dma_wait3A_42 = tpu.memref_squeeze %dma_wait3A_41 : memref<1x128xi32, #tpu.memory_space<vmem>> -> memref<128xi32, #tpu.memory_space<vmem>>
        %dma_wait3A_43 = arith.constant 0 : i32
        %dma_wait3A_44 = arith.constant 0 : i32
        %dma_wait3A_45 = tpu.memref_slice %arg6[%dma_wait3A_43, %dma_wait3A_44] : memref<10112x128xf32, #tpu.memory_space<vmem_shared>> -> memref<10112x128xf32, #tpu.memory_space<vmem_shared>>
        tpu.wait_indirect_dma semaphore(%run_scoped3A_27 : memref<!tpu.dma_semaphore, #tpu.memory_space<semaphore_mem>>) src(%arg8 : memref<128x128xf32, #tpu.memory_space<vmem>>) dst(%dma_wait3A_45 : memref<10112x128xf32, #tpu.memory_space<vmem_shared>>)
        tpu.yield
      }) : () -> ()
      %run_scoped3A_19 = arith.constant 4 : i32
      %run_scoped3A_20 = arith.constant 0 : i32
      "tpu.region"() ({
        %run_scoped3A_27 = tpu.sem_alloc : memref<!tpu.dma_semaphore, #tpu.memory_space<semaphore_mem>>
        %dma_start3A = arith.constant 0 : i32
        %dma_start3A_28 = arith.constant 0 : i32
        %dma_start3A_29 = tpu.memref_slice %arg7[%run_scoped3A_19, %dma_start3A, %dma_start3A_28] : memref<8x1x128xi32, #tpu.memory_space<vmem>> -> memref<1x1x128xi32, #tpu.memory_space<vmem>>
        %dma_start3A_30 = tpu.memref_squeeze %dma_start3A_29 : memref<1x1x128xi32, #tpu.memory_space<vmem>> -> memref<1x128xi32, #tpu.memory_space<vmem>>
        %dma_start3A_31 = arith.constant 0 : i32
        %dma_start3A_32 = tpu.memref_slice %dma_start3A_30[%run_scoped3A_20, %dma_start3A_31] : memref<1x128xi32, #tpu.memory_space<vmem>> -> memref<1x128xi32, #tpu.memory_space<vmem>>
        %dma_start3A_33 = tpu.memref_squeeze %dma_start3A_32 : memref<1x128xi32, #tpu.memory_space<vmem>> -> memref<128xi32, #tpu.memory_space<vmem>>
        %dma_start3A_34 = arith.constant 0 : i32
        %dma_start3A_35 = arith.constant 0 : i32
        %dma_start3A_36 = tpu.memref_slice %arg6[%dma_start3A_34, %dma_start3A_35] : memref<10112x128xf32, #tpu.memory_space<vmem_shared>> -> memref<10112x128xf32, #tpu.memory_space<vmem_shared>>
        tpu.enqueue_indirect_dma source(%arg8 : memref<128x128xf32, #tpu.memory_space<vmem>>) target(%dma_start3A_36 : memref<10112x128xf32, #tpu.memory_space<vmem_shared>>) offsets(%dma_start3A_33 : memref<128xi32, #tpu.memory_space<vmem>>) semaphore(%run_scoped3A_27 : memref<!tpu.dma_semaphore, #tpu.memory_space<semaphore_mem>>) {add = true}
        %dma_wait3A = arith.constant 0 : i32
        %dma_wait3A_37 = arith.constant 0 : i32
        %dma_wait3A_38 = tpu.memref_slice %arg7[%run_scoped3A_19, %dma_wait3A, %dma_wait3A_37] : memref<8x1x128xi32, #tpu.memory_space<vmem>> -> memref<1x1x128xi32, #tpu.memory_space<vmem>>
        %dma_wait3A_39 = tpu.memref_squeeze %dma_wait3A_38 : memref<1x1x128xi32, #tpu.memory_space<vmem>> -> memref<1x128xi32, #tpu.memory_space<vmem>>
        %dma_wait3A_40 = arith.constant 0 : i32
        %dma_wait3A_41 = tpu.memref_slice %dma_wait3A_39[%run_scoped3A_20, %dma_wait3A_40] : memref<1x128xi32, #tpu.memory_space<vmem>> -> memref<1x128xi32, #tpu.memory_space<vmem>>
        %dma_wait3A_42 = tpu.memref_squeeze %dma_wait3A_41 : memref<1x128xi32, #tpu.memory_space<vmem>> -> memref<128xi32, #tpu.memory_space<vmem>>
        %dma_wait3A_43 = arith.constant 0 : i32
        %dma_wait3A_44 = arith.constant 0 : i32
        %dma_wait3A_45 = tpu.memref_slice %arg6[%dma_wait3A_43, %dma_wait3A_44] : memref<10112x128xf32, #tpu.memory_space<vmem_shared>> -> memref<10112x128xf32, #tpu.memory_space<vmem_shared>>
        tpu.wait_indirect_dma semaphore(%run_scoped3A_27 : memref<!tpu.dma_semaphore, #tpu.memory_space<semaphore_mem>>) src(%arg8 : memref<128x128xf32, #tpu.memory_space<vmem>>) dst(%dma_wait3A_45 : memref<10112x128xf32, #tpu.memory_space<vmem_shared>>)
        tpu.yield
      }) : () -> ()
      %run_scoped3A_21 = arith.constant 5 : i32
      %run_scoped3A_22 = arith.constant 0 : i32
      "tpu.region"() ({
        %run_scoped3A_27 = tpu.sem_alloc : memref<!tpu.dma_semaphore, #tpu.memory_space<semaphore_mem>>
        %dma_start3A = arith.constant 0 : i32
        %dma_start3A_28 = arith.constant 0 : i32
        %dma_start3A_29 = tpu.memref_slice %arg7[%run_scoped3A_21, %dma_start3A, %dma_start3A_28] : memref<8x1x128xi32, #tpu.memory_space<vmem>> -> memref<1x1x128xi32, #tpu.memory_space<vmem>>
        %dma_start3A_30 = tpu.memref_squeeze %dma_start3A_29 : memref<1x1x128xi32, #tpu.memory_space<vmem>> -> memref<1x128xi32, #tpu.memory_space<vmem>>
        %dma_start3A_31 = arith.constant 0 : i32
        %dma_start3A_32 = tpu.memref_slice %dma_start3A_30[%run_scoped3A_22, %dma_start3A_31] : memref<1x128xi32, #tpu.memory_space<vmem>> -> memref<1x128xi32, #tpu.memory_space<vmem>>
        %dma_start3A_33 = tpu.memref_squeeze %dma_start3A_32 : memref<1x128xi32, #tpu.memory_space<vmem>> -> memref<128xi32, #tpu.memory_space<vmem>>
        %dma_start3A_34 = arith.constant 0 : i32
        %dma_start3A_35 = arith.constant 0 : i32
        %dma_start3A_36 = tpu.memref_slice %arg6[%dma_start3A_34, %dma_start3A_35] : memref<10112x128xf32, #tpu.memory_space<vmem_shared>> -> memref<10112x128xf32, #tpu.memory_space<vmem_shared>>
        tpu.enqueue_indirect_dma source(%arg8 : memref<128x128xf32, #tpu.memory_space<vmem>>) target(%dma_start3A_36 : memref<10112x128xf32, #tpu.memory_space<vmem_shared>>) offsets(%dma_start3A_33 : memref<128xi32, #tpu.memory_space<vmem>>) semaphore(%run_scoped3A_27 : memref<!tpu.dma_semaphore, #tpu.memory_space<semaphore_mem>>) {add = true}
        %dma_wait3A = arith.constant 0 : i32
        %dma_wait3A_37 = arith.constant 0 : i32
        %dma_wait3A_38 = tpu.memref_slice %arg7[%run_scoped3A_21, %dma_wait3A, %dma_wait3A_37] : memref<8x1x128xi32, #tpu.memory_space<vmem>> -> memref<1x1x128xi32, #tpu.memory_space<vmem>>
        %dma_wait3A_39 = tpu.memref_squeeze %dma_wait3A_38 : memref<1x1x128xi32, #tpu.memory_space<vmem>> -> memref<1x128xi32, #tpu.memory_space<vmem>>
        %dma_wait3A_40 = arith.constant 0 : i32
        %dma_wait3A_41 = tpu.memref_slice %dma_wait3A_39[%run_scoped3A_22, %dma_wait3A_40] : memref<1x128xi32, #tpu.memory_space<vmem>> -> memref<1x128xi32, #tpu.memory_space<vmem>>
        %dma_wait3A_42 = tpu.memref_squeeze %dma_wait3A_41 : memref<1x128xi32, #tpu.memory_space<vmem>> -> memref<128xi32, #tpu.memory_space<vmem>>
        %dma_wait3A_43 = arith.constant 0 : i32
        %dma_wait3A_44 = arith.constant 0 : i32
        %dma_wait3A_45 = tpu.memref_slice %arg6[%dma_wait3A_43, %dma_wait3A_44] : memref<10112x128xf32, #tpu.memory_space<vmem_shared>> -> memref<10112x128xf32, #tpu.memory_space<vmem_shared>>
        tpu.wait_indirect_dma semaphore(%run_scoped3A_27 : memref<!tpu.dma_semaphore, #tpu.memory_space<semaphore_mem>>) src(%arg8 : memref<128x128xf32, #tpu.memory_space<vmem>>) dst(%dma_wait3A_45 : memref<10112x128xf32, #tpu.memory_space<vmem_shared>>)
        tpu.yield
      }) : () -> ()
      %run_scoped3A_23 = arith.constant 6 : i32
      %run_scoped3A_24 = arith.constant 0 : i32
      "tpu.region"() ({
        %run_scoped3A_27 = tpu.sem_alloc : memref<!tpu.dma_semaphore, #tpu.memory_space<semaphore_mem>>
        %dma_start3A = arith.constant 0 : i32
        %dma_start3A_28 = arith.constant 0 : i32
        %dma_start3A_29 = tpu.memref_slice %arg7[%run_scoped3A_23, %dma_start3A, %dma_start3A_28] : memref<8x1x128xi32, #tpu.memory_space<vmem>> -> memref<1x1x128xi32, #tpu.memory_space<vmem>>
        %dma_start3A_30 = tpu.memref_squeeze %dma_start3A_29 : memref<1x1x128xi32, #tpu.memory_space<vmem>> -> memref<1x128xi32, #tpu.memory_space<vmem>>
        %dma_start3A_31 = arith.constant 0 : i32
        %dma_start3A_32 = tpu.memref_slice %dma_start3A_30[%run_scoped3A_24, %dma_start3A_31] : memref<1x128xi32, #tpu.memory_space<vmem>> -> memref<1x128xi32, #tpu.memory_space<vmem>>
        %dma_start3A_33 = tpu.memref_squeeze %dma_start3A_32 : memref<1x128xi32, #tpu.memory_space<vmem>> -> memref<128xi32, #tpu.memory_space<vmem>>
        %dma_start3A_34 = arith.constant 0 : i32
        %dma_start3A_35 = arith.constant 0 : i32
        %dma_start3A_36 = tpu.memref_slice %arg6[%dma_start3A_34, %dma_start3A_35] : memref<10112x128xf32, #tpu.memory_space<vmem_shared>> -> memref<10112x128xf32, #tpu.memory_space<vmem_shared>>
        tpu.enqueue_indirect_dma source(%arg8 : memref<128x128xf32, #tpu.memory_space<vmem>>) target(%dma_start3A_36 : memref<10112x128xf32, #tpu.memory_space<vmem_shared>>) offsets(%dma_start3A_33 : memref<128xi32, #tpu.memory_space<vmem>>) semaphore(%run_scoped3A_27 : memref<!tpu.dma_semaphore, #tpu.memory_space<semaphore_mem>>) {add = true}
        %dma_wait3A = arith.constant 0 : i32
        %dma_wait3A_37 = arith.constant 0 : i32
        %dma_wait3A_38 = tpu.memref_slice %arg7[%run_scoped3A_23, %dma_wait3A, %dma_wait3A_37] : memref<8x1x128xi32, #tpu.memory_space<vmem>> -> memref<1x1x128xi32, #tpu.memory_space<vmem>>
        %dma_wait3A_39 = tpu.memref_squeeze %dma_wait3A_38 : memref<1x1x128xi32, #tpu.memory_space<vmem>> -> memref<1x128xi32, #tpu.memory_space<vmem>>
        %dma_wait3A_40 = arith.constant 0 : i32
        %dma_wait3A_41 = tpu.memref_slice %dma_wait3A_39[%run_scoped3A_24, %dma_wait3A_40] : memref<1x128xi32, #tpu.memory_space<vmem>> -> memref<1x128xi32, #tpu.memory_space<vmem>>
        %dma_wait3A_42 = tpu.memref_squeeze %dma_wait3A_41 : memref<1x128xi32, #tpu.memory_space<vmem>> -> memref<128xi32, #tpu.memory_space<vmem>>
        %dma_wait3A_43 = arith.constant 0 : i32
        %dma_wait3A_44 = arith.constant 0 : i32
        %dma_wait3A_45 = tpu.memref_slice %arg6[%dma_wait3A_43, %dma_wait3A_44] : memref<10112x128xf32, #tpu.memory_space<vmem_shared>> -> memref<10112x128xf32, #tpu.memory_space<vmem_shared>>
        tpu.wait_indirect_dma semaphore(%run_scoped3A_27 : memref<!tpu.dma_semaphore, #tpu.memory_space<semaphore_mem>>) src(%arg8 : memref<128x128xf32, #tpu.memory_space<vmem>>) dst(%dma_wait3A_45 : memref<10112x128xf32, #tpu.memory_space<vmem_shared>>)
        tpu.yield
      }) : () -> ()
      %run_scoped3A_25 = arith.constant 7 : i32
      %run_scoped3A_26 = arith.constant 0 : i32
      "tpu.region"() ({
        %run_scoped3A_27 = tpu.sem_alloc : memref<!tpu.dma_semaphore, #tpu.memory_space<semaphore_mem>>
        %dma_start3A = arith.constant 0 : i32
        %dma_start3A_28 = arith.constant 0 : i32
        %dma_start3A_29 = tpu.memref_slice %arg7[%run_scoped3A_25, %dma_start3A, %dma_start3A_28] : memref<8x1x128xi32, #tpu.memory_space<vmem>> -> memref<1x1x128xi32, #tpu.memory_space<vmem>>
        %dma_start3A_30 = tpu.memref_squeeze %dma_start3A_29 : memref<1x1x128xi32, #tpu.memory_space<vmem>> -> memref<1x128xi32, #tpu.memory_space<vmem>>
        %dma_start3A_31 = arith.constant 0 : i32
        %dma_start3A_32 = tpu.memref_slice %dma_start3A_30[%run_scoped3A_26, %dma_start3A_31] : memref<1x128xi32, #tpu.memory_space<vmem>> -> memref<1x128xi32, #tpu.memory_space<vmem>>
        %dma_start3A_33 = tpu.memref_squeeze %dma_start3A_32 : memref<1x128xi32, #tpu.memory_space<vmem>> -> memref<128xi32, #tpu.memory_space<vmem>>
        %dma_start3A_34 = arith.constant 0 : i32
        %dma_start3A_35 = arith.constant 0 : i32
        %dma_start3A_36 = tpu.memref_slice %arg6[%dma_start3A_34, %dma_start3A_35] : memref<10112x128xf32, #tpu.memory_space<vmem_shared>> -> memref<10112x128xf32, #tpu.memory_space<vmem_shared>>
        tpu.enqueue_indirect_dma source(%arg8 : memref<128x128xf32, #tpu.memory_space<vmem>>) target(%dma_start3A_36 : memref<10112x128xf32, #tpu.memory_space<vmem_shared>>) offsets(%dma_start3A_33 : memref<128xi32, #tpu.memory_space<vmem>>) semaphore(%run_scoped3A_27 : memref<!tpu.dma_semaphore, #tpu.memory_space<semaphore_mem>>) {add = true}
        %dma_wait3A = arith.constant 0 : i32
        %dma_wait3A_37 = arith.constant 0 : i32
        %dma_wait3A_38 = tpu.memref_slice %arg7[%run_scoped3A_25, %dma_wait3A, %dma_wait3A_37] : memref<8x1x128xi32, #tpu.memory_space<vmem>> -> memref<1x1x128xi32, #tpu.memory_space<vmem>>
        %dma_wait3A_39 = tpu.memref_squeeze %dma_wait3A_38 : memref<1x1x128xi32, #tpu.memory_space<vmem>> -> memref<1x128xi32, #tpu.memory_space<vmem>>
        %dma_wait3A_40 = arith.constant 0 : i32
        %dma_wait3A_41 = tpu.memref_slice %dma_wait3A_39[%run_scoped3A_26, %dma_wait3A_40] : memref<1x128xi32, #tpu.memory_space<vmem>> -> memref<1x128xi32, #tpu.memory_space<vmem>>
        %dma_wait3A_42 = tpu.memref_squeeze %dma_wait3A_41 : memref<1x128xi32, #tpu.memory_space<vmem>> -> memref<128xi32, #tpu.memory_space<vmem>>
        %dma_wait3A_43 = arith.constant 0 : i32
        %dma_wait3A_44 = arith.constant 0 : i32
        %dma_wait3A_45 = tpu.memref_slice %arg6[%dma_wait3A_43, %dma_wait3A_44] : memref<10112x128xf32, #tpu.memory_space<vmem_shared>> -> memref<10112x128xf32, #tpu.memory_space<vmem_shared>>
        tpu.wait_indirect_dma semaphore(%run_scoped3A_27 : memref<!tpu.dma_semaphore, #tpu.memory_space<semaphore_mem>>) src(%arg8 : memref<128x128xf32, #tpu.memory_space<vmem>>) dst(%dma_wait3A_45 : memref<10112x128xf32, #tpu.memory_space<vmem_shared>>)
        tpu.yield
      }) : () -> ()
    }
    %scan3A_7 = arith.constant 5 : i32
    %barrier3A_8 = arith.constant 0 : index
    tpu.barrier barrier_id(%barrier3A_8)
    "tpu.region"() ({
      %run_scoped3A = tpu.sem_alloc : memref<!tpu.dma_semaphore, #tpu.memory_space<semaphore_mem>>
      %dma_start3A = arith.constant 0 : i32
      %dma_start3A_9 = arith.constant 0 : i32
      %dma_start3A_10 = tpu.memref_slice %arg5[%arg0, %dma_start3A, %dma_start3A_9] : memref<2x10112x128xf32, #tpu.memory_space<hbm>> -> memref<1x10112x128xf32, #tpu.memory_space<hbm>>
      %dma_start3A_11 = tpu.memref_squeeze %dma_start3A_10 : memref<1x10112x128xf32, #tpu.memory_space<hbm>> -> memref<10112x128xf32, #tpu.memory_space<hbm>>
      %dma_start3A_12 = arith.constant 0 : i32
      %dma_start3A_13 = tpu.memref_slice %dma_start3A_11[%mul3A_2, %dma_start3A_12] : memref<10112x128xf32, #tpu.memory_space<hbm>> -> memref<632x128xf32, #tpu.memory_space<hbm>>
      %dma_start3A_14 = arith.constant 0 : i32
      %dma_start3A_15 = tpu.memref_slice %arg6[%mul3A_2, %dma_start3A_14] : memref<10112x128xf32, #tpu.memory_space<vmem_shared>> -> memref<632x128xf32, #tpu.memory_space<vmem_shared>>
      tpu.enqueue_dma source(%dma_start3A_15 : memref<632x128xf32, #tpu.memory_space<vmem_shared>>) target(%dma_start3A_13 : memref<632x128xf32, #tpu.memory_space<hbm>>) target_semaphore(%run_scoped3A : memref<!tpu.dma_semaphore, #tpu.memory_space<semaphore_mem>>)
      %dma_wait3A = arith.constant 0 : i32
      %dma_wait3A_16 = arith.constant 0 : i32
      %dma_wait3A_17 = tpu.memref_slice %arg5[%arg0, %dma_wait3A, %dma_wait3A_16] : memref<2x10112x128xf32, #tpu.memory_space<hbm>> -> memref<1x10112x128xf32, #tpu.memory_space<hbm>>
      %dma_wait3A_18 = tpu.memref_squeeze %dma_wait3A_17 : memref<1x10112x128xf32, #tpu.memory_space<hbm>> -> memref<10112x128xf32, #tpu.memory_space<hbm>>
      %dma_wait3A_19 = arith.constant 0 : i32
      %dma_wait3A_20 = tpu.memref_slice %dma_wait3A_18[%mul3A_2, %dma_wait3A_19] : memref<10112x128xf32, #tpu.memory_space<hbm>> -> memref<632x128xf32, #tpu.memory_space<hbm>>
      %dma_wait3A_21 = arith.constant 0 : i32
      %dma_wait3A_22 = tpu.memref_slice %arg6[%mul3A_2, %dma_wait3A_21] : memref<10112x128xf32, #tpu.memory_space<vmem_shared>> -> memref<632x128xf32, #tpu.memory_space<vmem_shared>>
      tpu.wait_dma2 semaphore(%run_scoped3A : memref<!tpu.dma_semaphore, #tpu.memory_space<semaphore_mem>>) src(%dma_wait3A_22 : memref<632x128xf32, #tpu.memory_space<vmem_shared>>) dst(%dma_wait3A_20 : memref<632x128xf32, #tpu.memory_space<hbm>>)
      tpu.yield
    }) : () -> ()
    return
  }
}

module attributes {stable_mosaic.version = 14 : i64} {
  func.func @_mm_body(%arg0: i32, %arg1: memref<400x256xbf16, #tpu.memory_space<vmem>>, %arg2: memref<256x2560xbf16, #tpu.memory_space<vmem>>, %arg3: memref<2x400x1024xf32, #tpu.memory_space<vmem>>, %arg4: memref<400x256xf32, #tpu.memory_space<vmem>>, %arg5: memref<400x256xf32, #tpu.memory_space<vmem>>) attributes {dimension_semantics = [#tpu.dimension_semantics<arbitrary>], iteration_bounds = array<i64: 25>, scalar_prefetch = 0 : i64, scratch_operands = 0 : i64, tpu.core_type = #tpu.core_type<tc>, window_params = [{transform_indices = @transform_0, window_bounds = array<i64: 400, 256>}, {pipeline_mode = #tpu.pipeline_mode<synchronous>, transform_indices = @transform_1, window_bounds = array<i64: 256, 2560>}, {transform_indices = @transform_2, window_bounds = array<i64: 2, 400, 1024>}, {transform_indices = @transform_3, window_bounds = array<i64: 400, 256>}, {transform_indices = @transform_4, window_bounds = array<i64: 400, 256>}]} {
    %get3A = arith.constant 0 : index
    %get3A_0 = arith.constant 0 : index
    %get3A_1 = vector.load %arg1[%get3A, %get3A_0] : memref<400x256xbf16, #tpu.memory_space<vmem>>, vector<400x256xbf16>
    %get3A_2 = arith.constant 0 : index
    %get3A_3 = arith.constant 0 : index
    %get3A_4 = vector.load %arg2[%get3A_2, %get3A_3] : memref<256x2560xbf16, #tpu.memory_space<vmem>>, vector<256x2560xbf16>
    %dot_general3A = arith.constant dense<0.000000e+00> : vector<400x2560xf32>
    %dot_general3A_5 = tpu.matmul %get3A_1, %get3A_4, %dot_general3A {dimension_numbers = #tpu.dot_dimension_numbers<[1], [0], [0], [1], [0, 0, 1, 1], [], []>, transpose_lhs_hint = false} : vector<400x256xbf16>, vector<256x2560xbf16>, vector<400x2560xf32> -> vector<400x2560xf32>
    %slice3A = vector.extract_strided_slice %dot_general3A_5 {offsets = [0, 0], sizes = [400, 1024], strides = [1, 1]} : vector<400x2560xf32> to vector<400x1024xf32>
    %swap3A = arith.constant 0 : index
    %swap3A_6 = arith.constant 0 : index
    %swap3A_7 = arith.constant 0 : index
    %swap3A_8 = vector.load %arg3[%swap3A, %swap3A_6, %swap3A_7] : memref<2x400x1024xf32, #tpu.memory_space<vmem>>, vector<1x400x1024xf32>
    %swap3A_9 = vector.shape_cast %swap3A_8 : vector<1x400x1024xf32> to vector<400x1024xf32>
    %swap3A_10 = vector.shape_cast %slice3A : vector<400x1024xf32> to vector<1x400x1024xf32>
    tpu.vector_store %arg3[%swap3A, %swap3A_6, %swap3A_7], %swap3A_10 {strides = array<i32>} : memref<2x400x1024xf32, #tpu.memory_space<vmem>>, vector<1x400x1024xf32>,
    %slice3A_11 = vector.extract_strided_slice %dot_general3A_5 {offsets = [0, 1024], sizes = [400, 1024], strides = [1, 1]} : vector<400x2560xf32> to vector<400x1024xf32>
    %swap3A_12 = arith.constant 1 : index
    %swap3A_13 = arith.constant 0 : index
    %swap3A_14 = arith.constant 0 : index
    %swap3A_15 = vector.load %arg3[%swap3A_12, %swap3A_13, %swap3A_14] : memref<2x400x1024xf32, #tpu.memory_space<vmem>>, vector<1x400x1024xf32>
    %swap3A_16 = vector.shape_cast %swap3A_15 : vector<1x400x1024xf32> to vector<400x1024xf32>
    %swap3A_17 = vector.shape_cast %slice3A_11 : vector<400x1024xf32> to vector<1x400x1024xf32>
    tpu.vector_store %arg3[%swap3A_12, %swap3A_13, %swap3A_14], %swap3A_17 {strides = array<i32>} : memref<2x400x1024xf32, #tpu.memory_space<vmem>>, vector<1x400x1024xf32>,
    %slice3A_18 = vector.extract_strided_slice %dot_general3A_5 {offsets = [0, 2048], sizes = [400, 256], strides = [1, 1]} : vector<400x2560xf32> to vector<400x256xf32>
    %swap3A_19 = arith.constant 0 : index
    %swap3A_20 = arith.constant 0 : index
    %swap3A_21 = vector.load %arg4[%swap3A_19, %swap3A_20] : memref<400x256xf32, #tpu.memory_space<vmem>>, vector<400x256xf32>
    tpu.vector_store %arg4[%swap3A_19, %swap3A_20], %slice3A_18 {strides = array<i32>} : memref<400x256xf32, #tpu.memory_space<vmem>>, vector<400x256xf32>,
    %slice3A_22 = vector.extract_strided_slice %dot_general3A_5 {offsets = [0, 2304], sizes = [400, 256], strides = [1, 1]} : vector<400x2560xf32> to vector<400x256xf32>
    %swap3A_23 = arith.constant 0 : index
    %swap3A_24 = arith.constant 0 : index
    %swap3A_25 = vector.load %arg5[%swap3A_23, %swap3A_24] : memref<400x256xf32, #tpu.memory_space<vmem>>, vector<400x256xf32>
    tpu.vector_store %arg5[%swap3A_23, %swap3A_24], %slice3A_22 {strides = array<i32>} : memref<400x256xf32, #tpu.memory_space<vmem>>, vector<400x256xf32>,
    return
  }
  func.func @transform_0(%arg0: i32) -> (i32, i32) {
    %c0_i32 = arith.constant 0 : i32
    %c0_i32_0 = arith.constant 0 : i32
    return %arg0, %c0_i32 : i32, i32
  }
  func.func @transform_1(%arg0: i32) -> (i32, i32) {
    %c0_i32 = arith.constant 0 : i32
    %c0_i32_0 = arith.constant 0 : i32
    %c0_i32_1 = arith.constant 0 : i32
    return %c0_i32, %c0_i32_0 : i32, i32
  }
  func.func @transform_2(%arg0: i32) -> (i32, i32, i32) {
    %c0_i32 = arith.constant 0 : i32
    %c0_i32_0 = arith.constant 0 : i32
    %c0_i32_1 = arith.constant 0 : i32
    return %c0_i32, %arg0, %c0_i32_0 : i32, i32, i32
  }
  func.func @transform_3(%arg0: i32) -> (i32, i32) {
    %c0_i32 = arith.constant 0 : i32
    %c0_i32_0 = arith.constant 0 : i32
    return %arg0, %c0_i32 : i32, i32
  }
  func.func @transform_4(%arg0: i32) -> (i32, i32) {
    %c0_i32 = arith.constant 0 : i32
    %c0_i32_0 = arith.constant 0 : i32
    return %arg0, %c0_i32 : i32, i32
  }
}

module attributes {stable_mosaic.version = 14 : i64} {
  func.func @_stage_a_body(%arg0: i32, %arg1: memref<1x400x128xf32, #tpu.memory_space<vmem>>, %arg2: memref<1x400x128xf32, #tpu.memory_space<vmem>>, %arg3: memref<2x400x128xf32, #tpu.memory_space<vmem>>, %arg4: memref<400x256xf32, #tpu.memory_space<vmem>>, %arg5: memref<1x256xf32, #tpu.memory_space<vmem>>, %arg6: memref<400x256xbf16, #tpu.memory_space<vmem>>, %arg7: memref<2x256xf32, #tpu.memory_space<vmem>>) attributes {dimension_semantics = [#tpu.dimension_semantics<arbitrary>], iteration_bounds = array<i64: 25>, scalar_prefetch = 0 : i64, scratch_operands = 0 : i64, tpu.core_type = #tpu.core_type<tc>, window_params = [{transform_indices = @transform_0, window_bounds = array<i64: 1, 400, 128>}, {transform_indices = @transform_1, window_bounds = array<i64: 1, 400, 128>}, {transform_indices = @transform_2, window_bounds = array<i64: 2, 400, 128>}, {transform_indices = @transform_3, window_bounds = array<i64: 400, 256>}, {pipeline_mode = #tpu.pipeline_mode<synchronous>, transform_indices = @transform_4, window_bounds = array<i64: 1, 256>}, {transform_indices = @transform_5, window_bounds = array<i64: 400, 256>}, {pipeline_mode = #tpu.pipeline_mode<synchronous>, transform_indices = @transform_6, window_bounds = array<i64: 2, 256>}]} {
    %get3A = arith.constant 0 : index
    %get3A_0 = arith.constant 0 : index
    %get3A_1 = arith.constant 0 : index
    %get3A_2 = vector.load %arg3[%get3A, %get3A_0, %get3A_1] : memref<2x400x128xf32, #tpu.memory_space<vmem>>, vector<2x400x128xf32>
    %reduce_sum3A = arith.constant dense<0.000000e+00> : vector<400xf32>
    %reduce_sum3A_3 = vector.multi_reduction <add>, %get3A_2, %reduce_sum3A [0, 2] : vector<2x400x128xf32> to vector<400xf32>
    %mul3A = arith.constant 7.812500e-03 : f32
    %mul3A_4 = vector.broadcast %mul3A : f32 to vector<400xf32>
    %mul3A_5 = arith.mulf %reduce_sum3A_3, %mul3A_4 : vector<400xf32>
    %max3A = arith.constant 1.000000e+00 : f32
    %max3A_6 = vector.broadcast %max3A : f32 to vector<400xf32>
    %max3A_7 = arith.maximumf %mul3A_5, %max3A_6 : vector<400xf32>
    %get3A_8 = arith.constant 0 : index
    %get3A_9 = arith.constant 0 : index
    %get3A_10 = arith.constant 0 : index
    %get3A_11 = vector.load %arg1[%get3A_8, %get3A_9, %get3A_10] : memref<1x400x128xf32, #tpu.memory_space<vmem>>, vector<1x400x128xf32>
    %get3A_12 = vector.shape_cast %get3A_11 : vector<1x400x128xf32> to vector<400x128xf32>
    %get3A_13 = arith.constant 0 : index
    %get3A_14 = arith.constant 0 : index
    %get3A_15 = arith.constant 0 : index
    %get3A_16 = vector.load %arg2[%get3A_13, %get3A_14, %get3A_15] : memref<1x400x128xf32, #tpu.memory_space<vmem>>, vector<1x400x128xf32>
    %get3A_17 = vector.shape_cast %get3A_16 : vector<1x400x128xf32> to vector<400x128xf32>
    %concatenate3A = tpu.concatenate %get3A_12, %get3A_17 in 1 : vector<400x128xf32>, vector<400x128xf32> -> vector<400x256xf32>
    %broadcast_in_dim3A = vector.shape_cast %max3A_7 : vector<400xf32> to vector<400x1xf32>
    %div3A = vector.broadcast %broadcast_in_dim3A : vector<400x1xf32> to vector<400x256xf32>
    %div3A_18 = arith.divf %concatenate3A, %div3A : vector<400x256xf32>
    %get3A_19 = arith.constant 0 : index
    %get3A_20 = arith.constant 0 : index
    %get3A_21 = vector.load %arg4[%get3A_19, %get3A_20] : memref<400x256xf32, #tpu.memory_space<vmem>>, vector<400x256xf32>
    %add3A = arith.addf %div3A_18, %get3A_21 : vector<400x256xf32>
    %get3A_22 = arith.constant 0 : index
    %get3A_23 = arith.constant 0 : index
    %get3A_24 = vector.load %arg5[%get3A_22, %get3A_23] : memref<1x256xf32, #tpu.memory_space<vmem>>, vector<1x256xf32>
    %add3A_25 = vector.broadcast %get3A_24 : vector<1x256xf32> to vector<400x256xf32>
    %add3A_26 = arith.addf %add3A, %add3A_25 : vector<400x256xf32>
    %convert_element_type3A = arith.truncf %add3A_26 : vector<400x256xf32> to vector<400x256xbf16>
    %swap3A = arith.constant 0 : index
    %swap3A_27 = arith.constant 0 : index
    %swap3A_28 = vector.load %arg6[%swap3A, %swap3A_27] : memref<400x256xbf16, #tpu.memory_space<vmem>>, vector<400x256xbf16>
    tpu.vector_store %arg6[%swap3A, %swap3A_27], %convert_element_type3A {strides = array<i32>} : memref<400x256xbf16, #tpu.memory_space<vmem>>, vector<400x256xbf16>,
    %reduce_sum3A_29 = arith.constant dense<0.000000e+00> : vector<256xf32>
    %reduce_sum3A_30 = vector.multi_reduction <add>, %add3A_26, %reduce_sum3A_29 [0] : vector<400x256xf32> to vector<256xf32>
    %broadcast_in_dim3A_31 = vector.shape_cast %reduce_sum3A_30 : vector<256xf32> to vector<1x256xf32>
    %mul3A_32 = arith.mulf %add3A_26, %add3A_26 : vector<400x256xf32>
    %reduce_sum3A_33 = arith.constant dense<0.000000e+00> : vector<256xf32>
    %reduce_sum3A_34 = vector.multi_reduction <add>, %mul3A_32, %reduce_sum3A_33 [0] : vector<400x256xf32> to vector<256xf32>
    %broadcast_in_dim3A_35 = vector.shape_cast %reduce_sum3A_34 : vector<256xf32> to vector<1x256xf32>
    %concatenate3A_36 = tpu.concatenate %broadcast_in_dim3A_31, %broadcast_in_dim3A_35 in 0 : vector<1x256xf32>, vector<1x256xf32> -> vector<2x256xf32>
    %eq3A = arith.constant 0 : i32
    %eq3A_37 = arith.cmpi eq, %arg0, %eq3A : i32
    %convert_element_type3A_38 = arith.extui %eq3A_37 : i1 to i32
    %cond3A = arith.constant 0 : i32
    %cond3A_39 = arith.cmpi ne, %convert_element_type3A_38, %cond3A : i32
    scf.if %cond3A_39 {
      %swap3A_44 = arith.constant 0 : index
      %swap3A_45 = arith.constant 0 : index
      %swap3A_46 = vector.load %arg7[%swap3A_44, %swap3A_45] : memref<2x256xf32, #tpu.memory_space<vmem>>, vector<2x256xf32>
      tpu.vector_store %arg7[%swap3A_44, %swap3A_45], %concatenate3A_36 {strides = array<i32>} : memref<2x256xf32, #tpu.memory_space<vmem>>, vector<2x256xf32>,
    } else {
    }
    %gt3A = arith.constant 0 : i32
    %gt3A_40 = arith.cmpi sgt, %arg0, %gt3A : i32
    %convert_element_type3A_41 = arith.extui %gt3A_40 : i1 to i32
    %cond3A_42 = arith.constant 0 : i32
    %cond3A_43 = arith.cmpi ne, %convert_element_type3A_41, %cond3A_42 : i32
    scf.if %cond3A_43 {
      %get3A_44 = arith.constant 0 : index
      %get3A_45 = arith.constant 0 : index
      %get3A_46 = vector.load %arg7[%get3A_44, %get3A_45] : memref<2x256xf32, #tpu.memory_space<vmem>>, vector<2x256xf32>
      %add3A_47 = arith.addf %get3A_46, %concatenate3A_36 : vector<2x256xf32>
      %swap3A_48 = arith.constant 0 : index
      %swap3A_49 = arith.constant 0 : index
      %swap3A_50 = vector.load %arg7[%swap3A_48, %swap3A_49] : memref<2x256xf32, #tpu.memory_space<vmem>>, vector<2x256xf32>
      tpu.vector_store %arg7[%swap3A_48, %swap3A_49], %add3A_47 {strides = array<i32>} : memref<2x256xf32, #tpu.memory_space<vmem>>, vector<2x256xf32>,
    } else {
    }
    return
  }
  func.func @transform_0(%arg0: i32) -> (i32, i32, i32) {
    %c0_i32 = arith.constant 0 : i32
    %c0_i32_0 = arith.constant 0 : i32
    %c0_i32_1 = arith.constant 0 : i32
    return %c0_i32, %arg0, %c0_i32_0 : i32, i32, i32
  }
  func.func @transform_1(%arg0: i32) -> (i32, i32, i32) {
    %c1_i32 = arith.constant 1 : i32
    %c0_i32 = arith.constant 0 : i32
    %c0_i32_0 = arith.constant 0 : i32
    return %c1_i32, %arg0, %c0_i32 : i32, i32, i32
  }
  func.func @transform_2(%arg0: i32) -> (i32, i32, i32) {
    %c0_i32 = arith.constant 0 : i32
    %c0_i32_0 = arith.constant 0 : i32
    %c0_i32_1 = arith.constant 0 : i32
    return %c0_i32, %arg0, %c0_i32_0 : i32, i32, i32
  }
  func.func @transform_3(%arg0: i32) -> (i32, i32) {
    %c0_i32 = arith.constant 0 : i32
    %c0_i32_0 = arith.constant 0 : i32
    return %arg0, %c0_i32 : i32, i32
  }
  func.func @transform_4(%arg0: i32) -> (i32, i32) {
    %c0_i32 = arith.constant 0 : i32
    %c0_i32_0 = arith.constant 0 : i32
    %c0_i32_1 = arith.constant 0 : i32
    return %c0_i32, %c0_i32_0 : i32, i32
  }
  func.func @transform_5(%arg0: i32) -> (i32, i32) {
    %c0_i32 = arith.constant 0 : i32
    %c0_i32_0 = arith.constant 0 : i32
    return %arg0, %c0_i32 : i32, i32
  }
  func.func @transform_6(%arg0: i32) -> (i32, i32) {
    %c0_i32 = arith.constant 0 : i32
    %c0_i32_0 = arith.constant 0 : i32
    %c0_i32_1 = arith.constant 0 : i32
    return %c0_i32, %c0_i32_0 : i32, i32
  }
}

module attributes {stable_mosaic.version = 14 : i64} {
  func.func @_mm1_body(%arg0: i32, %arg1: memref<400x256xbf16, #tpu.memory_space<vmem>>, %arg2: memref<2x256xf32, #tpu.memory_space<vmem>>, %arg3: memref<1x256xf32, #tpu.memory_space<vmem>>, %arg4: memref<1x256xf32, #tpu.memory_space<vmem>>, %arg5: memref<256x2304xbf16, #tpu.memory_space<vmem>>, %arg6: memref<2x400x1024xf32, #tpu.memory_space<vmem>>, %arg7: memref<400x256xf32, #tpu.memory_space<vmem>>) attributes {dimension_semantics = [#tpu.dimension_semantics<arbitrary>], iteration_bounds = array<i64: 25>, scalar_prefetch = 0 : i64, scratch_operands = 0 : i64, tpu.core_type = #tpu.core_type<tc>, window_params = [{transform_indices = @transform_0, window_bounds = array<i64: 400, 256>}, {pipeline_mode = #tpu.pipeline_mode<synchronous>, transform_indices = @transform_1, window_bounds = array<i64: 2, 256>}, {pipeline_mode = #tpu.pipeline_mode<synchronous>, transform_indices = @transform_2, window_bounds = array<i64: 1, 256>}, {pipeline_mode = #tpu.pipeline_mode<synchronous>, transform_indices = @transform_3, window_bounds = array<i64: 1, 256>}, {pipeline_mode = #tpu.pipeline_mode<synchronous>, transform_indices = @transform_4, window_bounds = array<i64: 256, 2304>}, {transform_indices = @transform_5, window_bounds = array<i64: 2, 400, 1024>}, {transform_indices = @transform_6, window_bounds = array<i64: 400, 256>}]} {
    %get3A = arith.constant 0 : index
    %get3A_0 = arith.constant 0 : index
    %get3A_1 = vector.load %arg2[%get3A, %get3A_0] : memref<2x256xf32, #tpu.memory_space<vmem>>, vector<2x256xf32>
    %slice3A = vector.extract_strided_slice %get3A_1 {offsets = [0, 0], sizes = [1, 256], strides = [1, 1]} : vector<2x256xf32> to vector<1x256xf32>
    %mul3A = arith.constant 9.99999974E-5 : f32
    %mul3A_2 = vector.broadcast %mul3A : f32 to vector<1x256xf32>
    %mul3A_3 = arith.mulf %slice3A, %mul3A_2 : vector<1x256xf32>
    %slice3A_4 = vector.extract_strided_slice %get3A_1 {offsets = [1, 0], sizes = [1, 256], strides = [1, 1]} : vector<2x256xf32> to vector<1x256xf32>
    %mul3A_5 = arith.constant 9.99999974E-5 : f32
    %mul3A_6 = vector.broadcast %mul3A_5 : f32 to vector<1x256xf32>
    %mul3A_7 = arith.mulf %slice3A_4, %mul3A_6 : vector<1x256xf32>
    %mul3A_8 = arith.mulf %mul3A_3, %mul3A_3 : vector<1x256xf32>
    %sub3A = arith.subf %mul3A_7, %mul3A_8 : vector<1x256xf32>
    %add3A = arith.constant 9.99999974E-6 : f32
    %add3A_9 = vector.broadcast %add3A : f32 to vector<1x256xf32>
    %add3A_10 = arith.addf %sub3A, %add3A_9 : vector<1x256xf32>
    %rsqrt3A = math.rsqrt %add3A_10 : vector<1x256xf32>
    %get3A_11 = arith.constant 0 : index
    %get3A_12 = arith.constant 0 : index
    %get3A_13 = vector.load %arg3[%get3A_11, %get3A_12] : memref<1x256xf32, #tpu.memory_space<vmem>>, vector<1x256xf32>
    %mul3A_14 = arith.mulf %rsqrt3A, %get3A_13 : vector<1x256xf32>
    %get3A_15 = arith.constant 0 : index
    %get3A_16 = arith.constant 0 : index
    %get3A_17 = vector.load %arg1[%get3A_15, %get3A_16] : memref<400x256xbf16, #tpu.memory_space<vmem>>, vector<400x256xbf16>
    %convert_element_type3A = arith.extf %get3A_17 : vector<400x256xbf16> to vector<400x256xf32>
    %sub3A_18 = vector.broadcast %mul3A_3 : vector<1x256xf32> to vector<400x256xf32>
    %sub3A_19 = arith.subf %convert_element_type3A, %sub3A_18 : vector<400x256xf32>
    %mul3A_20 = vector.broadcast %mul3A_14 : vector<1x256xf32> to vector<400x256xf32>
    %mul3A_21 = arith.mulf %sub3A_19, %mul3A_20 : vector<400x256xf32>
    %get3A_22 = arith.constant 0 : index
    %get3A_23 = arith.constant 0 : index
    %get3A_24 = vector.load %arg4[%get3A_22, %get3A_23] : memref<1x256xf32, #tpu.memory_space<vmem>>, vector<1x256xf32>
    %add3A_25 = vector.broadcast %get3A_24 : vector<1x256xf32> to vector<400x256xf32>
    %add3A_26 = arith.addf %mul3A_21, %add3A_25 : vector<400x256xf32>
    %gt3A = arith.constant 0.000000e+00 : f32
    %gt3A_27 = vector.broadcast %gt3A : f32 to vector<400x256xf32>
    %gt3A_28 = arith.cmpf ogt, %add3A_26, %gt3A_27 : vector<400x256xf32>
    %min3A = arith.constant 0.000000e+00 : f32
    %min3A_29 = vector.broadcast %min3A : f32 to vector<400x256xf32>
    %min3A_30 = arith.minimumf %add3A_26, %min3A_29 : vector<400x256xf32>
    %exp3A = math.exp %min3A_30 : vector<400x256xf32>
    %sub3A_31 = arith.constant 1.000000e+00 : f32
    %sub3A_32 = vector.broadcast %sub3A_31 : f32 to vector<400x256xf32>
    %sub3A_33 = arith.subf %exp3A, %sub3A_32 : vector<400x256xf32>
    %select_n3A = arith.select %gt3A_28, %add3A_26, %sub3A_33 : vector<400x256xi1>, vector<400x256xf32>
    %convert_element_type3A_34 = arith.truncf %select_n3A : vector<400x256xf32> to vector<400x256xbf16>
    %get3A_35 = arith.constant 0 : index
    %get3A_36 = arith.constant 0 : index
    %get3A_37 = vector.load %arg5[%get3A_35, %get3A_36] : memref<256x2304xbf16, #tpu.memory_space<vmem>>, vector<256x2304xbf16>
    %dot_general3A = arith.constant dense<0.000000e+00> : vector<400x2304xf32>
    %dot_general3A_38 = tpu.matmul %convert_element_type3A_34, %get3A_37, %dot_general3A {dimension_numbers = #tpu.dot_dimension_numbers<[1], [0], [0], [1], [0, 0, 1, 1], [], []>, transpose_lhs_hint = false} : vector<400x256xbf16>, vector<256x2304xbf16>, vector<400x2304xf32> -> vector<400x2304xf32>
    %slice3A_39 = vector.extract_strided_slice %dot_general3A_38 {offsets = [0, 0], sizes = [400, 1024], strides = [1, 1]} : vector<400x2304xf32> to vector<400x1024xf32>
    %swap3A = arith.constant 0 : index
    %swap3A_40 = arith.constant 0 : index
    %swap3A_41 = arith.constant 0 : index
    %swap3A_42 = vector.load %arg6[%swap3A, %swap3A_40, %swap3A_41] : memref<2x400x1024xf32, #tpu.memory_space<vmem>>, vector<1x400x1024xf32>
    %swap3A_43 = vector.shape_cast %swap3A_42 : vector<1x400x1024xf32> to vector<400x1024xf32>
    %swap3A_44 = vector.shape_cast %slice3A_39 : vector<400x1024xf32> to vector<1x400x1024xf32>
    tpu.vector_store %arg6[%swap3A, %swap3A_40, %swap3A_41], %swap3A_44 {strides = array<i32>} : memref<2x400x1024xf32, #tpu.memory_space<vmem>>, vector<1x400x1024xf32>,
    %slice3A_45 = vector.extract_strided_slice %dot_general3A_38 {offsets = [0, 1024], sizes = [400, 1024], strides = [1, 1]} : vector<400x2304xf32> to vector<400x1024xf32>
    %swap3A_46 = arith.constant 1 : index
    %swap3A_47 = arith.constant 0 : index
    %swap3A_48 = arith.constant 0 : index
    %swap3A_49 = vector.load %arg6[%swap3A_46, %swap3A_47, %swap3A_48] : memref<2x400x1024xf32, #tpu.memory_space<vmem>>, vector<1x400x1024xf32>
    %swap3A_50 = vector.shape_cast %swap3A_49 : vector<1x400x1024xf32> to vector<400x1024xf32>
    %swap3A_51 = vector.shape_cast %slice3A_45 : vector<400x1024xf32> to vector<1x400x1024xf32>
    tpu.vector_store %arg6[%swap3A_46, %swap3A_47, %swap3A_48], %swap3A_51 {strides = array<i32>} : memref<2x400x1024xf32, #tpu.memory_space<vmem>>, vector<1x400x1024xf32>,
    %slice3A_52 = vector.extract_strided_slice %dot_general3A_38 {offsets = [0, 2048], sizes = [400, 256], strides = [1, 1]} : vector<400x2304xf32> to vector<400x256xf32>
    %swap3A_53 = arith.constant 0 : index
    %swap3A_54 = arith.constant 0 : index
    %swap3A_55 = vector.load %arg7[%swap3A_53, %swap3A_54] : memref<400x256xf32, #tpu.memory_space<vmem>>, vector<400x256xf32>
    tpu.vector_store %arg7[%swap3A_53, %swap3A_54], %slice3A_52 {strides = array<i32>} : memref<400x256xf32, #tpu.memory_space<vmem>>, vector<400x256xf32>,
    return
  }
  func.func @transform_0(%arg0: i32) -> (i32, i32) {
    %c0_i32 = arith.constant 0 : i32
    %c0_i32_0 = arith.constant 0 : i32
    return %arg0, %c0_i32 : i32, i32
  }
  func.func @transform_1(%arg0: i32) -> (i32, i32) {
    %c0_i32 = arith.constant 0 : i32
    %c0_i32_0 = arith.constant 0 : i32
    %c0_i32_1 = arith.constant 0 : i32
    return %c0_i32, %c0_i32_0 : i32, i32
  }
  func.func @transform_2(%arg0: i32) -> (i32, i32) {
    %c0_i32 = arith.constant 0 : i32
    %c0_i32_0 = arith.constant 0 : i32
    %c0_i32_1 = arith.constant 0 : i32
    return %c0_i32, %c0_i32_0 : i32, i32
  }
  func.func @transform_3(%arg0: i32) -> (i32, i32) {
    %c0_i32 = arith.constant 0 : i32
    %c0_i32_0 = arith.constant 0 : i32
    %c0_i32_1 = arith.constant 0 : i32
    return %c0_i32, %c0_i32_0 : i32, i32
  }
  func.func @transform_4(%arg0: i32) -> (i32, i32) {
    %c0_i32 = arith.constant 0 : i32
    %c0_i32_0 = arith.constant 0 : i32
    %c0_i32_1 = arith.constant 0 : i32
    return %c0_i32, %c0_i32_0 : i32, i32
  }
  func.func @transform_5(%arg0: i32) -> (i32, i32, i32) {
    %c0_i32 = arith.constant 0 : i32
    %c0_i32_0 = arith.constant 0 : i32
    %c0_i32_1 = arith.constant 0 : i32
    return %c0_i32, %arg0, %c0_i32_0 : i32, i32, i32
  }
  func.func @transform_6(%arg0: i32) -> (i32, i32) {
    %c0_i32 = arith.constant 0 : i32
    %c0_i32_0 = arith.constant 0 : i32
    return %arg0, %c0_i32 : i32, i32
  }
}

module attributes {stable_mosaic.version = 14 : i64} {
  func.func @_stage_c_body(%arg0: i32, %arg1: memref<1x400x128xf32, #tpu.memory_space<vmem>>, %arg2: memref<1x400x128xf32, #tpu.memory_space<vmem>>, %arg3: memref<2x400x128xf32, #tpu.memory_space<vmem>>, %arg4: memref<400x256xf32, #tpu.memory_space<vmem>>, %arg5: memref<1x256xf32, #tpu.memory_space<vmem>>, %arg6: memref<400x256xf32, #tpu.memory_space<vmem>>, %arg7: memref<1x256xf32, #tpu.memory_space<vmem>>, %arg8: memref<400x256xf32, #tpu.memory_space<vmem>>) attributes {dimension_semantics = [#tpu.dimension_semantics<arbitrary>], iteration_bounds = array<i64: 25>, scalar_prefetch = 0 : i64, scratch_operands = 0 : i64, tpu.core_type = #tpu.core_type<tc>, window_params = [{transform_indices = @transform_0, window_bounds = array<i64: 1, 400, 128>}, {transform_indices = @transform_1, window_bounds = array<i64: 1, 400, 128>}, {transform_indices = @transform_2, window_bounds = array<i64: 2, 400, 128>}, {transform_indices = @transform_3, window_bounds = array<i64: 400, 256>}, {pipeline_mode = #tpu.pipeline_mode<synchronous>, transform_indices = @transform_4, window_bounds = array<i64: 1, 256>}, {transform_indices = @transform_5, window_bounds = array<i64: 400, 256>}, {pipeline_mode = #tpu.pipeline_mode<synchronous>, transform_indices = @transform_6, window_bounds = array<i64: 1, 256>}, {transform_indices = @transform_7, window_bounds = array<i64: 400, 256>}]} {
    %get3A = arith.constant 0 : index
    %get3A_0 = arith.constant 0 : index
    %get3A_1 = arith.constant 0 : index
    %get3A_2 = vector.load %arg3[%get3A, %get3A_0, %get3A_1] : memref<2x400x128xf32, #tpu.memory_space<vmem>>, vector<2x400x128xf32>
    %reduce_sum3A = arith.constant dense<0.000000e+00> : vector<400xf32>
    %reduce_sum3A_3 = vector.multi_reduction <add>, %get3A_2, %reduce_sum3A [0, 2] : vector<2x400x128xf32> to vector<400xf32>
    %mul3A = arith.constant 7.812500e-03 : f32
    %mul3A_4 = vector.broadcast %mul3A : f32 to vector<400xf32>
    %mul3A_5 = arith.mulf %reduce_sum3A_3, %mul3A_4 : vector<400xf32>
    %max3A = arith.constant 1.000000e+00 : f32
    %max3A_6 = vector.broadcast %max3A : f32 to vector<400xf32>
    %max3A_7 = arith.maximumf %mul3A_5, %max3A_6 : vector<400xf32>
    %get3A_8 = arith.constant 0 : index
    %get3A_9 = arith.constant 0 : index
    %get3A_10 = arith.constant 0 : index
    %get3A_11 = vector.load %arg1[%get3A_8, %get3A_9, %get3A_10] : memref<1x400x128xf32, #tpu.memory_space<vmem>>, vector<1x400x128xf32>
    %get3A_12 = vector.shape_cast %get3A_11 : vector<1x400x128xf32> to vector<400x128xf32>
    %get3A_13 = arith.constant 0 : index
    %get3A_14 = arith.constant 0 : index
    %get3A_15 = arith.constant 0 : index
    %get3A_16 = vector.load %arg2[%get3A_13, %get3A_14, %get3A_15] : memref<1x400x128xf32, #tpu.memory_space<vmem>>, vector<1x400x128xf32>
    %get3A_17 = vector.shape_cast %get3A_16 : vector<1x400x128xf32> to vector<400x128xf32>
    %concatenate3A = tpu.concatenate %get3A_12, %get3A_17 in 1 : vector<400x128xf32>, vector<400x128xf32> -> vector<400x256xf32>
    %broadcast_in_dim3A = vector.shape_cast %max3A_7 : vector<400xf32> to vector<400x1xf32>
    %div3A = vector.broadcast %broadcast_in_dim3A : vector<400x1xf32> to vector<400x256xf32>
    %div3A_18 = arith.divf %concatenate3A, %div3A : vector<400x256xf32>
    %get3A_19 = arith.constant 0 : index
    %get3A_20 = arith.constant 0 : index
    %get3A_21 = vector.load %arg4[%get3A_19, %get3A_20] : memref<400x256xf32, #tpu.memory_space<vmem>>, vector<400x256xf32>
    %add3A = arith.addf %div3A_18, %get3A_21 : vector<400x256xf32>
    %get3A_22 = arith.constant 0 : index
    %get3A_23 = arith.constant 0 : index
    %get3A_24 = vector.load %arg5[%get3A_22, %get3A_23] : memref<1x256xf32, #tpu.memory_space<vmem>>, vector<1x256xf32>
    %add3A_25 = vector.broadcast %get3A_24 : vector<1x256xf32> to vector<400x256xf32>
    %add3A_26 = arith.addf %add3A, %add3A_25 : vector<400x256xf32>
    %gt3A = arith.constant 0.000000e+00 : f32
    %gt3A_27 = vector.broadcast %gt3A : f32 to vector<400x256xf32>
    %gt3A_28 = arith.cmpf ogt, %add3A_26, %gt3A_27 : vector<400x256xf32>
    %min3A = arith.constant 0.000000e+00 : f32
    %min3A_29 = vector.broadcast %min3A : f32 to vector<400x256xf32>
    %min3A_30 = arith.minimumf %add3A_26, %min3A_29 : vector<400x256xf32>
    %exp3A = math.exp %min3A_30 : vector<400x256xf32>
    %sub3A = arith.constant 1.000000e+00 : f32
    %sub3A_31 = vector.broadcast %sub3A : f32 to vector<400x256xf32>
    %sub3A_32 = arith.subf %exp3A, %sub3A_31 : vector<400x256xf32>
    %select_n3A = arith.select %gt3A_28, %add3A_26, %sub3A_32 : vector<400x256xi1>, vector<400x256xf32>
    %get3A_33 = arith.constant 0 : index
    %get3A_34 = arith.constant 0 : index
    %get3A_35 = vector.load %arg6[%get3A_33, %get3A_34] : memref<400x256xf32, #tpu.memory_space<vmem>>, vector<400x256xf32>
    %add3A_36 = arith.addf %select_n3A, %get3A_35 : vector<400x256xf32>
    %get3A_37 = arith.constant 0 : index
    %get3A_38 = arith.constant 0 : index
    %get3A_39 = vector.load %arg7[%get3A_37, %get3A_38] : memref<1x256xf32, #tpu.memory_space<vmem>>, vector<1x256xf32>
    %add3A_40 = vector.broadcast %get3A_39 : vector<1x256xf32> to vector<400x256xf32>
    %add3A_41 = arith.addf %add3A_36, %add3A_40 : vector<400x256xf32>
    %gt3A_42 = arith.constant 0.000000e+00 : f32
    %gt3A_43 = vector.broadcast %gt3A_42 : f32 to vector<400x256xf32>
    %gt3A_44 = arith.cmpf ogt, %add3A_41, %gt3A_43 : vector<400x256xf32>
    %min3A_45 = arith.constant 0.000000e+00 : f32
    %min3A_46 = vector.broadcast %min3A_45 : f32 to vector<400x256xf32>
    %min3A_47 = arith.minimumf %add3A_41, %min3A_46 : vector<400x256xf32>
    %exp3A_48 = math.exp %min3A_47 : vector<400x256xf32>
    %sub3A_49 = arith.constant 1.000000e+00 : f32
    %sub3A_50 = vector.broadcast %sub3A_49 : f32 to vector<400x256xf32>
    %sub3A_51 = arith.subf %exp3A_48, %sub3A_50 : vector<400x256xf32>
    %select_n3A_52 = arith.select %gt3A_44, %add3A_41, %sub3A_51 : vector<400x256xi1>, vector<400x256xf32>
    %swap3A = arith.constant 0 : index
    %swap3A_53 = arith.constant 0 : index
    %swap3A_54 = vector.load %arg8[%swap3A, %swap3A_53] : memref<400x256xf32, #tpu.memory_space<vmem>>, vector<400x256xf32>
    tpu.vector_store %arg8[%swap3A, %swap3A_53], %select_n3A_52 {strides = array<i32>} : memref<400x256xf32, #tpu.memory_space<vmem>>, vector<400x256xf32>,
    return
  }
  func.func @transform_0(%arg0: i32) -> (i32, i32, i32) {
    %c0_i32 = arith.constant 0 : i32
    %c0_i32_0 = arith.constant 0 : i32
    %c0_i32_1 = arith.constant 0 : i32
    return %c0_i32, %arg0, %c0_i32_0 : i32, i32, i32
  }
  func.func @transform_1(%arg0: i32) -> (i32, i32, i32) {
    %c1_i32 = arith.constant 1 : i32
    %c0_i32 = arith.constant 0 : i32
    %c0_i32_0 = arith.constant 0 : i32
    return %c1_i32, %arg0, %c0_i32 : i32, i32, i32
  }
  func.func @transform_2(%arg0: i32) -> (i32, i32, i32) {
    %c0_i32 = arith.constant 0 : i32
    %c0_i32_0 = arith.constant 0 : i32
    %c0_i32_1 = arith.constant 0 : i32
    return %c0_i32, %arg0, %c0_i32_0 : i32, i32, i32
  }
  func.func @transform_3(%arg0: i32) -> (i32, i32) {
    %c0_i32 = arith.constant 0 : i32
    %c0_i32_0 = arith.constant 0 : i32
    return %arg0, %c0_i32 : i32, i32
  }
  func.func @transform_4(%arg0: i32) -> (i32, i32) {
    %c0_i32 = arith.constant 0 : i32
    %c0_i32_0 = arith.constant 0 : i32
    %c0_i32_1 = arith.constant 0 : i32
    return %c0_i32, %c0_i32_0 : i32, i32
  }
  func.func @transform_5(%arg0: i32) -> (i32, i32) {
    %c0_i32 = arith.constant 0 : i32
    %c0_i32_0 = arith.constant 0 : i32
    return %arg0, %c0_i32 : i32, i32
  }
  func.func @transform_6(%arg0: i32) -> (i32, i32) {
    %c0_i32 = arith.constant 0 : i32
    %c0_i32_0 = arith.constant 0 : i32
    %c0_i32_1 = arith.constant 0 : i32
    return %c0_i32, %c0_i32_0 : i32, i32
  }
  func.func @transform_7(%arg0: i32) -> (i32, i32) {
    %c0_i32 = arith.constant 0 : i32
    %c0_i32_0 = arith.constant 0 : i32
    return %arg0, %c0_i32 : i32, i32
  }
}

</mosaic_0001>

<sc_bundles>
// kernel: kernel.12.cloned.1.call-start
scs
__scs_entry_jumppad:
0x0: {  	(pc) =	sbr.rel $0x88, $3  }
0x1: {  	(tag) =	ssettag $0x0;
	lr =	simm.s32 $0x1  }
0x2: {  	[smem:$0x3F94] =	sst lr;
	_ =	strace $0xD0000000  }
0x3: {  	_ = 	snop  }
0x4: {  	_ = 	snop  }
0x5: {  	_ = 	snop  }
0x6: {  	_ = 	snop  }
0x7: {  	_ = 	snop  }
__scs_overlays_trampoline_lowered:
0x8: {  	[smem:$0x3FA3] =	sst s0  }
0x9: {  	[smem:$0x3FA4] =	sst s1  }
0xa: {  	[smem:$0x3FA5] =	sst s2  }
0xb: {  	[smem:$0x3FA6] =	sst s3  }
0xc: {  	[smem:$0x3FA7] =	sst s4  }
0xd: {  	[smem:$0x3FA8] =	sst s5  }
0xe: {  	[smem:$0x3FA9] =	sst s6  }
0xf: {  	[smem:$0x3FAA] =	sst s7  }
0x10: {  	[smem:$0x3FAB] =	sst s8  }
0x11: {  	[smem:$0x3FAC] =	sst s9;
	s0 =	simm.s32 @!p0 $0x0  }
0x12: {  	s1 =	sld [smem:$0x3F92];
	s0 =	simm.s32 @p0 $0x1  }
0x13: {  	[smem:$0x3FAD] =	sst s0;
	s0 =	simm.s32 @!p1 $0x0  }
0x14: {  	s2 =	sld [smem:$0x3F91];
	s0 =	simm.s32 @p1 $0x1  }
0x15: {  	[smem:$0x3FAE] =	sst s0;
	s0 =	simm.s32 @!p2 $0x0  }
0x16: {  	s3 =	sld [smem:$0x3FDB];
	s0 =	simm.s32 @p2 $0x1  }
0x17: {  	s4 =	simm.s32 $0x1BF5;
	[smem:$0x3FB0] =	sst s0  }
0x18: {  	s0 =	sld [smem:$0x3F93];
	_ =	swait.ge [sflag:s4], $0x0  }
0x19: {  	s7 =	sld [smem:$0x3F94]  }
0x1a: {  	s8 =	sadd.s32 $0xFFFFE003, lr  }
0x1b: {  	s9 =	sadd.s32 $0xFFFFFEF7, lr;
	s5 =	simm.s32 $0xFFFFFFFF;
	p2 =	slt.u32 s8, $0xFFFFF086  }
0x1c: {  	p1 =	slt.u32 s9, $0xF7A;
	s5 =	simm.s32 @!p2 $0x0  }
0x1d: {  	s5 =	simm.s32 @p1 $0x1;
	p0 =	seq.s32 s7, s2  }
0x1e: {  	s7 =	smul.u32 @!p0 $0xF7A, s2;
	p2 =	seq.s32 @!p0 s5, $0x0  }
0x1f: {  	s9 =	smul.u32 $0xF7A, s1;
	s8 =	simm.s32 @!p0 $0x1BF5;
	p2 =	por !p2, p0  }
0x20: {  	[sflag:s8] =	ssyncset.s32 @!p0 $0xFFFFF086;
	s6 =	sadd.s32 @!p0 s3, s7;
	s7 =	simm.s32 @!p0 $0x108  }
0x21: {  	s3 =	sadd.s32 s3, s9;
	s6 =	sadd.s32 @!p0 $0x88, s6;
	s7 =	simm.s32 @p2 $0x1082  }
0x22: {  	[simem:s7], [sflag:s8] =	dma.local @!p0 [hbm:s6], $0xF7A  }
0x23: {  	s9 =	sor.u32 $0xD0000000, s2;
	s6 =	simm.s32 $0x108;
	_ =	swait.ge @!p0 [sflag:s8], $0x0  }
0x24: {  	s3 =	sadd.s32 $0x88, s3;
	s6 =	simm.s32 @!p1 $0x1082;
	[sflag:s4] =	ssyncset.s32 $0xFFFFF086  }
0x25: {  	[simem:s6], [sflag:s4] =	dma.local [hbm:s3], $0xF7A  }
0x26: {  	[smem:$0x3F94] =	sst s1;
	(tag) =	ssettag s2;
	_ =	strace s9  }
0x27: {  	s1 =	sld [smem:$0x3FA4]  }
0x28: {  	s2 =	sld [smem:$0x3FA5]  }
0x29: {  	s4 =	sld [smem:$0x3FA7]  }
0x2a: {  	p0 =	seq.s32 s5, $0x0;
	s5 =	sld [smem:$0x3FA8]  }
0x2b: {  	s6 =	sld [smem:$0x3FA9]  }
0x2c: {  	s7 =	sld [smem:$0x3FAA]  }
0x2d: {  	s3 =	simm.s32 $0x108;
	s8 =	sld [smem:$0x3FAB]  }
0x2e: {  	s3 =	simm.s32 @!p0 $0x1082;
	s9 =	sld [smem:$0x3FAC]  }
0x2f: {  	lr =	sadd.s32 s0, s3;
	s0 =	sld [smem:$0x3FA3]  }
0x30: {  	s3 =	sld [smem:$0x3FA6]  }
0x31: {  	[smem:$0x3FAF] =	sst s10  }
0x32: {  	s10 =	sld [smem:$0x3FAD];
	_ =	sdelay $0x3  }
0x33: {  	p0 =	seq.s32 s10, $0x1;
	s10 =	sld [smem:$0x3FAF];
	_ =	sdelay $0x3  }
0x34: {  	[smem:$0x3FAF] =	sst s10  }
0x35: {  	s10 =	sld [smem:$0x3FAE];
	_ =	sdelay $0x3  }
0x36: {  	p1 =	seq.s32 s10, $0x1;
	s10 =	sld [smem:$0x3FAF];
	_ =	sdelay $0x3  }
0x37: {  	[smem:$0x3FAF] =	sst s10  }
0x38: {  	s10 =	sld [smem:$0x3FB0]  }
0x39: {  	_ = 	snop;
	(pc) =	sbr.ind lr, $3  }
0x3a: {  	_ = 	snop  }
0x3b: {  	_ = 	snop  }
0x3c: {  	p2 =	seq.s32 s10, $0x1;
	s10 =	sld [smem:$0x3FAF]  }
0x3d: {  	_ =	shalt  }
0x3e: {  	_ =	shalt  }
0x3f: {  	_ =	shalt  }
0x40: {  	_ =	shalt  }
0x41: {  	_ =	shalt  }
0x42: {  	_ =	shalt  }
0x43: {  	_ =	shalt  }
0x44: {  	_ =	shalt  }
0x45: {  	_ =	shalt  }
0x46: {  	_ =	shalt  }
0x47: {  	_ =	shalt  }
0x48: {  	_ =	shalt  }
0x49: {  	_ =	shalt  }
0x4a: {  	_ =	shalt  }
0x4b: {  	_ =	shalt  }
0x4c: {  	_ =	shalt  }
0x4d: {  	_ =	shalt  }
0x4e: {  	_ =	shalt  }
0x4f: {  	_ =	shalt  }
0x50: {  	_ =	shalt  }
0x51: {  	_ =	shalt  }
0x52: {  	_ =	shalt  }
0x53: {  	_ =	shalt  }
0x54: {  	_ =	shalt  }
0x55: {  	_ =	shalt  }
0x56: {  	_ =	shalt  }
0x57: {  	_ =	shalt  }
0x58: {  	_ =	shalt  }
0x59: {  	_ =	shalt  }
0x5a: {  	_ =	shalt  }
0x5b: {  	_ =	shalt  }
0x5c: {  	_ =	shalt  }
0x5d: {  	_ =	shalt  }
0x5e: {  	_ =	shalt  }
0x5f: {  	_ =	shalt  }
0x60: {  	_ =	shalt  }
0x61: {  	_ =	shalt  }
0x62: {  	_ =	shalt  }
0x63: {  	_ =	shalt  }
0x64: {  	_ =	shalt  }
0x65: {  	_ =	shalt  }
0x66: {  	_ =	shalt  }
0x67: {  	_ =	shalt  }
0x68: {  	_ =	shalt  }
0x69: {  	_ =	shalt  }
0x6a: {  	_ =	shalt  }
0x6b: {  	_ =	shalt  }
0x6c: {  	_ =	shalt  }
0x6d: {  	_ =	shalt  }
0x6e: {  	_ =	shalt  }
0x6f: {  	_ =	shalt  }
0x70: {  	_ =	shalt  }
0x71: {  	_ =	shalt  }
0x72: {  	_ =	shalt  }
0x73: {  	_ =	shalt  }
0x74: {  	_ =	shalt  }
0x75: {  	_ =	shalt  }
0x76: {  	_ =	shalt  }
0x77: {  	_ =	shalt  }
0x78: {  	_ =	shalt  }
0x79: {  	_ =	shalt  }
0x7a: {  	_ =	shalt  }
0x7b: {  	_ =	shalt  }
0x7c: {  	_ =	shalt  }
0x7d: {  	_ =	shalt  }
0x7e: {  	_ =	shalt  }
0x7f: {  	_ =	shalt  }
0x80: {  	_ =	shalt  }
0x81: {  	_ =	shalt  }
0x82: {  	_ =	shalt  }
0x83: {  	_ =	shalt  }
0x84: {  	_ =	shalt  }
0x85: {  	_ =	shalt  }
0x86: {  	_ =	shalt  }
0x87: {  	_ =	shalt  }
.Lfunc_end0:
.L_simem_size_0:
called_computation.1_lowered:
.L_overlay_start_0:
0x88: {  	s2 =	sld [smem:$0x3FD9]  }
0x89: {  	s3 =	sld [smem:$0x3FFE];
	_ =	sdelay $0x1  }
0x8a: {  	s1 =	srdreg.scid  }
0x8b: {  	s0 =	sand.u32 $0x1, s1  }
0x8c: {  	s16 =	sshll.u32 s0, $0xA;
	s2 =	sadd.s32 s3, s2  }
0x8d: {  	s2 =	sadd.s32 s2, s16  }
0x8e: {  	[smem:$0x3FBB] =	sst s2  }
0x8f: {  	_ = 	snop  }
0x90: {  	(tm) =	ssettm $0x1  }
0x91: {  	s17 =	sld [smem:$0x3FFB];
	_ =	sdelay $0x3  }
0x92: {  	_ =	strace s17  }
0x93: {  	s2 =	sld [smem:$0x3FFC];
	_ =	sdelay $0x3  }
0x94: {  	_ =	strace s2  }
0x95: {  	s2 =	sld [smem:$0x3FFD];
	_ =	sdelay $0x3  }
0x96: {  	_ =	strace s2  }
0x97: {  	_ =	strace $0x8FFFFFFF  }
0x98: {  	s18 =	sld [smem:$0x3FDB];
	_ =	sdelay $0x1  }
0x99: {  	s19 =	simm.s32 $_scs_section_size  }
0x9a: {  	s4 =	simm.s32 $_size__tile_overlayer_lowered;
	s5 =	simm.s32 $_tile_overlayer_lowered  }
0x9b: {  	s22 =	simm.s32 $0x1BFF;
	s21 =	sshll.u32 s5, $0x1;
	s2 =	sadd.s32 s19, s18  }
0x9c: {  	s6 =	simm.s32 $0x0;
	s20 =	sshll.u32 s4, $0x1;
	s4 =	sadd.s32 s21, s2  }
0x9d: {  	[timem:s6], [sflag:s22] =	dma.local [hbm:s4], s20  }
0x9e: {  	_ =	swait.ge [sflag:s22], s20  }
0x9f: {  	s3 =	ssub.s32 $0x0, s20;
	[sflag:s22] =	ssyncset.done $0x0  }
0xa0: {  	[sflag:s22] =	ssyncadd.s32 s3;
	_ =	sdelay $0x1  }
0xa1: {  	s23 =	simm.s32 $0x1B8B  }
0xa2: {  	_ =	swait.ge [sflag:s23], $0x1  }
0xa3: {  	[sflag:s23] =	ssyncset.done $0x0  }
0xa4: {  	s25 =	simm.s32 $0x1B8E;
	s24 =	sld [smem:$0x3FFE];
	[sflag:s23] =	ssyncadd.s32 $0xFFFFFFFF  }
0xa5: {  	s26 =	simm.s32 $execute0_lowered;
	[smem:$0x3FD2] =	sst s25  }
0xa6: {  	s4 =	sshll.u32 s26, $0x1;
	_ =	strace $0x80000046;
	[dreg:$0x1] =	wrdreg $0xFFFFFFFF  }
0xa7: {  	s28 =	simm.s32 $_size_execute0_lowered;
	s2 =	sadd.s32 s2, s4;
	[dreg:$0x0] =	wrdreg $0x0  }
0xa8: {  	s4 =	sshll.u32 s28, $0x1;
	[dreg:$0x2] =	wrdreg s2  }
0xa9: {  	[dreg:$0x3] =	wrdreg s4  }
0xaa: {  	[dreg:$0x4] =	wrdreg $0xC0  }
0xab: {  	_ =	task [dreg:s6], $0x5FFFF  }
0xac: {  	[dreg:$0x1] =	wrdreg $0xFFFFFFFF  }
0xad: {  	[dreg:$0x0] =	wrdreg $0x60  }
0xae: {  	[dreg:$0x2] =	wrdreg s24  }
0xaf: {  	[dreg:$0x3] =	wrdreg $0x0  }
0xb0: {  	[dreg:$0x4] =	wrdreg $0xA  }
0xb1: {  	_ =	task.clear_ibuf [dreg:s6], $0x5FFFF;
	_ =	strace $0x90000046  }
0xb2: {  	s29 =	simm.s32 $0xA;
	_ =	strace $0x80000048  }
0xb3: {  	_ =	swait.ge [sflag:s29], $0x1  }
0xb4: {  	[sflag:s29] =	ssyncadd.s32 $0xFFFFFFFF  }
0xb5: {  	_ =	strace $0x90000048  }
0xb6: {  	_ =	sfence  }
0xb7: {  	s30 =	sld [smem:$0x0];
	_ =	sdelay $0x2  }
0xb8: {  	s31 =	sshll.u32 s1, $0xD;
	s1 =	sshrl.u32 s1, $0x2  }
0xb9: {  	s3 =	sand.u32 $0x4000, s31;
	s1 =	sadd.s32 s1, s30  }
0xba: {  	s0 =	sor.u32 s3, s0;
	s1 =	sshll.u32 s1, $0x11  }
0xbb: {  	s0 =	sor.u32 s1, s0  }
0xbc: {  	s0 =	sadd.s32 $0x8F2B, s0  }
0xbd: {  	[sflag:s0] =	ssyncadd.remote.s32 $0x1  }
0xbe: {  	_ =	sfence.sel $0xFFFF  }
0xbf: {  	[dreg:$0x0] =	wrdreg $0xFFFFFFFF;
	(pc) =	sbr.abs _section_cstart, $3  }
0xc0: {  	[dreg:$0x1] =	wrdreg $0xFFFFFFFF  }
0xc1: {  	_ =	task.clear_ibuf [dreg:s6], $0x2FFFF;
	_ =	strace $0x9FFFFFFF  }
0xc2: {  	(tm) =	ssettm $0x7FFFFFFF  }
0xc3: {  	_ =	shalt  }
tec
execute0_lowered:
.L_overlay_start_1:
0x0: {  	(tag) =	ssettag $0x1  }
0x1: {  	s0 =	rddreg [dreg:$0x0];
	s1 =	srdreg.scid  }
0x2: {  	s2 =	rddreg [dreg:$0x1];
	s11 =	stileid.u32;
	s3 =	simm.s32 $0x0  }
0x3: {  	s12 =	simm.s32 $0x80;
	s13 =	simm.s32 $0x14400;
	s14 =	simm.s32 $0x13D00  }
0x4: {  	s15 =	simm.s32 $0x18400;
	s16 =	simm.s32 $0x1;
	s17 =	simm.s32 $0x13C80  }
0x5: {  	s18 =	simm.s32 $0x13E00;
	s20 =	simm.s32 $0x13D80;
	s21 =	simm.s32 $0x13F00  }
0x6: {  	s22 =	simm.s32 $0x13E80;
	s28 =	simm.s32 $0x14080;
	s29 =	simm.s32 $0x14200  }
0x7: {  	s30 =	simm.s32 $0x14180;
	s31 =	simm.s32 $0x14300;
	s5 =	smul.u32 $0xA00, s11  }
0x8: {  	s1 =	sand.u32 $0x1, s1;
	[smem:$0x7FF] =	sst s3;
	s8 =	smul.u32 $0x2780, s11  }
0x9: {  	s7 =	smul.u32 $0x4F000, s11;
	s26 =	sshll.u32 s11, $0x6;
	s11 =	simm.s32 $0x13C00  }
0xa: {  	s19 =	simm.s32 $0x2;
	s4 =	smul.u32 $0x138800, s1;
	_ =	strace $0x80000047  }
0xb: {  	s6 =	smul.u32 $0x27800, s1;
	s1 =	ssub.s32 $0x2, s1;
	s5 =	sadd.s32 s5, s0  }
0xc: {  	s9 =	sadd.s32 s8, s0;
	s10 =	sshrl.u32 s1, $0x1;
	s23 =	sshrl.u32 s7, $0x2  }
0xd: {  	s4 =	sadd.s32 s4, s0;
	s0 =	sadd.s32 s6, s0;
	s1 =	ssub.s32 s1, s10  }
0xe: {  	s24 =	sadd.s32 s23, s2;
	s25 =	sadd.s32 $0x13400, s9;
	s9 =	sor.u32 $0x1C03, s26  }
0xf: {  	s6 =	sadd.s32 $0x9400, s5;
	s10 =	simm.s32 $0x3;
	s23 =	simm.s32 $0x14000  }
0x10: {  	s26 =	simm.s32 $0x14100;
	[dreg:$0x3] =	wrdreg s25;
	s7 =	sadd.s32 $0x2C3600, s4  }
0x11: {  	s0 =	sadd.s32 $0x3AC00, s0;
	s1 =	smax.u32 s1, $0x1;
	[dreg:$0x4] =	wrdreg s9  }
0x12: {  	s24 =	sshrl.u32 s24, $0x3;
	s25 =	simm.s32 $0x13F80;
	[dreg:$0x5] =	wrdreg s1  }
0x13: {  	s4 =	simm.s32 $0x0;
	s0 =	sadd.s32 s8, s0;
	[dreg:$0x6] =	wrdreg s24  }
0x14: {  	s1 =	simm.s32 $0x14380;
	[dreg:$0x7] =	wrdreg s0;
	s0 =	simm.s32 $0x14280  }
.LBB2_1:
0x15: {  	s5 =	rddreg [dreg:$0x3]  }
0x16: {  	[spmem:s24], [sflag:s9] =	dma.local [hbm:s5], $0x2780  }
0x17: {  	_ =	swait.ge [sflag:s10], $0x2780  }
0x18: {  	[sflag:s10] =	ssyncset.done $0x0  }
0x19: {  	[sflag:s10] =	ssyncadd.s32 $0xFFFFD880  }
0x1a: {  	s24 =	sadd.s32 $0x0, s6;
	[bflag:$0x0] =	sbarrier.arrive $0xFFFF  }
0x1b: {  	[tilespmem:s11], [sflag:$0x3] =	stream.linear.gather [hbm4b:s24+s3], $0x800, $0x38;
	[tilespmem:$0x1C400] =	vst v63  }
0x1c: {  	_ =	swait.ge [sflag:s10], $0x800  }
0x1d: {  	[sflag:s10] =	ssyncset.done $0x0  }
0x1e: {  	[sflag:s10] =	ssyncadd.s32 $0xFFFFF800  }
0x1f: {  	[tilespmem:s13], [sflag:$0x1] =	stream.indirect.gather [hbm4b:s7+s12], $0x80, s11, s12, $0xb8;
	[tilespmem:$0x1C400] =	vst v63  }
0x20: {  	_ = 	snop  }
0x21: {  	[tilespmem:s15], [sflag:$0x2] =	stream.indirect.gather [hbm4b:s7+s12], $0x80, s14, s12, $0xb8;
	[tilespmem:$0x1C400] =	vst v63  }
0x22: {  	_ =	swait.ge [sflag:s16], $0x4000  }
0x23: {  	[sflag:s16] =	ssyncset.done $0x0  }
0x24: {  	[sflag:s16] =	ssyncadd.s32 $0xFFFFC000  }
0x25: {  	[spmem:s2] =	stream.indirect.scatter.add.f32 [tilespmem:s13], [sflag:$0x3], $0x80, s17, s12, $0xb8;
	[tilespmem:$0x1C400] =	vst v63  }
0x26: {  	_ =	swait.ge [sflag:s10], $0x4000  }
0x27: {  	[sflag:s10] =	ssyncset.done $0x0  }
0x28: {  	[sflag:s10] =	ssyncadd.s32 $0xFFFFC000  }
0x29: {  	[tilespmem:s13], [sflag:$0x1] =	stream.indirect.gather [hbm4b:s7+s12], $0x80, s18, s12, $0xb8;
	[tilespmem:$0x1C400] =	vst v63  }
0x2a: {  	_ =	swait.ge [sflag:s19], $0x4000  }
0x2b: {  	[sflag:s19] =	ssyncset.done $0x0  }
0x2c: {  	[sflag:s19] =	ssyncadd.s32 $0xFFFFC000  }
0x2d: {  	[spmem:s2] =	stream.indirect.scatter.add.f32 [tilespmem:s15], [sflag:$0x3], $0x80, s20, s12, $0xb8;
	[tilespmem:$0x1C400] =	vst v63  }
0x2e: {  	_ =	swait.ge [sflag:s10], $0x4000  }
0x2f: {  	[sflag:s10] =	ssyncset.done $0x0  }
0x30: {  	[sflag:s10] =	ssyncadd.s32 $0xFFFFC000  }
0x31: {  	[tilespmem:s15], [sflag:$0x2] =	stream.indirect.gather [hbm4b:s7+s12], $0x80, s21, s12, $0xb8;
	[tilespmem:$0x1C400] =	vst v63  }
0x32: {  	_ =	swait.ge [sflag:s16], $0x4000  }
0x33: {  	[sflag:s16] =	ssyncset.done $0x0  }
0x34: {  	[sflag:s16] =	ssyncadd.s32 $0xFFFFC000  }
0x35: {  	[spmem:s2] =	stream.indirect.scatter.add.f32 [tilespmem:s13], [sflag:$0x3], $0x80, s22, s12, $0xb8;
	[tilespmem:$0x1C400] =	vst v63  }
0x36: {  	_ =	swait.ge [sflag:s10], $0x4000  }
0x37: {  	[sflag:s10] =	ssyncset.done $0x0  }
0x38: {  	[sflag:s10] =	ssyncadd.s32 $0xFFFFC000  }
0x39: {  	[tilespmem:s13], [sflag:$0x1] =	stream.indirect.gather [hbm4b:s7+s12], $0x80, s23, s12, $0xb8;
	[tilespmem:$0x1C400] =	vst v63  }
0x3a: {  	_ =	swait.ge [sflag:s19], $0x4000  }
0x3b: {  	[sflag:s19] =	ssyncset.done $0x0  }
0x3c: {  	[sflag:s19] =	ssyncadd.s32 $0xFFFFC000  }
0x3d: {  	[spmem:s2] =	stream.indirect.scatter.add.f32 [tilespmem:s15], [sflag:$0x3], $0x80, s25, s12, $0xb8;
	[tilespmem:$0x1C400] =	vst v63  }
0x3e: {  	_ =	swait.ge [sflag:s10], $0x4000  }
0x3f: {  	[sflag:s10] =	ssyncset.done $0x0  }
0x40: {  	[sflag:s10] =	ssyncadd.s32 $0xFFFFC000  }
0x41: {  	[tilespmem:s15], [sflag:$0x2] =	stream.indirect.gather [hbm4b:s7+s12], $0x80, s26, s12, $0xb8;
	[tilespmem:$0x1C400] =	vst v63  }
0x42: {  	_ =	swait.ge [sflag:s16], $0x4000  }
0x43: {  	[sflag:s16] =	ssyncset.done $0x0  }
0x44: {  	[sflag:s16] =	ssyncadd.s32 $0xFFFFC000  }
0x45: {  	[spmem:s2] =	stream.indirect.scatter.add.f32 [tilespmem:s13], [sflag:$0x3], $0x80, s28, s12, $0xb8;
	[tilespmem:$0x1C400] =	vst v63  }
0x46: {  	_ =	swait.ge [sflag:s10], $0x4000  }
0x47: {  	[sflag:s10] =	ssyncset.done $0x0  }
0x48: {  	[sflag:s10] =	ssyncadd.s32 $0xFFFFC000  }
0x49: {  	[tilespmem:s13], [sflag:$0x1] =	stream.indirect.gather [hbm4b:s7+s12], $0x80, s29, s12, $0xb8;
	[tilespmem:$0x1C400] =	vst v63  }
0x4a: {  	_ =	swait.ge [sflag:s19], $0x4000  }
0x4b: {  	[sflag:s19] =	ssyncset.done $0x0  }
0x4c: {  	[sflag:s19] =	ssyncadd.s32 $0xFFFFC000  }
0x4d: {  	[spmem:s2] =	stream.indirect.scatter.add.f32 [tilespmem:s15], [sflag:$0x3], $0x80, s30, s12, $0xb8;
	[tilespmem:$0x1C400] =	vst v63  }
0x4e: {  	_ =	swait.ge [sflag:s10], $0x4000  }
0x4f: {  	[sflag:s10] =	ssyncset.done $0x0  }
0x50: {  	[sflag:s10] =	ssyncadd.s32 $0xFFFFC000  }
0x51: {  	[tilespmem:s15], [sflag:$0x2] =	stream.indirect.gather [hbm4b:s7+s12], $0x80, s31, s12, $0xb8;
	[tilespmem:$0x1C400] =	vst v63  }
0x52: {  	_ =	swait.ge [sflag:s16], $0x4000  }
0x53: {  	[sflag:s16] =	ssyncset.done $0x0  }
0x54: {  	[sflag:s16] =	ssyncadd.s32 $0xFFFFC000  }
0x55: {  	[spmem:s2] =	stream.indirect.scatter.add.f32 [tilespmem:s13], [sflag:$0x3], $0x80, s0, s12, $0xb8;
	[tilespmem:$0x1C400] =	vst v63  }
0x56: {  	_ =	swait.ge [sflag:s10], $0x4000  }
0x57: {  	[sflag:s10] =	ssyncset.done $0x0  }
0x58: {  	[sflag:s10] =	ssyncadd.s32 $0xFFFFC000  }
0x59: {  	_ =	swait.ge [sflag:s19], $0x4000  }
0x5a: {  	[sflag:s19] =	ssyncset.done $0x0  }
0x5b: {  	[sflag:s19] =	ssyncadd.s32 $0xFFFFC000  }
0x5c: {  	[spmem:s2] =	stream.indirect.scatter.add.f32 [tilespmem:s15], [sflag:$0x3], $0x80, s1, s12, $0xb8;
	[tilespmem:$0x1C400] =	vst v63  }
0x5d: {  	_ =	swait.ge [sflag:s10], $0x4000  }
0x5e: {  	s8 =	simm.s32 $0x100;
	s24 =	simm.s32 $0x200;
	[sflag:s10] =	ssyncset.done $0x0  }
.LBB2_2:
0x5f: {  	s9 =	sadd.s32 s8, s6  }
0x60: {  	[sflag:s10] =	ssyncadd.s32 $0xFFFFC000;
	s8 =	smov.u32 s24;
	s5 =	sadd.s32 $0x100, s24  }
0x61: {  	[tilespmem:s11], [sflag:$0x3] =	stream.linear.gather [hbm4b:s9+s3], $0x800, $0x38;
	[tilespmem:$0x1C400] =	vst v63  }
0x62: {  	p0 =	sne.s32 s24, $0x900;
	_ =	swait.ge [sflag:s10], $0x800  }
0x63: {  	[sflag:s10] =	ssyncset.done $0x0  }
0x64: {  	[sflag:s10] =	ssyncadd.s32 $0xFFFFF800  }
0x65: {  	[tilespmem:s13], [sflag:$0x1] =	stream.indirect.gather [hbm4b:s7+s12], $0x80, s11, s12, $0xb8;
	[tilespmem:$0x1C400] =	vst v63  }
0x66: {  	_ = 	snop  }
0x67: {  	[tilespmem:s15], [sflag:$0x2] =	stream.indirect.gather [hbm4b:s7+s12], $0x80, s14, s12, $0xb8;
	[tilespmem:$0x1C400] =	vst v63  }
0x68: {  	_ =	swait.ge [sflag:s16], $0x4000  }
0x69: {  	[sflag:s16] =	ssyncset.done $0x0  }
0x6a: {  	[sflag:s16] =	ssyncadd.s32 $0xFFFFC000  }
0x6b: {  	[spmem:s2] =	stream.indirect.scatter.add.f32 [tilespmem:s13], [sflag:$0x3], $0x80, s17, s12, $0xb8;
	[tilespmem:$0x1C400] =	vst v63  }
0x6c: {  	_ =	swait.ge [sflag:s10], $0x4000  }
0x6d: {  	[sflag:s10] =	ssyncset.done $0x0  }
0x6e: {  	[sflag:s10] =	ssyncadd.s32 $0xFFFFC000  }
0x6f: {  	[tilespmem:s13], [sflag:$0x1] =	stream.indirect.gather [hbm4b:s7+s12], $0x80, s18, s12, $0xb8;
	[tilespmem:$0x1C400] =	vst v63  }
0x70: {  	_ =	swait.ge [sflag:s19], $0x4000  }
0x71: {  	[sflag:s19] =	ssyncset.done $0x0  }
0x72: {  	[sflag:s19] =	ssyncadd.s32 $0xFFFFC000  }
0x73: {  	[spmem:s2] =	stream.indirect.scatter.add.f32 [tilespmem:s15], [sflag:$0x3], $0x80, s20, s12, $0xb8;
	[tilespmem:$0x1C400] =	vst v63  }
0x74: {  	_ =	swait.ge [sflag:s10], $0x4000  }
0x75: {  	[sflag:s10] =	ssyncset.done $0x0  }
0x76: {  	[sflag:s10] =	ssyncadd.s32 $0xFFFFC000  }
0x77: {  	[tilespmem:s15], [sflag:$0x2] =	stream.indirect.gather [hbm4b:s7+s12], $0x80, s21, s12, $0xb8;
	[tilespmem:$0x1C400] =	vst v63  }
0x78: {  	_ =	swait.ge [sflag:s16], $0x4000  }
0x79: {  	[sflag:s16] =	ssyncset.done $0x0  }
0x7a: {  	[sflag:s16] =	ssyncadd.s32 $0xFFFFC000  }
0x7b: {  	[spmem:s2] =	stream.indirect.scatter.add.f32 [tilespmem:s13], [sflag:$0x3], $0x80, s22, s12, $0xb8;
	[tilespmem:$0x1C400] =	vst v63  }
0x7c: {  	_ =	swait.ge [sflag:s10], $0x4000  }
0x7d: {  	[sflag:s10] =	ssyncset.done $0x0  }
0x7e: {  	[sflag:s10] =	ssyncadd.s32 $0xFFFFC000  }
0x7f: {  	[tilespmem:s13], [sflag:$0x1] =	stream.indirect.gather [hbm4b:s7+s12], $0x80, s23, s12, $0xb8;
	[tilespmem:$0x1C400] =	vst v63  }
0x80: {  	_ =	swait.ge [sflag:s19], $0x4000  }
0x81: {  	[sflag:s19] =	ssyncset.done $0x0  }
0x82: {  	[sflag:s19] =	ssyncadd.s32 $0xFFFFC000  }
0x83: {  	[spmem:s2] =	stream.indirect.scatter.add.f32 [tilespmem:s15], [sflag:$0x3], $0x80, s25, s12, $0xb8;
	[tilespmem:$0x1C400] =	vst v63  }
0x84: {  	_ =	swait.ge [sflag:s10], $0x4000  }
0x85: {  	[sflag:s10] =	ssyncset.done $0x0  }
0x86: {  	[sflag:s10] =	ssyncadd.s32 $0xFFFFC000  }
0x87: {  	[tilespmem:s15], [sflag:$0x2] =	stream.indirect.gather [hbm4b:s7+s12], $0x80, s26, s12, $0xb8;
	[tilespmem:$0x1C400] =	vst v63  }
0x88: {  	_ =	swait.ge [sflag:s16], $0x4000  }
0x89: {  	[sflag:s16] =	ssyncset.done $0x0  }
0x8a: {  	[sflag:s16] =	ssyncadd.s32 $0xFFFFC000  }
0x8b: {  	[spmem:s2] =	stream.indirect.scatter.add.f32 [tilespmem:s13], [sflag:$0x3], $0x80, s28, s12, $0xb8;
	[tilespmem:$0x1C400] =	vst v63  }
0x8c: {  	_ =	swait.ge [sflag:s10], $0x4000  }
0x8d: {  	[sflag:s10] =	ssyncset.done $0x0  }
0x8e: {  	[sflag:s10] =	ssyncadd.s32 $0xFFFFC000  }
0x8f: {  	[tilespmem:s13], [sflag:$0x1] =	stream.indirect.gather [hbm4b:s7+s12], $0x80, s29, s12, $0xb8;
	[tilespmem:$0x1C400] =	vst v63  }
0x90: {  	_ =	swait.ge [sflag:s19], $0x4000  }
0x91: {  	[sflag:s19] =	ssyncset.done $0x0  }
0x92: {  	[sflag:s19] =	ssyncadd.s32 $0xFFFFC000  }
0x93: {  	[spmem:s2] =	stream.indirect.scatter.add.f32 [tilespmem:s15], [sflag:$0x3], $0x80, s30, s12, $0xb8;
	[tilespmem:$0x1C400] =	vst v63  }
0x94: {  	_ =	swait.ge [sflag:s10], $0x4000  }
0x95: {  	[sflag:s10] =	ssyncset.done $0x0  }
0x96: {  	[sflag:s10] =	ssyncadd.s32 $0xFFFFC000  }
0x97: {  	[tilespmem:s15], [sflag:$0x2] =	stream.indirect.gather [hbm4b:s7+s12], $0x80, s31, s12, $0xb8;
	[tilespmem:$0x1C400] =	vst v63  }
0x98: {  	_ =	swait.ge [sflag:s16], $0x4000  }
0x99: {  	[sflag:s16] =	ssyncset.done $0x0  }
0x9a: {  	[sflag:s16] =	ssyncadd.s32 $0xFFFFC000  }
0x9b: {  	[spmem:s2] =	stream.indirect.scatter.add.f32 [tilespmem:s13], [sflag:$0x3], $0x80, s0, s12, $0xb8;
	[tilespmem:$0x1C400] =	vst v63  }
0x9c: {  	_ =	swait.ge [sflag:s10], $0x4000  }
0x9d: {  	[sflag:s10] =	ssyncset.done $0x0  }
0x9e: {  	[sflag:s10] =	ssyncadd.s32 $0xFFFFC000  }
0x9f: {  	_ =	swait.ge [sflag:s19], $0x4000  }
.Ltmp0:
0xa0: {  	[sflag:s19] =	ssyncset.done $0x0;
	(pc) =	sbr.rel @p0 .LBB2_2-.Ltmp0, $4  }
0xa1: {  	[sflag:s19] =	ssyncadd.s32 $0xFFFFC000  }
0xa2: {  	[spmem:s2] =	stream.indirect.scatter.add.f32 [tilespmem:s15], [sflag:$0x3], $0x80, s1, s12, $0xb8;
	[tilespmem:$0x1C400] =	vst v63  }
0xa3: {  	_ =	swait.ge [sflag:s10], $0x4000  }
0xa4: {  	s24 =	smov.u32 s5;
	[sflag:s10] =	ssyncset.done $0x0  }
0xa5: {  	s5 =	sadd.s32 s8, s6;
	[sflag:s10] =	ssyncadd.s32 $0xFFFFC000  }
0xa6: {  	[tilespmem:s11], [sflag:$0x3] =	stream.linear.gather [hbm4b:s5+s3], $0x800, $0x38;
	[tilespmem:$0x1C400] =	vst v63  }
0xa7: {  	_ =	swait.ge [sflag:s10], $0x800  }
0xa8: {  	[sflag:s10] =	ssyncset.done $0x0  }
0xa9: {  	[sflag:s10] =	ssyncadd.s32 $0xFFFFF800  }
0xaa: {  	[tilespmem:s13], [sflag:$0x1] =	stream.indirect.gather [hbm4b:s7+s12], $0x80, s11, s12, $0xb8;
	[tilespmem:$0x1C400] =	vst v63  }
0xab: {  	_ = 	snop  }
0xac: {  	[tilespmem:s15], [sflag:$0x2] =	stream.indirect.gather [hbm4b:s7+s12], $0x80, s14, s12, $0xb8;
	[tilespmem:$0x1C400] =	vst v63  }
0xad: {  	_ =	swait.ge [sflag:s16], $0x4000  }
0xae: {  	[sflag:s16] =	ssyncset.done $0x0  }
0xaf: {  	[sflag:s16] =	ssyncadd.s32 $0xFFFFC000  }
0xb0: {  	[spmem:s2] =	stream.indirect.scatter.add.f32 [tilespmem:s13], [sflag:$0x3], $0x80, s17, s12, $0xb8;
	[tilespmem:$0x1C400] =	vst v63  }
0xb1: {  	_ =	swait.ge [sflag:s10], $0x4000  }
0xb2: {  	[sflag:s10] =	ssyncset.done $0x0  }
0xb3: {  	[sflag:s10] =	ssyncadd.s32 $0xFFFFC000  }
0xb4: {  	[tilespmem:s13], [sflag:$0x1] =	stream.indirect.gather [hbm4b:s7+s12], $0x80, s18, s12, $0xb8;
	[tilespmem:$0x1C400] =	vst v63  }
0xb5: {  	_ =	swait.ge [sflag:s19], $0x4000  }
0xb6: {  	[sflag:s19] =	ssyncset.done $0x0  }
0xb7: {  	[sflag:s19] =	ssyncadd.s32 $0xFFFFC000  }
0xb8: {  	[spmem:s2] =	stream.indirect.scatter.add.f32 [tilespmem:s15], [sflag:$0x3], $0x80, s20, s12, $0xb8;
	[tilespmem:$0x1C400] =	vst v63  }
0xb9: {  	_ =	swait.ge [sflag:s10], $0x4000  }
0xba: {  	[sflag:s10] =	ssyncset.done $0x0  }
0xbb: {  	[sflag:s10] =	ssyncadd.s32 $0xFFFFC000  }
0xbc: {  	[tilespmem:s15], [sflag:$0x2] =	stream.indirect.gather [hbm4b:s7+s12], $0x80, s21, s12, $0xb8;
	[tilespmem:$0x1C400] =	vst v63  }
0xbd: {  	_ =	swait.ge [sflag:s16], $0x4000  }
0xbe: {  	[sflag:s16] =	ssyncset.done $0x0  }
0xbf: {  	[sflag:s16] =	ssyncadd.s32 $0xFFFFC000  }
0xc0: {  	[spmem:s2] =	stream.indirect.scatter.add.f32 [tilespmem:s13], [sflag:$0x3], $0x80, s22, s12, $0xb8;
	[tilespmem:$0x1C400] =	vst v63  }
0xc1: {  	_ =	swait.ge [sflag:s10], $0x4000  }
0xc2: {  	[sflag:s10] =	ssyncset.done $0x0  }
0xc3: {  	[sflag:s10] =	ssyncadd.s32 $0xFFFFC000  }
0xc4: {  	[tilespmem:s13], [sflag:$0x1] =	stream.indirect.gather [hbm4b:s7+s12], $0x80, s23, s12, $0xb8;
	[tilespmem:$0x1C400] =	vst v63  }
0xc5: {  	_ =	swait.ge [sflag:s19], $0x4000  }
0xc6: {  	[sflag:s19] =	ssyncset.done $0x0  }
0xc7: {  	[sflag:s19] =	ssyncadd.s32 $0xFFFFC000  }
0xc8: {  	[spmem:s2] =	stream.indirect.scatter.add.f32 [tilespmem:s15], [sflag:$0x3], $0x80, s25, s12, $0xb8;
	[tilespmem:$0x1C400] =	vst v63  }
0xc9: {  	_ =	swait.ge [sflag:s10], $0x4000  }
0xca: {  	[sflag:s10] =	ssyncset.done $0x0  }
0xcb: {  	[sflag:s10] =	ssyncadd.s32 $0xFFFFC000  }
0xcc: {  	[tilespmem:s15], [sflag:$0x2] =	stream.indirect.gather [hbm4b:s7+s12], $0x80, s26, s12, $0xb8;
	[tilespmem:$0x1C400] =	vst v63  }
0xcd: {  	_ =	swait.ge [sflag:s16], $0x4000  }
0xce: {  	[sflag:s16] =	ssyncset.done $0x0  }
0xcf: {  	[sflag:s16] =	ssyncadd.s32 $0xFFFFC000  }
0xd0: {  	[spmem:s2] =	stream.indirect.scatter.add.f32 [tilespmem:s13], [sflag:$0x3], $0x80, s28, s12, $0xb8;
	[tilespmem:$0x1C400] =	vst v63  }
0xd1: {  	_ =	swait.ge [sflag:s10], $0x4000  }
0xd2: {  	[sflag:s10] =	ssyncset.done $0x0  }
0xd3: {  	[sflag:s10] =	ssyncadd.s32 $0xFFFFC000  }
0xd4: {  	[tilespmem:s13], [sflag:$0x1] =	stream.indirect.gather [hbm4b:s7+s12], $0x80, s29, s12, $0xb8;
	[tilespmem:$0x1C400] =	vst v63  }
0xd5: {  	_ =	swait.ge [sflag:s19], $0x4000  }
0xd6: {  	[sflag:s19] =	ssyncset.done $0x0  }
0xd7: {  	[sflag:s19] =	ssyncadd.s32 $0xFFFFC000  }
0xd8: {  	[spmem:s2] =	stream.indirect.scatter.add.f32 [tilespmem:s15], [sflag:$0x3], $0x80, s30, s12, $0xb8;
	[tilespmem:$0x1C400] =	vst v63  }
0xd9: {  	_ =	swait.ge [sflag:s10], $0x4000  }
0xda: {  	[sflag:s10] =	ssyncset.done $0x0  }
0xdb: {  	[sflag:s10] =	ssyncadd.s32 $0xFFFFC000  }
0xdc: {  	[tilespmem:s15], [sflag:$0x2] =	stream.indirect.gather [hbm4b:s7+s12], $0x80, s31, s12, $0xb8;
	[tilespmem:$0x1C400] =	vst v63  }
0xdd: {  	_ =	swait.ge [sflag:s16], $0x4000  }
0xde: {  	[sflag:s16] =	ssyncset.done $0x0  }
0xdf: {  	[sflag:s16] =	ssyncadd.s32 $0xFFFFC000  }
0xe0: {  	[spmem:s2] =	stream.indirect.scatter.add.f32 [tilespmem:s13], [sflag:$0x3], $0x80, s0, s12, $0xb8;
	[tilespmem:$0x1C400] =	vst v63  }
0xe1: {  	_ =	swait.ge [sflag:s10], $0x4000  }
0xe2: {  	[sflag:s10] =	ssyncset.done $0x0  }
0xe3: {  	[sflag:s10] =	ssyncadd.s32 $0xFFFFC000  }
0xe4: {  	_ =	swait.ge [sflag:s19], $0x4000  }
0xe5: {  	[sflag:s19] =	ssyncset.done $0x0  }
0xe6: {  	[sflag:s19] =	ssyncadd.s32 $0xFFFFC000  }
0xe7: {  	[spmem:s2] =	stream.indirect.scatter.add.f32 [tilespmem:s15], [sflag:$0x3], $0x80, s1, s12, $0xb8;
	[tilespmem:$0x1C400] =	vst v63  }
0xe8: {  	_ =	swait.ge [sflag:s10], $0x4000  }
0xe9: {  	[sflag:s10] =	ssyncset.done $0x0  }
0xea: {  	[sflag:s10] =	ssyncadd.s32 $0xFFFFC000  }
0xeb: {  	[bflag:$0x0] =	sbarrier.arrive $0xFFFF  }
0xec: {  	s9 =	rddreg [dreg:$0x4]  }
0xed: {  	s24 =	rddreg [dreg:$0x6]  }
0xee: {  	s8 =	rddreg [dreg:$0x7]  }
0xef: {  	[hbm:s8], [sflag:s9] =	dma.local [spmem:s24], $0x2780  }
0xf0: {  	_ =	swait.ge [sflag:s10], $0x2780  }
0xf1: {  	s4 =	sadd.s32 $0x1, s4;
	s8 =	rddreg [dreg:$0x5]  }
0xf2: {  	p0 =	sne.s32 s4, s8  }
.Ltmp1:
0xf3: {  	_ = 	snop;
	(pc) =	sbr.rel @p0 .LBB2_1-.Ltmp1, $3  }
0xf4: {  	_ =	sdelay $0x1  }
0xf5: {  	[sflag:s10] =	ssyncset.done $0x0  }
0xf6: {  	[sflag:s10] =	ssyncadd.s32 $0xFFFFD880  }
0xf7: {  	_ =	sfence.sel $0x180000  }
0xf8: {  	[bflag:$0x0] =	sbarrier.arrive $0xFFFF  }
0xf9: {  	_ =	strace $0x90000047  }
0xfa: {  	s0 =	stileid.u32;
	[bflag:$0x2] =	sbarrier.arrive $0xFFFF  }
0xfb: {  	p0 =	sne.s32 s0, $0x0;
	s0 =	rddreg [dreg:$0x2]  }
0xfc: {  	s0 =	sadd.s32 @!p0 $0x100000, s0  }
0xfd: {  	[sflag:s0] =	ssyncadd.tile.s32 @!p0 $0x1;
	_ =	shalt  }
.Lfunc_end2:
_tile_overlayer_lowered:
.L_overlay_start_2:
0xfe: {  	(tag) =	ssettag $0x2  }
0xff: {  	s0 =	rddreg [dreg:$0x0];
	s2 =	stileid.u32  }
0x100: {  	s1 =	rddreg [dreg:$0x1];
	p0 =	sne.s32 s2, $0x0  }
0x101: {  	s3 =	rddreg [dreg:$0x2];
	[bflag:$0x3] =	sbarrier.arrive $0xFFFF;
	s2 =	simm.s32 @!p0 $0x1C03  }
0x102: {  	[timem:s3], [sflag:s2] =	dma.local @!p0 [hbm:s0], s1  }
0x103: {  	s0 =	simm.s32 @!p0 $0x3  }
0x104: {  	_ =	swait.ge @!p0 [sflag:s0], s1  }
0x105: {  	s1 =	ssub.s32 @!p0 $0x0, s1;
	[sflag:s0] =	ssyncset.done @!p0 $0x0  }
0x106: {  	[sflag:s0] =	ssyncadd.s32 @!p0 s1  }
0x107: {  	[bflag:$0x3] =	sbarrier.arrive $0xFFFF  }
0x108: {  	_ =	shalt  }

// kernel: kernel.15.cloned.1.call-start
scs
__scs_entry_jumppad:
0x0: {  	(pc) =	sbr.rel $0x88, $3  }
0x1: {  	(tag) =	ssettag $0x0;
	lr =	simm.s32 $0x1  }
0x2: {  	[smem:$0x3F94] =	sst lr;
	_ =	strace $0xD0000000  }
0x3: {  	_ = 	snop  }
0x4: {  	_ = 	snop  }
0x5: {  	_ = 	snop  }
0x6: {  	_ = 	snop  }
0x7: {  	_ = 	snop  }
__scs_overlays_trampoline_lowered:
0x8: {  	[smem:$0x3FA3] =	sst s0  }
0x9: {  	[smem:$0x3FA4] =	sst s1  }
0xa: {  	[smem:$0x3FA5] =	sst s2  }
0xb: {  	[smem:$0x3FA6] =	sst s3  }
0xc: {  	[smem:$0x3FA7] =	sst s4  }
0xd: {  	[smem:$0x3FA8] =	sst s5  }
0xe: {  	[smem:$0x3FA9] =	sst s6  }
0xf: {  	[smem:$0x3FAA] =	sst s7  }
0x10: {  	[smem:$0x3FAB] =	sst s8  }
0x11: {  	[smem:$0x3FAC] =	sst s9;
	s0 =	simm.s32 @!p0 $0x0  }
0x12: {  	s1 =	sld [smem:$0x3F92];
	s0 =	simm.s32 @p0 $0x1  }
0x13: {  	[smem:$0x3FAD] =	sst s0;
	s0 =	simm.s32 @!p1 $0x0  }
0x14: {  	s2 =	sld [smem:$0x3F91];
	s0 =	simm.s32 @p1 $0x1  }
0x15: {  	[smem:$0x3FAE] =	sst s0;
	s0 =	simm.s32 @!p2 $0x0  }
0x16: {  	s3 =	sld [smem:$0x3FDB];
	s0 =	simm.s32 @p2 $0x1  }
0x17: {  	s4 =	simm.s32 $0x1BF5;
	[smem:$0x3FB0] =	sst s0  }
0x18: {  	s0 =	sld [smem:$0x3F93];
	_ =	swait.ge [sflag:s4], $0x0  }
0x19: {  	s7 =	sld [smem:$0x3F94]  }
0x1a: {  	s8 =	sadd.s32 $0xFFFFE003, lr  }
0x1b: {  	s9 =	sadd.s32 $0xFFFFFEF7, lr;
	s5 =	simm.s32 $0xFFFFFFFF;
	p2 =	slt.u32 s8, $0xFFFFF086  }
0x1c: {  	p1 =	slt.u32 s9, $0xF7A;
	s5 =	simm.s32 @!p2 $0x0  }
0x1d: {  	s5 =	simm.s32 @p1 $0x1;
	p0 =	seq.s32 s7, s2  }
0x1e: {  	s7 =	smul.u32 @!p0 $0xF7A, s2;
	p2 =	seq.s32 @!p0 s5, $0x0  }
0x1f: {  	s9 =	smul.u32 $0xF7A, s1;
	s8 =	simm.s32 @!p0 $0x1BF5;
	p2 =	por !p2, p0  }
0x20: {  	[sflag:s8] =	ssyncset.s32 @!p0 $0xFFFFF086;
	s6 =	sadd.s32 @!p0 s3, s7;
	s7 =	simm.s32 @!p0 $0x108  }
0x21: {  	s3 =	sadd.s32 s3, s9;
	s6 =	sadd.s32 @!p0 $0x88, s6;
	s7 =	simm.s32 @p2 $0x1082  }
0x22: {  	[simem:s7], [sflag:s8] =	dma.local @!p0 [hbm:s6], $0xF7A  }
0x23: {  	s9 =	sor.u32 $0xD0000000, s2;
	s6 =	simm.s32 $0x108;
	_ =	swait.ge @!p0 [sflag:s8], $0x0  }
0x24: {  	s3 =	sadd.s32 $0x88, s3;
	s6 =	simm.s32 @!p1 $0x1082;
	[sflag:s4] =	ssyncset.s32 $0xFFFFF086  }
0x25: {  	[simem:s6], [sflag:s4] =	dma.local [hbm:s3], $0xF7A  }
0x26: {  	[smem:$0x3F94] =	sst s1;
	(tag) =	ssettag s2;
	_ =	strace s9  }
0x27: {  	s1 =	sld [smem:$0x3FA4]  }
0x28: {  	s2 =	sld [smem:$0x3FA5]  }
0x29: {  	s4 =	sld [smem:$0x3FA7]  }
0x2a: {  	p0 =	seq.s32 s5, $0x0;
	s5 =	sld [smem:$0x3FA8]  }
0x2b: {  	s6 =	sld [smem:$0x3FA9]  }
0x2c: {  	s7 =	sld [smem:$0x3FAA]  }
0x2d: {  	s3 =	simm.s32 $0x108;
	s8 =	sld [smem:$0x3FAB]  }
0x2e: {  	s3 =	simm.s32 @!p0 $0x1082;
	s9 =	sld [smem:$0x3FAC]  }
0x2f: {  	lr =	sadd.s32 s0, s3;
	s0 =	sld [smem:$0x3FA3]  }
0x30: {  	s3 =	sld [smem:$0x3FA6]  }
0x31: {  	[smem:$0x3FAF] =	sst s10  }
0x32: {  	s10 =	sld [smem:$0x3FAD];
	_ =	sdelay $0x3  }
0x33: {  	p0 =	seq.s32 s10, $0x1;
	s10 =	sld [smem:$0x3FAF];
	_ =	sdelay $0x3  }
0x34: {  	[smem:$0x3FAF] =	sst s10  }
0x35: {  	s10 =	sld [smem:$0x3FAE];
	_ =	sdelay $0x3  }
0x36: {  	p1 =	seq.s32 s10, $0x1;
	s10 =	sld [smem:$0x3FAF];
	_ =	sdelay $0x3  }
0x37: {  	[smem:$0x3FAF] =	sst s10  }
0x38: {  	s10 =	sld [smem:$0x3FB0]  }
0x39: {  	_ = 	snop;
	(pc) =	sbr.ind lr, $3  }
0x3a: {  	_ = 	snop  }
0x3b: {  	_ = 	snop  }
0x3c: {  	p2 =	seq.s32 s10, $0x1;
	s10 =	sld [smem:$0x3FAF]  }
0x3d: {  	_ =	shalt  }
0x3e: {  	_ =	shalt  }
0x3f: {  	_ =	shalt  }
0x40: {  	_ =	shalt  }
0x41: {  	_ =	shalt  }
0x42: {  	_ =	shalt  }
0x43: {  	_ =	shalt  }
0x44: {  	_ =	shalt  }
0x45: {  	_ =	shalt  }
0x46: {  	_ =	shalt  }
0x47: {  	_ =	shalt  }
0x48: {  	_ =	shalt  }
0x49: {  	_ =	shalt  }
0x4a: {  	_ =	shalt  }
0x4b: {  	_ =	shalt  }
0x4c: {  	_ =	shalt  }
0x4d: {  	_ =	shalt  }
0x4e: {  	_ =	shalt  }
0x4f: {  	_ =	shalt  }
0x50: {  	_ =	shalt  }
0x51: {  	_ =	shalt  }
0x52: {  	_ =	shalt  }
0x53: {  	_ =	shalt  }
0x54: {  	_ =	shalt  }
0x55: {  	_ =	shalt  }
0x56: {  	_ =	shalt  }
0x57: {  	_ =	shalt  }
0x58: {  	_ =	shalt  }
0x59: {  	_ =	shalt  }
0x5a: {  	_ =	shalt  }
0x5b: {  	_ =	shalt  }
0x5c: {  	_ =	shalt  }
0x5d: {  	_ =	shalt  }
0x5e: {  	_ =	shalt  }
0x5f: {  	_ =	shalt  }
0x60: {  	_ =	shalt  }
0x61: {  	_ =	shalt  }
0x62: {  	_ =	shalt  }
0x63: {  	_ =	shalt  }
0x64: {  	_ =	shalt  }
0x65: {  	_ =	shalt  }
0x66: {  	_ =	shalt  }
0x67: {  	_ =	shalt  }
0x68: {  	_ =	shalt  }
0x69: {  	_ =	shalt  }
0x6a: {  	_ =	shalt  }
0x6b: {  	_ =	shalt  }
0x6c: {  	_ =	shalt  }
0x6d: {  	_ =	shalt  }
0x6e: {  	_ =	shalt  }
0x6f: {  	_ =	shalt  }
0x70: {  	_ =	shalt  }
0x71: {  	_ =	shalt  }
0x72: {  	_ =	shalt  }
0x73: {  	_ =	shalt  }
0x74: {  	_ =	shalt  }
0x75: {  	_ =	shalt  }
0x76: {  	_ =	shalt  }
0x77: {  	_ =	shalt  }
0x78: {  	_ =	shalt  }
0x79: {  	_ =	shalt  }
0x7a: {  	_ =	shalt  }
0x7b: {  	_ =	shalt  }
0x7c: {  	_ =	shalt  }
0x7d: {  	_ =	shalt  }
0x7e: {  	_ =	shalt  }
0x7f: {  	_ =	shalt  }
0x80: {  	_ =	shalt  }
0x81: {  	_ =	shalt  }
0x82: {  	_ =	shalt  }
0x83: {  	_ =	shalt  }
0x84: {  	_ =	shalt  }
0x85: {  	_ =	shalt  }
0x86: {  	_ =	shalt  }
0x87: {  	_ =	shalt  }
.Lfunc_end0:
.L_simem_size_0:
called_computation.2_lowered:
.L_overlay_start_0:
0x88: {  	s2 =	sld [smem:$0x3FD9]  }
0x89: {  	s3 =	sld [smem:$0x3FFE];
	_ =	sdelay $0x1  }
0x8a: {  	s1 =	srdreg.scid  }
0x8b: {  	s0 =	sand.u32 $0x1, s1  }
0x8c: {  	s16 =	sshll.u32 s0, $0xA;
	s2 =	sadd.s32 s3, s2  }
0x8d: {  	s2 =	sadd.s32 s2, s16  }
0x8e: {  	[smem:$0x3FBB] =	sst s2  }
0x8f: {  	_ = 	snop  }
0x90: {  	(tm) =	ssettm $0x1  }
0x91: {  	s17 =	sld [smem:$0x3FFB];
	_ =	sdelay $0x3  }
0x92: {  	_ =	strace s17  }
0x93: {  	s2 =	sld [smem:$0x3FFC];
	_ =	sdelay $0x3  }
0x94: {  	_ =	strace s2  }
0x95: {  	s2 =	sld [smem:$0x3FFD];
	_ =	sdelay $0x3  }
0x96: {  	_ =	strace s2  }
0x97: {  	_ =	strace $0x8FFFFFFF  }
0x98: {  	s18 =	sld [smem:$0x3FDB];
	_ =	sdelay $0x1  }
0x99: {  	s19 =	simm.s32 $_scs_section_size  }
0x9a: {  	s4 =	simm.s32 $_size__tile_overlayer_lowered;
	s5 =	simm.s32 $_tile_overlayer_lowered  }
0x9b: {  	s22 =	simm.s32 $0x1BFF;
	s21 =	sshll.u32 s5, $0x1;
	s2 =	sadd.s32 s19, s18  }
0x9c: {  	s6 =	simm.s32 $0x0;
	s20 =	sshll.u32 s4, $0x1;
	s4 =	sadd.s32 s21, s2  }
0x9d: {  	[timem:s6], [sflag:s22] =	dma.local [hbm:s4], s20  }
0x9e: {  	_ =	swait.ge [sflag:s22], s20  }
0x9f: {  	s3 =	ssub.s32 $0x0, s20;
	[sflag:s22] =	ssyncset.done $0x0  }
0xa0: {  	[sflag:s22] =	ssyncadd.s32 s3;
	_ =	sdelay $0x1  }
0xa1: {  	s23 =	simm.s32 $0x1B8B  }
0xa2: {  	_ =	swait.ge [sflag:s23], $0x1  }
0xa3: {  	[sflag:s23] =	ssyncset.done $0x0  }
0xa4: {  	s25 =	simm.s32 $0x1B8E;
	s24 =	sld [smem:$0x3FFE];
	[sflag:s23] =	ssyncadd.s32 $0xFFFFFFFF  }
0xa5: {  	s26 =	simm.s32 $execute0_lowered;
	[smem:$0x3FD2] =	sst s25  }
0xa6: {  	s4 =	sshll.u32 s26, $0x1;
	_ =	strace $0x8000004C;
	[dreg:$0x1] =	wrdreg $0xFFFFFFFF  }
0xa7: {  	s28 =	simm.s32 $_size_execute0_lowered;
	s2 =	sadd.s32 s2, s4;
	[dreg:$0x0] =	wrdreg $0x0  }
0xa8: {  	s4 =	sshll.u32 s28, $0x1;
	[dreg:$0x2] =	wrdreg s2  }
0xa9: {  	[dreg:$0x3] =	wrdreg s4  }
0xaa: {  	[dreg:$0x4] =	wrdreg $0xC0  }
0xab: {  	_ =	task [dreg:s6], $0x5FFFF  }
0xac: {  	[dreg:$0x1] =	wrdreg $0xFFFFFFFF  }
0xad: {  	[dreg:$0x0] =	wrdreg $0x60  }
0xae: {  	[dreg:$0x2] =	wrdreg s24  }
0xaf: {  	[dreg:$0x3] =	wrdreg $0x0  }
0xb0: {  	[dreg:$0x4] =	wrdreg $0x9  }
0xb1: {  	_ =	task.clear_ibuf [dreg:s6], $0x5FFFF;
	_ =	strace $0x9000004C  }
0xb2: {  	s29 =	simm.s32 $0x9;
	_ =	strace $0x8000004E  }
0xb3: {  	_ =	swait.ge [sflag:s29], $0x1  }
0xb4: {  	[sflag:s29] =	ssyncadd.s32 $0xFFFFFFFF  }
0xb5: {  	_ =	strace $0x9000004E  }
0xb6: {  	_ =	sfence  }
0xb7: {  	s30 =	sld [smem:$0x0];
	_ =	sdelay $0x2  }
0xb8: {  	s31 =	sshll.u32 s1, $0xD;
	s1 =	sshrl.u32 s1, $0x2  }
0xb9: {  	s3 =	sand.u32 $0x4000, s31;
	s1 =	sadd.s32 s1, s30  }
0xba: {  	s0 =	sor.u32 s3, s0;
	s1 =	sshll.u32 s1, $0x11  }
0xbb: {  	s0 =	sor.u32 s1, s0  }
0xbc: {  	s0 =	sadd.s32 $0x8F2B, s0  }
0xbd: {  	[sflag:s0] =	ssyncadd.remote.s32 $0x1  }
0xbe: {  	_ =	sfence.sel $0xFFFF  }
0xbf: {  	[dreg:$0x0] =	wrdreg $0xFFFFFFFF;
	(pc) =	sbr.abs _section_cstart, $3  }
0xc0: {  	[dreg:$0x1] =	wrdreg $0xFFFFFFFF  }
0xc1: {  	_ =	task.clear_ibuf [dreg:s6], $0x2FFFF;
	_ =	strace $0x9FFFFFFF  }
0xc2: {  	(tm) =	ssettm $0x7FFFFFFF  }
0xc3: {  	_ =	shalt  }
tec
execute0_lowered:
.L_overlay_start_1:
0x0: {  	(tag) =	ssettag $0x1  }
0x1: {  	s0 =	rddreg [dreg:$0x0];
	s1 =	srdreg.scid  }
0x2: {  	s2 =	rddreg [dreg:$0x1];
	s11 =	stileid.u32;
	s3 =	simm.s32 $0x0  }
0x3: {  	s12 =	simm.s32 $0x80;
	s13 =	simm.s32 $0x14400;
	s14 =	simm.s32 $0x13D00  }
0x4: {  	s15 =	simm.s32 $0x18400;
	s16 =	simm.s32 $0x1;
	s17 =	simm.s32 $0x13C80  }
0x5: {  	s18 =	simm.s32 $0x13E00;
	s20 =	simm.s32 $0x13D80;
	s21 =	simm.s32 $0x13F00  }
0x6: {  	s22 =	simm.s32 $0x13E80;
	s28 =	simm.s32 $0x14080;
	s29 =	simm.s32 $0x14200  }
0x7: {  	s30 =	simm.s32 $0x14180;
	s31 =	simm.s32 $0x14300;
	s5 =	smul.u32 $0xA00, s11  }
0x8: {  	s1 =	sand.u32 $0x1, s1;
	[smem:$0x7FF] =	sst s3;
	s8 =	smul.u32 $0x2780, s11  }
0x9: {  	s7 =	smul.u32 $0x4F000, s11;
	s26 =	sshll.u32 s11, $0x6;
	s11 =	simm.s32 $0x13C00  }
0xa: {  	s19 =	simm.s32 $0x2;
	s4 =	smul.u32 $0x138800, s1;
	_ =	strace $0x8000004D  }
0xb: {  	s6 =	smul.u32 $0x27800, s1;
	s1 =	ssub.s32 $0x2, s1;
	s5 =	sadd.s32 s5, s0  }
0xc: {  	s9 =	sadd.s32 s8, s0;
	s10 =	sshrl.u32 s1, $0x1;
	s23 =	sshrl.u32 s7, $0x2  }
0xd: {  	s4 =	sadd.s32 s4, s0;
	s0 =	sadd.s32 s6, s0;
	s1 =	ssub.s32 s1, s10  }
0xe: {  	s24 =	sadd.s32 s23, s2;
	s25 =	sadd.s32 $0x13400, s9;
	s9 =	sor.u32 $0x1C03, s26  }
0xf: {  	s6 =	sadd.s32 $0x9400, s5;
	s10 =	simm.s32 $0x3;
	s23 =	simm.s32 $0x14000  }
0x10: {  	s26 =	simm.s32 $0x14100;
	[dreg:$0x3] =	wrdreg s25;
	s7 =	sadd.s32 $0x34A400, s4  }
0x11: {  	s0 =	sadd.s32 $0x3AC00, s0;
	s1 =	smax.u32 s1, $0x1;
	[dreg:$0x4] =	wrdreg s9  }
0x12: {  	s24 =	sshrl.u32 s24, $0x3;
	s25 =	simm.s32 $0x13F80;
	[dreg:$0x5] =	wrdreg s1  }
0x13: {  	s4 =	simm.s32 $0x0;
	s0 =	sadd.s32 s8, s0;
	[dreg:$0x6] =	wrdreg s24  }
0x14: {  	s1 =	simm.s32 $0x14380;
	[dreg:$0x7] =	wrdreg s0;
	s0 =	simm.s32 $0x14280  }
.LBB2_1:
0x15: {  	s5 =	rddreg [dreg:$0x3]  }
0x16: {  	[spmem:s24], [sflag:s9] =	dma.local [hbm:s5], $0x2780  }
0x17: {  	_ =	swait.ge [sflag:s10], $0x2780  }
0x18: {  	[sflag:s10] =	ssyncset.done $0x0  }
0x19: {  	[sflag:s10] =	ssyncadd.s32 $0xFFFFD880  }
0x1a: {  	s24 =	sadd.s32 $0x0, s6;
	[bflag:$0x0] =	sbarrier.arrive $0xFFFF  }
0x1b: {  	[tilespmem:s11], [sflag:$0x3] =	stream.linear.gather [hbm4b:s24+s3], $0x800, $0x38;
	[tilespmem:$0x1C400] =	vst v63  }
0x1c: {  	_ =	swait.ge [sflag:s10], $0x800  }
0x1d: {  	[sflag:s10] =	ssyncset.done $0x0  }
0x1e: {  	[sflag:s10] =	ssyncadd.s32 $0xFFFFF800  }
0x1f: {  	[tilespmem:s13], [sflag:$0x1] =	stream.indirect.gather [hbm4b:s7+s12], $0x80, s11, s12, $0xb8;
	[tilespmem:$0x1C400] =	vst v63  }
0x20: {  	_ = 	snop  }
0x21: {  	[tilespmem:s15], [sflag:$0x2] =	stream.indirect.gather [hbm4b:s7+s12], $0x80, s14, s12, $0xb8;
	[tilespmem:$0x1C400] =	vst v63  }
0x22: {  	_ =	swait.ge [sflag:s16], $0x4000  }
0x23: {  	[sflag:s16] =	ssyncset.done $0x0  }
0x24: {  	[sflag:s16] =	ssyncadd.s32 $0xFFFFC000  }
0x25: {  	[spmem:s2] =	stream.indirect.scatter.add.f32 [tilespmem:s13], [sflag:$0x3], $0x80, s17, s12, $0xb8;
	[tilespmem:$0x1C400] =	vst v63  }
0x26: {  	_ =	swait.ge [sflag:s10], $0x4000  }
0x27: {  	[sflag:s10] =	ssyncset.done $0x0  }
0x28: {  	[sflag:s10] =	ssyncadd.s32 $0xFFFFC000  }
0x29: {  	[tilespmem:s13], [sflag:$0x1] =	stream.indirect.gather [hbm4b:s7+s12], $0x80, s18, s12, $0xb8;
	[tilespmem:$0x1C400] =	vst v63  }
0x2a: {  	_ =	swait.ge [sflag:s19], $0x4000  }
0x2b: {  	[sflag:s19] =	ssyncset.done $0x0  }
0x2c: {  	[sflag:s19] =	ssyncadd.s32 $0xFFFFC000  }
0x2d: {  	[spmem:s2] =	stream.indirect.scatter.add.f32 [tilespmem:s15], [sflag:$0x3], $0x80, s20, s12, $0xb8;
	[tilespmem:$0x1C400] =	vst v63  }
0x2e: {  	_ =	swait.ge [sflag:s10], $0x4000  }
0x2f: {  	[sflag:s10] =	ssyncset.done $0x0  }
0x30: {  	[sflag:s10] =	ssyncadd.s32 $0xFFFFC000  }
0x31: {  	[tilespmem:s15], [sflag:$0x2] =	stream.indirect.gather [hbm4b:s7+s12], $0x80, s21, s12, $0xb8;
	[tilespmem:$0x1C400] =	vst v63  }
0x32: {  	_ =	swait.ge [sflag:s16], $0x4000  }
0x33: {  	[sflag:s16] =	ssyncset.done $0x0  }
0x34: {  	[sflag:s16] =	ssyncadd.s32 $0xFFFFC000  }
0x35: {  	[spmem:s2] =	stream.indirect.scatter.add.f32 [tilespmem:s13], [sflag:$0x3], $0x80, s22, s12, $0xb8;
	[tilespmem:$0x1C400] =	vst v63  }
0x36: {  	_ =	swait.ge [sflag:s10], $0x4000  }
0x37: {  	[sflag:s10] =	ssyncset.done $0x0  }
0x38: {  	[sflag:s10] =	ssyncadd.s32 $0xFFFFC000  }
0x39: {  	[tilespmem:s13], [sflag:$0x1] =	stream.indirect.gather [hbm4b:s7+s12], $0x80, s23, s12, $0xb8;
	[tilespmem:$0x1C400] =	vst v63  }
0x3a: {  	_ =	swait.ge [sflag:s19], $0x4000  }
0x3b: {  	[sflag:s19] =	ssyncset.done $0x0  }
0x3c: {  	[sflag:s19] =	ssyncadd.s32 $0xFFFFC000  }
0x3d: {  	[spmem:s2] =	stream.indirect.scatter.add.f32 [tilespmem:s15], [sflag:$0x3], $0x80, s25, s12, $0xb8;
	[tilespmem:$0x1C400] =	vst v63  }
0x3e: {  	_ =	swait.ge [sflag:s10], $0x4000  }
0x3f: {  	[sflag:s10] =	ssyncset.done $0x0  }
0x40: {  	[sflag:s10] =	ssyncadd.s32 $0xFFFFC000  }
0x41: {  	[tilespmem:s15], [sflag:$0x2] =	stream.indirect.gather [hbm4b:s7+s12], $0x80, s26, s12, $0xb8;
	[tilespmem:$0x1C400] =	vst v63  }
0x42: {  	_ =	swait.ge [sflag:s16], $0x4000  }
0x43: {  	[sflag:s16] =	ssyncset.done $0x0  }
0x44: {  	[sflag:s16] =	ssyncadd.s32 $0xFFFFC000  }
0x45: {  	[spmem:s2] =	stream.indirect.scatter.add.f32 [tilespmem:s13], [sflag:$0x3], $0x80, s28, s12, $0xb8;
	[tilespmem:$0x1C400] =	vst v63  }
0x46: {  	_ =	swait.ge [sflag:s10], $0x4000  }
0x47: {  	[sflag:s10] =	ssyncset.done $0x0  }
0x48: {  	[sflag:s10] =	ssyncadd.s32 $0xFFFFC000  }
0x49: {  	[tilespmem:s13], [sflag:$0x1] =	stream.indirect.gather [hbm4b:s7+s12], $0x80, s29, s12, $0xb8;
	[tilespmem:$0x1C400] =	vst v63  }
0x4a: {  	_ =	swait.ge [sflag:s19], $0x4000  }
0x4b: {  	[sflag:s19] =	ssyncset.done $0x0  }
0x4c: {  	[sflag:s19] =	ssyncadd.s32 $0xFFFFC000  }
0x4d: {  	[spmem:s2] =	stream.indirect.scatter.add.f32 [tilespmem:s15], [sflag:$0x3], $0x80, s30, s12, $0xb8;
	[tilespmem:$0x1C400] =	vst v63  }
0x4e: {  	_ =	swait.ge [sflag:s10], $0x4000  }
0x4f: {  	[sflag:s10] =	ssyncset.done $0x0  }
0x50: {  	[sflag:s10] =	ssyncadd.s32 $0xFFFFC000  }
0x51: {  	[tilespmem:s15], [sflag:$0x2] =	stream.indirect.gather [hbm4b:s7+s12], $0x80, s31, s12, $0xb8;
	[tilespmem:$0x1C400] =	vst v63  }
0x52: {  	_ =	swait.ge [sflag:s16], $0x4000  }
0x53: {  	[sflag:s16] =	ssyncset.done $0x0  }
0x54: {  	[sflag:s16] =	ssyncadd.s32 $0xFFFFC000  }
0x55: {  	[spmem:s2] =	stream.indirect.scatter.add.f32 [tilespmem:s13], [sflag:$0x3], $0x80, s0, s12, $0xb8;
	[tilespmem:$0x1C400] =	vst v63  }
0x56: {  	_ =	swait.ge [sflag:s10], $0x4000  }
0x57: {  	[sflag:s10] =	ssyncset.done $0x0  }
0x58: {  	[sflag:s10] =	ssyncadd.s32 $0xFFFFC000  }
0x59: {  	_ =	swait.ge [sflag:s19], $0x4000  }
0x5a: {  	[sflag:s19] =	ssyncset.done $0x0  }
0x5b: {  	[sflag:s19] =	ssyncadd.s32 $0xFFFFC000  }
0x5c: {  	[spmem:s2] =	stream.indirect.scatter.add.f32 [tilespmem:s15], [sflag:$0x3], $0x80, s1, s12, $0xb8;
	[tilespmem:$0x1C400] =	vst v63  }
0x5d: {  	_ =	swait.ge [sflag:s10], $0x4000  }
0x5e: {  	s8 =	simm.s32 $0x100;
	s24 =	simm.s32 $0x200;
	[sflag:s10] =	ssyncset.done $0x0  }
.LBB2_2:
0x5f: {  	s9 =	sadd.s32 s8, s6  }
0x60: {  	[sflag:s10] =	ssyncadd.s32 $0xFFFFC000;
	s8 =	smov.u32 s24;
	s5 =	sadd.s32 $0x100, s24  }
0x61: {  	[tilespmem:s11], [sflag:$0x3] =	stream.linear.gather [hbm4b:s9+s3], $0x800, $0x38;
	[tilespmem:$0x1C400] =	vst v63  }
0x62: {  	p0 =	sne.s32 s24, $0x900;
	_ =	swait.ge [sflag:s10], $0x800  }
0x63: {  	[sflag:s10] =	ssyncset.done $0x0  }
0x64: {  	[sflag:s10] =	ssyncadd.s32 $0xFFFFF800  }
0x65: {  	[tilespmem:s13], [sflag:$0x1] =	stream.indirect.gather [hbm4b:s7+s12], $0x80, s11, s12, $0xb8;
	[tilespmem:$0x1C400] =	vst v63  }
0x66: {  	_ = 	snop  }
0x67: {  	[tilespmem:s15], [sflag:$0x2] =	stream.indirect.gather [hbm4b:s7+s12], $0x80, s14, s12, $0xb8;
	[tilespmem:$0x1C400] =	vst v63  }
0x68: {  	_ =	swait.ge [sflag:s16], $0x4000  }
0x69: {  	[sflag:s16] =	ssyncset.done $0x0  }
0x6a: {  	[sflag:s16] =	ssyncadd.s32 $0xFFFFC000  }
0x6b: {  	[spmem:s2] =	stream.indirect.scatter.add.f32 [tilespmem:s13], [sflag:$0x3], $0x80, s17, s12, $0xb8;
	[tilespmem:$0x1C400] =	vst v63  }
0x6c: {  	_ =	swait.ge [sflag:s10], $0x4000  }
0x6d: {  	[sflag:s10] =	ssyncset.done $0x0  }
0x6e: {  	[sflag:s10] =	ssyncadd.s32 $0xFFFFC000  }
0x6f: {  	[tilespmem:s13], [sflag:$0x1] =	stream.indirect.gather [hbm4b:s7+s12], $0x80, s18, s12, $0xb8;
	[tilespmem:$0x1C400] =	vst v63  }
0x70: {  	_ =	swait.ge [sflag:s19], $0x4000  }
0x71: {  	[sflag:s19] =	ssyncset.done $0x0  }
0x72: {  	[sflag:s19] =	ssyncadd.s32 $0xFFFFC000  }
0x73: {  	[spmem:s2] =	stream.indirect.scatter.add.f32 [tilespmem:s15], [sflag:$0x3], $0x80, s20, s12, $0xb8;
	[tilespmem:$0x1C400] =	vst v63  }
0x74: {  	_ =	swait.ge [sflag:s10], $0x4000  }
0x75: {  	[sflag:s10] =	ssyncset.done $0x0  }
0x76: {  	[sflag:s10] =	ssyncadd.s32 $0xFFFFC000  }
0x77: {  	[tilespmem:s15], [sflag:$0x2] =	stream.indirect.gather [hbm4b:s7+s12], $0x80, s21, s12, $0xb8;
	[tilespmem:$0x1C400] =	vst v63  }
0x78: {  	_ =	swait.ge [sflag:s16], $0x4000  }
0x79: {  	[sflag:s16] =	ssyncset.done $0x0  }
0x7a: {  	[sflag:s16] =	ssyncadd.s32 $0xFFFFC000  }
0x7b: {  	[spmem:s2] =	stream.indirect.scatter.add.f32 [tilespmem:s13], [sflag:$0x3], $0x80, s22, s12, $0xb8;
	[tilespmem:$0x1C400] =	vst v63  }
0x7c: {  	_ =	swait.ge [sflag:s10], $0x4000  }
0x7d: {  	[sflag:s10] =	ssyncset.done $0x0  }
0x7e: {  	[sflag:s10] =	ssyncadd.s32 $0xFFFFC000  }
0x7f: {  	[tilespmem:s13], [sflag:$0x1] =	stream.indirect.gather [hbm4b:s7+s12], $0x80, s23, s12, $0xb8;
	[tilespmem:$0x1C400] =	vst v63  }
0x80: {  	_ =	swait.ge [sflag:s19], $0x4000  }
0x81: {  	[sflag:s19] =	ssyncset.done $0x0  }
0x82: {  	[sflag:s19] =	ssyncadd.s32 $0xFFFFC000  }
0x83: {  	[spmem:s2] =	stream.indirect.scatter.add.f32 [tilespmem:s15], [sflag:$0x3], $0x80, s25, s12, $0xb8;
	[tilespmem:$0x1C400] =	vst v63  }
0x84: {  	_ =	swait.ge [sflag:s10], $0x4000  }
0x85: {  	[sflag:s10] =	ssyncset.done $0x0  }
0x86: {  	[sflag:s10] =	ssyncadd.s32 $0xFFFFC000  }
0x87: {  	[tilespmem:s15], [sflag:$0x2] =	stream.indirect.gather [hbm4b:s7+s12], $0x80, s26, s12, $0xb8;
	[tilespmem:$0x1C400] =	vst v63  }
0x88: {  	_ =	swait.ge [sflag:s16], $0x4000  }
0x89: {  	[sflag:s16] =	ssyncset.done $0x0  }
0x8a: {  	[sflag:s16] =	ssyncadd.s32 $0xFFFFC000  }
0x8b: {  	[spmem:s2] =	stream.indirect.scatter.add.f32 [tilespmem:s13], [sflag:$0x3], $0x80, s28, s12, $0xb8;
	[tilespmem:$0x1C400] =	vst v63  }
0x8c: {  	_ =	swait.ge [sflag:s10], $0x4000  }
0x8d: {  	[sflag:s10] =	ssyncset.done $0x0  }
0x8e: {  	[sflag:s10] =	ssyncadd.s32 $0xFFFFC000  }
0x8f: {  	[tilespmem:s13], [sflag:$0x1] =	stream.indirect.gather [hbm4b:s7+s12], $0x80, s29, s12, $0xb8;
	[tilespmem:$0x1C400] =	vst v63  }
0x90: {  	_ =	swait.ge [sflag:s19], $0x4000  }
0x91: {  	[sflag:s19] =	ssyncset.done $0x0  }
0x92: {  	[sflag:s19] =	ssyncadd.s32 $0xFFFFC000  }
0x93: {  	[spmem:s2] =	stream.indirect.scatter.add.f32 [tilespmem:s15], [sflag:$0x3], $0x80, s30, s12, $0xb8;
	[tilespmem:$0x1C400] =	vst v63  }
0x94: {  	_ =	swait.ge [sflag:s10], $0x4000  }
0x95: {  	[sflag:s10] =	ssyncset.done $0x0  }
0x96: {  	[sflag:s10] =	ssyncadd.s32 $0xFFFFC000  }
0x97: {  	[tilespmem:s15], [sflag:$0x2] =	stream.indirect.gather [hbm4b:s7+s12], $0x80, s31, s12, $0xb8;
	[tilespmem:$0x1C400] =	vst v63  }
0x98: {  	_ =	swait.ge [sflag:s16], $0x4000  }
0x99: {  	[sflag:s16] =	ssyncset.done $0x0  }
0x9a: {  	[sflag:s16] =	ssyncadd.s32 $0xFFFFC000  }
0x9b: {  	[spmem:s2] =	stream.indirect.scatter.add.f32 [tilespmem:s13], [sflag:$0x3], $0x80, s0, s12, $0xb8;
	[tilespmem:$0x1C400] =	vst v63  }
0x9c: {  	_ =	swait.ge [sflag:s10], $0x4000  }
0x9d: {  	[sflag:s10] =	ssyncset.done $0x0  }
0x9e: {  	[sflag:s10] =	ssyncadd.s32 $0xFFFFC000  }
0x9f: {  	_ =	swait.ge [sflag:s19], $0x4000  }
.Ltmp0:
0xa0: {  	[sflag:s19] =	ssyncset.done $0x0;
	(pc) =	sbr.rel @p0 .LBB2_2-.Ltmp0, $4  }
0xa1: {  	[sflag:s19] =	ssyncadd.s32 $0xFFFFC000  }
0xa2: {  	[spmem:s2] =	stream.indirect.scatter.add.f32 [tilespmem:s15], [sflag:$0x3], $0x80, s1, s12, $0xb8;
	[tilespmem:$0x1C400] =	vst v63  }
0xa3: {  	_ =	swait.ge [sflag:s10], $0x4000  }
0xa4: {  	s24 =	smov.u32 s5;
	[sflag:s10] =	ssyncset.done $0x0  }
0xa5: {  	s5 =	sadd.s32 s8, s6;
	[sflag:s10] =	ssyncadd.s32 $0xFFFFC000  }
0xa6: {  	[tilespmem:s11], [sflag:$0x3] =	stream.linear.gather [hbm4b:s5+s3], $0x800, $0x38;
	[tilespmem:$0x1C400] =	vst v63  }
0xa7: {  	_ =	swait.ge [sflag:s10], $0x800  }
0xa8: {  	[sflag:s10] =	ssyncset.done $0x0  }
0xa9: {  	[sflag:s10] =	ssyncadd.s32 $0xFFFFF800  }
0xaa: {  	[tilespmem:s13], [sflag:$0x1] =	stream.indirect.gather [hbm4b:s7+s12], $0x80, s11, s12, $0xb8;
	[tilespmem:$0x1C400] =	vst v63  }
0xab: {  	_ = 	snop  }
0xac: {  	[tilespmem:s15], [sflag:$0x2] =	stream.indirect.gather [hbm4b:s7+s12], $0x80, s14, s12, $0xb8;
	[tilespmem:$0x1C400] =	vst v63  }
0xad: {  	_ =	swait.ge [sflag:s16], $0x4000  }
0xae: {  	[sflag:s16] =	ssyncset.done $0x0  }
0xaf: {  	[sflag:s16] =	ssyncadd.s32 $0xFFFFC000  }
0xb0: {  	[spmem:s2] =	stream.indirect.scatter.add.f32 [tilespmem:s13], [sflag:$0x3], $0x80, s17, s12, $0xb8;
	[tilespmem:$0x1C400] =	vst v63  }
0xb1: {  	_ =	swait.ge [sflag:s10], $0x4000  }
0xb2: {  	[sflag:s10] =	ssyncset.done $0x0  }
0xb3: {  	[sflag:s10] =	ssyncadd.s32 $0xFFFFC000  }
0xb4: {  	[tilespmem:s13], [sflag:$0x1] =	stream.indirect.gather [hbm4b:s7+s12], $0x80, s18, s12, $0xb8;
	[tilespmem:$0x1C400] =	vst v63  }
0xb5: {  	_ =	swait.ge [sflag:s19], $0x4000  }
0xb6: {  	[sflag:s19] =	ssyncset.done $0x0  }
0xb7: {  	[sflag:s19] =	ssyncadd.s32 $0xFFFFC000  }
0xb8: {  	[spmem:s2] =	stream.indirect.scatter.add.f32 [tilespmem:s15], [sflag:$0x3], $0x80, s20, s12, $0xb8;
	[tilespmem:$0x1C400] =	vst v63  }
0xb9: {  	_ =	swait.ge [sflag:s10], $0x4000  }
0xba: {  	[sflag:s10] =	ssyncset.done $0x0  }
0xbb: {  	[sflag:s10] =	ssyncadd.s32 $0xFFFFC000  }
0xbc: {  	[tilespmem:s15], [sflag:$0x2] =	stream.indirect.gather [hbm4b:s7+s12], $0x80, s21, s12, $0xb8;
	[tilespmem:$0x1C400] =	vst v63  }
0xbd: {  	_ =	swait.ge [sflag:s16], $0x4000  }
0xbe: {  	[sflag:s16] =	ssyncset.done $0x0  }
0xbf: {  	[sflag:s16] =	ssyncadd.s32 $0xFFFFC000  }
0xc0: {  	[spmem:s2] =	stream.indirect.scatter.add.f32 [tilespmem:s13], [sflag:$0x3], $0x80, s22, s12, $0xb8;
	[tilespmem:$0x1C400] =	vst v63  }
0xc1: {  	_ =	swait.ge [sflag:s10], $0x4000  }
0xc2: {  	[sflag:s10] =	ssyncset.done $0x0  }
0xc3: {  	[sflag:s10] =	ssyncadd.s32 $0xFFFFC000  }
0xc4: {  	[tilespmem:s13], [sflag:$0x1] =	stream.indirect.gather [hbm4b:s7+s12], $0x80, s23, s12, $0xb8;
	[tilespmem:$0x1C400] =	vst v63  }
0xc5: {  	_ =	swait.ge [sflag:s19], $0x4000  }
0xc6: {  	[sflag:s19] =	ssyncset.done $0x0  }
0xc7: {  	[sflag:s19] =	ssyncadd.s32 $0xFFFFC000  }
0xc8: {  	[spmem:s2] =	stream.indirect.scatter.add.f32 [tilespmem:s15], [sflag:$0x3], $0x80, s25, s12, $0xb8;
	[tilespmem:$0x1C400] =	vst v63  }
0xc9: {  	_ =	swait.ge [sflag:s10], $0x4000  }
0xca: {  	[sflag:s10] =	ssyncset.done $0x0  }
0xcb: {  	[sflag:s10] =	ssyncadd.s32 $0xFFFFC000  }
0xcc: {  	[tilespmem:s15], [sflag:$0x2] =	stream.indirect.gather [hbm4b:s7+s12], $0x80, s26, s12, $0xb8;
	[tilespmem:$0x1C400] =	vst v63  }
0xcd: {  	_ =	swait.ge [sflag:s16], $0x4000  }
0xce: {  	[sflag:s16] =	ssyncset.done $0x0  }
0xcf: {  	[sflag:s16] =	ssyncadd.s32 $0xFFFFC000  }
0xd0: {  	[spmem:s2] =	stream.indirect.scatter.add.f32 [tilespmem:s13], [sflag:$0x3], $0x80, s28, s12, $0xb8;
	[tilespmem:$0x1C400] =	vst v63  }
0xd1: {  	_ =	swait.ge [sflag:s10], $0x4000  }
0xd2: {  	[sflag:s10] =	ssyncset.done $0x0  }
0xd3: {  	[sflag:s10] =	ssyncadd.s32 $0xFFFFC000  }
0xd4: {  	[tilespmem:s13], [sflag:$0x1] =	stream.indirect.gather [hbm4b:s7+s12], $0x80, s29, s12, $0xb8;
	[tilespmem:$0x1C400] =	vst v63  }
0xd5: {  	_ =	swait.ge [sflag:s19], $0x4000  }
0xd6: {  	[sflag:s19] =	ssyncset.done $0x0  }
0xd7: {  	[sflag:s19] =	ssyncadd.s32 $0xFFFFC000  }
0xd8: {  	[spmem:s2] =	stream.indirect.scatter.add.f32 [tilespmem:s15], [sflag:$0x3], $0x80, s30, s12, $0xb8;
	[tilespmem:$0x1C400] =	vst v63  }
0xd9: {  	_ =	swait.ge [sflag:s10], $0x4000  }
0xda: {  	[sflag:s10] =	ssyncset.done $0x0  }
0xdb: {  	[sflag:s10] =	ssyncadd.s32 $0xFFFFC000  }
0xdc: {  	[tilespmem:s15], [sflag:$0x2] =	stream.indirect.gather [hbm4b:s7+s12], $0x80, s31, s12, $0xb8;
	[tilespmem:$0x1C400] =	vst v63  }
0xdd: {  	_ =	swait.ge [sflag:s16], $0x4000  }
0xde: {  	[sflag:s16] =	ssyncset.done $0x0  }
0xdf: {  	[sflag:s16] =	ssyncadd.s32 $0xFFFFC000  }
0xe0: {  	[spmem:s2] =	stream.indirect.scatter.add.f32 [tilespmem:s13], [sflag:$0x3], $0x80, s0, s12, $0xb8;
	[tilespmem:$0x1C400] =	vst v63  }
0xe1: {  	_ =	swait.ge [sflag:s10], $0x4000  }
0xe2: {  	[sflag:s10] =	ssyncset.done $0x0  }
0xe3: {  	[sflag:s10] =	ssyncadd.s32 $0xFFFFC000  }
0xe4: {  	_ =	swait.ge [sflag:s19], $0x4000  }
0xe5: {  	[sflag:s19] =	ssyncset.done $0x0  }
0xe6: {  	[sflag:s19] =	ssyncadd.s32 $0xFFFFC000  }
0xe7: {  	[spmem:s2] =	stream.indirect.scatter.add.f32 [tilespmem:s15], [sflag:$0x3], $0x80, s1, s12, $0xb8;
	[tilespmem:$0x1C400] =	vst v63  }
0xe8: {  	_ =	swait.ge [sflag:s10], $0x4000  }
0xe9: {  	[sflag:s10] =	ssyncset.done $0x0  }
0xea: {  	[sflag:s10] =	ssyncadd.s32 $0xFFFFC000  }
0xeb: {  	[bflag:$0x0] =	sbarrier.arrive $0xFFFF  }
0xec: {  	s9 =	rddreg [dreg:$0x4]  }
0xed: {  	s24 =	rddreg [dreg:$0x6]  }
0xee: {  	s8 =	rddreg [dreg:$0x7]  }
0xef: {  	[hbm:s8], [sflag:s9] =	dma.local [spmem:s24], $0x2780  }
0xf0: {  	_ =	swait.ge [sflag:s10], $0x2780  }
0xf1: {  	s4 =	sadd.s32 $0x1, s4;
	s8 =	rddreg [dreg:$0x5]  }
0xf2: {  	p0 =	sne.s32 s4, s8  }
.Ltmp1:
0xf3: {  	_ = 	snop;
	(pc) =	sbr.rel @p0 .LBB2_1-.Ltmp1, $3  }
0xf4: {  	_ =	sdelay $0x1  }
0xf5: {  	[sflag:s10] =	ssyncset.done $0x0  }
0xf6: {  	[sflag:s10] =	ssyncadd.s32 $0xFFFFD880  }
0xf7: {  	_ =	sfence.sel $0x180000  }
0xf8: {  	[bflag:$0x0] =	sbarrier.arrive $0xFFFF  }
0xf9: {  	_ =	strace $0x9000004D  }
0xfa: {  	s0 =	stileid.u32;
	[bflag:$0x2] =	sbarrier.arrive $0xFFFF  }
0xfb: {  	p0 =	sne.s32 s0, $0x0;
	s0 =	rddreg [dreg:$0x2]  }
0xfc: {  	s0 =	sadd.s32 @!p0 $0x100000, s0  }
0xfd: {  	[sflag:s0] =	ssyncadd.tile.s32 @!p0 $0x1;
	_ =	shalt  }
.Lfunc_end2:
_tile_overlayer_lowered:
.L_overlay_start_2:
0xfe: {  	(tag) =	ssettag $0x2  }
0xff: {  	s0 =	rddreg [dreg:$0x0];
	s2 =	stileid.u32  }
0x100: {  	s1 =	rddreg [dreg:$0x1];
	p0 =	sne.s32 s2, $0x0  }
0x101: {  	s3 =	rddreg [dreg:$0x2];
	[bflag:$0x3] =	sbarrier.arrive $0xFFFF;
	s2 =	simm.s32 @!p0 $0x1C03  }
0x102: {  	[timem:s3], [sflag:s2] =	dma.local @!p0 [hbm:s0], s1  }
0x103: {  	s0 =	simm.s32 @!p0 $0x3  }
0x104: {  	_ =	swait.ge @!p0 [sflag:s0], s1  }
0x105: {  	s1 =	ssub.s32 @!p0 $0x0, s1;
	[sflag:s0] =	ssyncset.done @!p0 $0x0  }
0x106: {  	[sflag:s0] =	ssyncadd.s32 @!p0 s1  }
0x107: {  	[bflag:$0x3] =	sbarrier.arrive $0xFFFF  }
0x108: {  	_ =	shalt  }

// kernel: kernel.9.cloned.1.call-start
scs
__scs_entry_jumppad:
0x0: {  	(pc) =	sbr.rel $0x88, $3  }
0x1: {  	(tag) =	ssettag $0x0;
	lr =	simm.s32 $0x1  }
0x2: {  	[smem:$0x3F94] =	sst lr;
	_ =	strace $0xD0000000  }
0x3: {  	_ = 	snop  }
0x4: {  	_ = 	snop  }
0x5: {  	_ = 	snop  }
0x6: {  	_ = 	snop  }
0x7: {  	_ = 	snop  }
__scs_overlays_trampoline_lowered:
0x8: {  	[smem:$0x3FA3] =	sst s0  }
0x9: {  	[smem:$0x3FA4] =	sst s1  }
0xa: {  	[smem:$0x3FA5] =	sst s2  }
0xb: {  	[smem:$0x3FA6] =	sst s3  }
0xc: {  	[smem:$0x3FA7] =	sst s4  }
0xd: {  	[smem:$0x3FA8] =	sst s5  }
0xe: {  	[smem:$0x3FA9] =	sst s6  }
0xf: {  	[smem:$0x3FAA] =	sst s7  }
0x10: {  	[smem:$0x3FAB] =	sst s8  }
0x11: {  	[smem:$0x3FAC] =	sst s9;
	s0 =	simm.s32 @!p0 $0x0  }
0x12: {  	s1 =	sld [smem:$0x3F92];
	s0 =	simm.s32 @p0 $0x1  }
0x13: {  	[smem:$0x3FAD] =	sst s0;
	s0 =	simm.s32 @!p1 $0x0  }
0x14: {  	s2 =	sld [smem:$0x3F91];
	s0 =	simm.s32 @p1 $0x1  }
0x15: {  	[smem:$0x3FAE] =	sst s0;
	s0 =	simm.s32 @!p2 $0x0  }
0x16: {  	s3 =	sld [smem:$0x3FDB];
	s0 =	simm.s32 @p2 $0x1  }
0x17: {  	s4 =	simm.s32 $0x1BF5;
	[smem:$0x3FB0] =	sst s0  }
0x18: {  	s0 =	sld [smem:$0x3F93];
	_ =	swait.ge [sflag:s4], $0x0  }
0x19: {  	s7 =	sld [smem:$0x3F94]  }
0x1a: {  	s8 =	sadd.s32 $0xFFFFE003, lr  }
0x1b: {  	s9 =	sadd.s32 $0xFFFFFEF7, lr;
	s5 =	simm.s32 $0xFFFFFFFF;
	p2 =	slt.u32 s8, $0xFFFFF086  }
0x1c: {  	p1 =	slt.u32 s9, $0xF7A;
	s5 =	simm.s32 @!p2 $0x0  }
0x1d: {  	s5 =	simm.s32 @p1 $0x1;
	p0 =	seq.s32 s7, s2  }
0x1e: {  	s7 =	smul.u32 @!p0 $0xF7A, s2;
	p2 =	seq.s32 @!p0 s5, $0x0  }
0x1f: {  	s9 =	smul.u32 $0xF7A, s1;
	s8 =	simm.s32 @!p0 $0x1BF5;
	p2 =	por !p2, p0  }
0x20: {  	[sflag:s8] =	ssyncset.s32 @!p0 $0xFFFFF086;
	s6 =	sadd.s32 @!p0 s3, s7;
	s7 =	simm.s32 @!p0 $0x108  }
0x21: {  	s3 =	sadd.s32 s3, s9;
	s6 =	sadd.s32 @!p0 $0x88, s6;
	s7 =	simm.s32 @p2 $0x1082  }
0x22: {  	[simem:s7], [sflag:s8] =	dma.local @!p0 [hbm:s6], $0xF7A  }
0x23: {  	s9 =	sor.u32 $0xD0000000, s2;
	s6 =	simm.s32 $0x108;
	_ =	swait.ge @!p0 [sflag:s8], $0x0  }
0x24: {  	s3 =	sadd.s32 $0x88, s3;
	s6 =	simm.s32 @!p1 $0x1082;
	[sflag:s4] =	ssyncset.s32 $0xFFFFF086  }
0x25: {  	[simem:s6], [sflag:s4] =	dma.local [hbm:s3], $0xF7A  }
0x26: {  	[smem:$0x3F94] =	sst s1;
	(tag) =	ssettag s2;
	_ =	strace s9  }
0x27: {  	s1 =	sld [smem:$0x3FA4]  }
0x28: {  	s2 =	sld [smem:$0x3FA5]  }
0x29: {  	s4 =	sld [smem:$0x3FA7]  }
0x2a: {  	p0 =	seq.s32 s5, $0x0;
	s5 =	sld [smem:$0x3FA8]  }
0x2b: {  	s6 =	sld [smem:$0x3FA9]  }
0x2c: {  	s7 =	sld [smem:$0x3FAA]  }
0x2d: {  	s3 =	simm.s32 $0x108;
	s8 =	sld [smem:$0x3FAB]  }
0x2e: {  	s3 =	simm.s32 @!p0 $0x1082;
	s9 =	sld [smem:$0x3FAC]  }
0x2f: {  	lr =	sadd.s32 s0, s3;
	s0 =	sld [smem:$0x3FA3]  }
0x30: {  	s3 =	sld [smem:$0x3FA6]  }
0x31: {  	[smem:$0x3FAF] =	sst s10  }
0x32: {  	s10 =	sld [smem:$0x3FAD];
	_ =	sdelay $0x3  }
0x33: {  	p0 =	seq.s32 s10, $0x1;
	s10 =	sld [smem:$0x3FAF];
	_ =	sdelay $0x3  }
0x34: {  	[smem:$0x3FAF] =	sst s10  }
0x35: {  	s10 =	sld [smem:$0x3FAE];
	_ =	sdelay $0x3  }
0x36: {  	p1 =	seq.s32 s10, $0x1;
	s10 =	sld [smem:$0x3FAF];
	_ =	sdelay $0x3  }
0x37: {  	[smem:$0x3FAF] =	sst s10  }
0x38: {  	s10 =	sld [smem:$0x3FB0]  }
0x39: {  	_ = 	snop;
	(pc) =	sbr.ind lr, $3  }
0x3a: {  	_ = 	snop  }
0x3b: {  	_ = 	snop  }
0x3c: {  	p2 =	seq.s32 s10, $0x1;
	s10 =	sld [smem:$0x3FAF]  }
0x3d: {  	_ =	shalt  }
0x3e: {  	_ =	shalt  }
0x3f: {  	_ =	shalt  }
0x40: {  	_ =	shalt  }
0x41: {  	_ =	shalt  }
0x42: {  	_ =	shalt  }
0x43: {  	_ =	shalt  }
0x44: {  	_ =	shalt  }
0x45: {  	_ =	shalt  }
0x46: {  	_ =	shalt  }
0x47: {  	_ =	shalt  }
0x48: {  	_ =	shalt  }
0x49: {  	_ =	shalt  }
0x4a: {  	_ =	shalt  }
0x4b: {  	_ =	shalt  }
0x4c: {  	_ =	shalt  }
0x4d: {  	_ =	shalt  }
0x4e: {  	_ =	shalt  }
0x4f: {  	_ =	shalt  }
0x50: {  	_ =	shalt  }
0x51: {  	_ =	shalt  }
0x52: {  	_ =	shalt  }
0x53: {  	_ =	shalt  }
0x54: {  	_ =	shalt  }
0x55: {  	_ =	shalt  }
0x56: {  	_ =	shalt  }
0x57: {  	_ =	shalt  }
0x58: {  	_ =	shalt  }
0x59: {  	_ =	shalt  }
0x5a: {  	_ =	shalt  }
0x5b: {  	_ =	shalt  }
0x5c: {  	_ =	shalt  }
0x5d: {  	_ =	shalt  }
0x5e: {  	_ =	shalt  }
0x5f: {  	_ =	shalt  }
0x60: {  	_ =	shalt  }
0x61: {  	_ =	shalt  }
0x62: {  	_ =	shalt  }
0x63: {  	_ =	shalt  }
0x64: {  	_ =	shalt  }
0x65: {  	_ =	shalt  }
0x66: {  	_ =	shalt  }
0x67: {  	_ =	shalt  }
0x68: {  	_ =	shalt  }
0x69: {  	_ =	shalt  }
0x6a: {  	_ =	shalt  }
0x6b: {  	_ =	shalt  }
0x6c: {  	_ =	shalt  }
0x6d: {  	_ =	shalt  }
0x6e: {  	_ =	shalt  }
0x6f: {  	_ =	shalt  }
0x70: {  	_ =	shalt  }
0x71: {  	_ =	shalt  }
0x72: {  	_ =	shalt  }
0x73: {  	_ =	shalt  }
0x74: {  	_ =	shalt  }
0x75: {  	_ =	shalt  }
0x76: {  	_ =	shalt  }
0x77: {  	_ =	shalt  }
0x78: {  	_ =	shalt  }
0x79: {  	_ =	shalt  }
0x7a: {  	_ =	shalt  }
0x7b: {  	_ =	shalt  }
0x7c: {  	_ =	shalt  }
0x7d: {  	_ =	shalt  }
0x7e: {  	_ =	shalt  }
0x7f: {  	_ =	shalt  }
0x80: {  	_ =	shalt  }
0x81: {  	_ =	shalt  }
0x82: {  	_ =	shalt  }
0x83: {  	_ =	shalt  }
0x84: {  	_ =	shalt  }
0x85: {  	_ =	shalt  }
0x86: {  	_ =	shalt  }
0x87: {  	_ =	shalt  }
.Lfunc_end0:
.L_simem_size_0:
called_computation_lowered:
.L_overlay_start_0:
0x88: {  	s2 =	sld [smem:$0x3FD9]  }
0x89: {  	s3 =	sld [smem:$0x3FFE];
	_ =	sdelay $0x1  }
0x8a: {  	s1 =	srdreg.scid  }
0x8b: {  	s0 =	sand.u32 $0x1, s1  }
0x8c: {  	s17 =	sshll.u32 s0, $0xA;
	s2 =	sadd.s32 s3, s2  }
0x8d: {  	s2 =	sadd.s32 s2, s17  }
0x8e: {  	[smem:$0x3FBB] =	sst s2  }
0x8f: {  	_ = 	snop  }
0x90: {  	(tm) =	ssettm $0x1  }
0x91: {  	s18 =	sld [smem:$0x3FFB];
	_ =	sdelay $0x3  }
0x92: {  	_ =	strace s18  }
0x93: {  	s2 =	sld [smem:$0x3FFC];
	_ =	sdelay $0x3  }
0x94: {  	_ =	strace s2  }
0x95: {  	s2 =	sld [smem:$0x3FFD];
	_ =	sdelay $0x3  }
0x96: {  	_ =	strace s2  }
0x97: {  	_ =	strace $0x8FFFFFFF  }
0x98: {  	s19 =	sld [smem:$0x3FDB];
	_ =	sdelay $0x1  }
0x99: {  	s20 =	simm.s32 $_scs_section_size  }
0x9a: {  	s4 =	simm.s32 $_size__tile_overlayer_lowered;
	s5 =	simm.s32 $_tile_overlayer_lowered  }
0x9b: {  	s6 =	simm.s32 $0x1BFF;
	s21 =	sshll.u32 s5, $0x1;
	s3 =	sadd.s32 s20, s19  }
0x9c: {  	s22 =	simm.s32 $0x0;
	s4 =	sshll.u32 s4, $0x1;
	s5 =	sadd.s32 s21, s3  }
0x9d: {  	[timem:s22], [sflag:s6] =	dma.local [hbm:s5], s4  }
0x9e: {  	_ =	swait.ge [sflag:s6], s4  }
0x9f: {  	s4 =	ssub.s32 $0x0, s4;
	[sflag:s6] =	ssyncset.done $0x0  }
0xa0: {  	[sflag:s6] =	ssyncadd.s32 s4;
	_ =	sdelay $0x1  }
0xa1: {  	s23 =	simm.s32 $0x1B8B  }
0xa2: {  	_ =	swait.ge [sflag:s23], $0x1  }
0xa3: {  	[sflag:s23] =	ssyncset.done $0x0  }
0xa4: {  	[sflag:s23] =	ssyncadd.s32 $0xFFFFFFFF  }
0xa5: {  	s4 =	sld [smem:$0x0]  }
0xa6: {  	s5 =	sand.u32 $0xFFFFFFFE, s1  }
0xa7: {  	p0 =	sne.s32 s1, s5  }
0xa8: {  	s5 =	sshll.u32 @p0 s5, $0xE  }
0xa9: {  	s5 =	sadd.s32 @p0 $0x11B8D, s5;
	s6 =	sshll.u32 @p0 s4, $0x11  }
0xaa: {  	s5 =	sor.u32 @p0 s6, s5  }
0xab: {  	[sflag:s5] =	ssyncadd.remote.s32 @p0 $0x1;
	_ =	sdelay $0x1  }
0xac: {  	s5 =	simm.s32 @p0 $0x1B8D  }
0xad: {  	_ =	swait.eq @p0 [sflag:s5], $0x1  }
0xae: {  	[sflag:s5] =	ssyncadd.s32 @p0 $0xFFFFFFFF  }
0xaf: {  	s6 =	sshll.u32 @!p0 s1, $0xE  }
0xb0: {  	s6 =	sor.u32 @!p0 $0x4000, s6;
	s5 =	simm.s32 @!p0 $0x1B8D  }
0xb1: {  	s4 =	sshll.u32 @!p0 s4, $0x11;
	s6 =	sadd.s32 @!p0 $0x11B8D, s6;
	_ =	swait.eq @!p0 [sflag:s5], $0x1  }
0xb2: {  	s4 =	sor.u32 @!p0 s4, s6;
	[sflag:s5] =	ssyncadd.s32 @!p0 $0xFFFFFFFF  }
0xb3: {  	s25 =	simm.s32 $0x1B8E;
	s24 =	sld [smem:$0x3FFE];
	[sflag:s4] =	ssyncadd.remote.s32 @!p0 $0x1  }
0xb4: {  	s26 =	simm.s32 $execute0_lowered;
	[smem:$0x3FD2] =	sst s25  }
0xb5: {  	s5 =	sshll.u32 s26, $0x1;
	_ =	strace $0x80000049;
	[dreg:$0x1] =	wrdreg $0xFFFFFFFF  }
0xb6: {  	s28 =	simm.s32 $_size_execute0_lowered;
	s3 =	sadd.s32 s3, s5;
	[dreg:$0x0] =	wrdreg $0x0  }
0xb7: {  	s5 =	sshll.u32 s28, $0x1;
	[dreg:$0x2] =	wrdreg s3  }
0xb8: {  	[dreg:$0x3] =	wrdreg s5  }
0xb9: {  	[dreg:$0x4] =	wrdreg $0xC0  }
0xba: {  	_ =	task [dreg:s22], $0x5FFFF  }
0xbb: {  	[dreg:$0x1] =	wrdreg $0xFFFFFFFF  }
0xbc: {  	[dreg:$0x0] =	wrdreg $0x60  }
0xbd: {  	[dreg:$0x2] =	wrdreg s24  }
0xbe: {  	[dreg:$0x3] =	wrdreg $0x0  }
0xbf: {  	[dreg:$0x4] =	wrdreg $0x9  }
0xc0: {  	_ =	task.clear_ibuf [dreg:s22], $0x5FFFF;
	_ =	strace $0x90000049  }
0xc1: {  	s29 =	simm.s32 $0x9;
	_ =	strace $0x8000004B  }
0xc2: {  	_ =	swait.ge [sflag:s29], $0x1  }
0xc3: {  	[sflag:s29] =	ssyncadd.s32 $0xFFFFFFFF  }
0xc4: {  	_ =	strace $0x9000004B  }
0xc5: {  	_ =	sfence  }
0xc6: {  	s30 =	sld [smem:$0x0];
	_ =	sdelay $0x2  }
0xc7: {  	s31 =	sshll.u32 s1, $0xD;
	s1 =	sshrl.u32 s1, $0x2  }
0xc8: {  	s4 =	sand.u32 $0x4000, s31;
	s1 =	sadd.s32 s1, s30  }
0xc9: {  	s0 =	sor.u32 s4, s0;
	s1 =	sshll.u32 s1, $0x11  }
0xca: {  	s0 =	sor.u32 s1, s0  }
0xcb: {  	s0 =	sadd.s32 $0x8F2B, s0  }
0xcc: {  	[sflag:s0] =	ssyncadd.remote.s32 $0x1  }
0xcd: {  	_ =	sfence.sel $0xFFFF  }
0xce: {  	[dreg:$0x0] =	wrdreg $0xFFFFFFFF;
	(pc) =	sbr.abs _section_cstart, $3  }
0xcf: {  	[dreg:$0x1] =	wrdreg $0xFFFFFFFF  }
0xd0: {  	_ =	task.clear_ibuf [dreg:s22], $0x2FFFF;
	_ =	strace $0x9FFFFFFF  }
0xd1: {  	(tm) =	ssettm $0x7FFFFFFF  }
tec
execute0_lowered:
.L_overlay_start_1:
0x0: {  	(tag) =	ssettag $0x1  }
0x1: {  	s0 =	srdreg.scid;
	s5 =	rddreg [dreg:$0x0]  }
0x2: {  	s2 =	rddreg [dreg:$0x1];
	s3 =	simm.s32 $0x0;
	s13 =	simm.s32 $0x80  }
0x3: {  	s14 =	simm.s32 $0x13C80;
	s15 =	simm.s32 $0x13D00;
	s16 =	simm.s32 $0x13D80  }
0x4: {  	s17 =	simm.s32 $0x13E00;
	s4 =	sand.u32 $0x1, s0;
	s0 =	stileid.u32  }
0x5: {  	s18 =	simm.s32 $0x13E80;
	s19 =	simm.s32 $0x13F00;
	s21 =	smul.u32 $0x2780, s0  }
0x6: {  	s20 =	simm.s32 $0x13F80;
	[smem:$0x7FF] =	sst s3;
	s7 =	smul.u32 $0x27800, s4  }
0x7: {  	s1 =	sshll.u32 s4, $0x4;
	s29 =	ssub.s32 $0x2, s4;
	s9 =	smul.u32 $0x4F000, s0  }
0x8: {  	s4 =	sadd.s32 $0x89C00, s5;
	s31 =	sshll.u32 s0, $0x6;
	s6 =	sor.u32 s0, s1  }
0x9: {  	s1 =	rddreg [dreg:$0x2];
	_ =	strace $0x8000004A;
	s11 =	sshrl.u32 s29, $0x1  }
0xa: {  	s6 =	smul.u32 $0x280, s6;
	s10 =	sadd.s32 s21, s5;
	s30 =	sshrl.u32 s9, $0x2  }
0xb: {  	s12 =	sadd.s32 s7, s5;
	s11 =	ssub.s32 s29, s11;
	s9 =	sadd.s32 s30, s2  }
0xc: {  	s22 =	sadd.s32 $0x8A400, s12;
	s12 =	simm.s32 $0x13C00;
	s8 =	sadd.s32 s6, s5  }
0xd: {  	s5 =	sadd.s32 $0x13400, s10;
	s6 =	sor.u32 $0x1C01, s31;
	s9 =	sshrl.u32 s9, $0x3  }
0xe: {  	s10 =	simm.s32 $0x1;
	s21 =	sadd.s32 s21, s22;
	s22 =	simm.s32 $0x0  }
0xf: {  	s7 =	sadd.s32 $0x4400, s8;
	s8 =	smax.u32 s11, $0x1;
	s11 =	simm.s32 $0x14000  }
.LBB2_1:
0x10: {  	[spmem:s9], [sflag:s6] =	dma.local [hbm:s5], $0x2780  }
0x11: {  	_ =	swait.ge [sflag:s10], $0x2780  }
0x12: {  	[sflag:s10] =	ssyncset.done $0x0  }
0x13: {  	[sflag:s10] =	ssyncadd.s32 $0xFFFFD880  }
0x14: {  	[tilespmem:s11], [sflag:$0x1] =	stream.linear.gather [hbm4b:s4+s3], $0x4000, $0x38;
	[tilespmem:$0x18000] =	vst v63  }
0x15: {  	_ =	swait.ge [sflag:s10], $0x4000  }
0x16: {  	[sflag:s10] =	ssyncset.done $0x0  }
0x17: {  	[sflag:s10] =	ssyncadd.s32 $0xFFFFC000  }
0x18: {  	s23 =	sadd.s32 $0x0, s7;
	[bflag:$0x0] =	sbarrier.arrive $0xFFFF  }
0x19: {  	[tilespmem:s12], [sflag:$0x1] =	stream.linear.gather [hbm4b:s23+s3], $0x400, $0x38;
	[tilespmem:$0x18000] =	vst v63  }
0x1a: {  	_ =	swait.ge [sflag:s10], $0x400  }
0x1b: {  	[sflag:s10] =	ssyncset.done $0x0  }
0x1c: {  	[sflag:s10] =	ssyncadd.s32 $0xFFFFFC00  }
0x1d: {  	[spmem:s2] =	stream.indirect.scatter.add.f32 [tilespmem:s11], [sflag:$0x1], $0x80, s12, s13, $0xb8;
	[tilespmem:$0x18000] =	vst v63  }
0x1e: {  	_ =	swait.ge [sflag:s10], $0x4000  }
0x1f: {  	[sflag:s10] =	ssyncset.done $0x0  }
0x20: {  	[sflag:s10] =	ssyncadd.s32 $0xFFFFC000  }
0x21: {  	[spmem:s2] =	stream.indirect.scatter.add.f32 [tilespmem:s11], [sflag:$0x1], $0x80, s14, s13, $0xb8;
	[tilespmem:$0x18000] =	vst v63  }
0x22: {  	_ =	swait.ge [sflag:s10], $0x4000  }
0x23: {  	[sflag:s10] =	ssyncset.done $0x0  }
0x24: {  	[sflag:s10] =	ssyncadd.s32 $0xFFFFC000  }
0x25: {  	[spmem:s2] =	stream.indirect.scatter.add.f32 [tilespmem:s11], [sflag:$0x1], $0x80, s15, s13, $0xb8;
	[tilespmem:$0x18000] =	vst v63  }
0x26: {  	_ =	swait.ge [sflag:s10], $0x4000  }
0x27: {  	[sflag:s10] =	ssyncset.done $0x0  }
0x28: {  	[sflag:s10] =	ssyncadd.s32 $0xFFFFC000  }
0x29: {  	[spmem:s2] =	stream.indirect.scatter.add.f32 [tilespmem:s11], [sflag:$0x1], $0x80, s16, s13, $0xb8;
	[tilespmem:$0x18000] =	vst v63  }
0x2a: {  	_ =	swait.ge [sflag:s10], $0x4000  }
0x2b: {  	[sflag:s10] =	ssyncset.done $0x0  }
0x2c: {  	[sflag:s10] =	ssyncadd.s32 $0xFFFFC000  }
0x2d: {  	[spmem:s2] =	stream.indirect.scatter.add.f32 [tilespmem:s11], [sflag:$0x1], $0x80, s17, s13, $0xb8;
	[tilespmem:$0x18000] =	vst v63  }
0x2e: {  	_ =	swait.ge [sflag:s10], $0x4000  }
0x2f: {  	[sflag:s10] =	ssyncset.done $0x0  }
0x30: {  	[sflag:s10] =	ssyncadd.s32 $0xFFFFC000  }
0x31: {  	[spmem:s2] =	stream.indirect.scatter.add.f32 [tilespmem:s11], [sflag:$0x1], $0x80, s18, s13, $0xb8;
	[tilespmem:$0x18000] =	vst v63  }
0x32: {  	_ =	swait.ge [sflag:s10], $0x4000  }
0x33: {  	[sflag:s10] =	ssyncset.done $0x0  }
0x34: {  	[sflag:s10] =	ssyncadd.s32 $0xFFFFC000  }
0x35: {  	[spmem:s2] =	stream.indirect.scatter.add.f32 [tilespmem:s11], [sflag:$0x1], $0x80, s19, s13, $0xb8;
	[tilespmem:$0x18000] =	vst v63  }
0x36: {  	_ =	swait.ge [sflag:s10], $0x4000  }
0x37: {  	[sflag:s10] =	ssyncset.done $0x0  }
0x38: {  	[sflag:s10] =	ssyncadd.s32 $0xFFFFC000  }
0x39: {  	[spmem:s2] =	stream.indirect.scatter.add.f32 [tilespmem:s11], [sflag:$0x1], $0x80, s20, s13, $0xb8;
	[tilespmem:$0x18000] =	vst v63  }
0x3a: {  	_ =	swait.ge [sflag:s10], $0x4000  }
0x3b: {  	s25 =	simm.s32 $0x100;
	s23 =	simm.s32 $0x80;
	[sflag:s10] =	ssyncset.done $0x0  }
.LBB2_2:
0x3c: {  	s26 =	sadd.s32 s23, s7  }
0x3d: {  	[sflag:s10] =	ssyncadd.s32 $0xFFFFC000;
	s23 =	smov.u32 s25;
	s24 =	sadd.s32 $0x80, s25  }
0x3e: {  	[tilespmem:s12], [sflag:$0x1] =	stream.linear.gather [hbm4b:s26+s3], $0x400, $0x38;
	[tilespmem:$0x18000] =	vst v63  }
0x3f: {  	p0 =	sne.s32 s25, $0x200;
	_ =	swait.ge [sflag:s10], $0x400  }
0x40: {  	[sflag:s10] =	ssyncset.done $0x0  }
0x41: {  	[sflag:s10] =	ssyncadd.s32 $0xFFFFFC00  }
0x42: {  	[spmem:s2] =	stream.indirect.scatter.add.f32 [tilespmem:s11], [sflag:$0x1], $0x80, s12, s13, $0xb8;
	[tilespmem:$0x18000] =	vst v63  }
0x43: {  	_ =	swait.ge [sflag:s10], $0x4000  }
0x44: {  	[sflag:s10] =	ssyncset.done $0x0  }
0x45: {  	[sflag:s10] =	ssyncadd.s32 $0xFFFFC000  }
0x46: {  	[spmem:s2] =	stream.indirect.scatter.add.f32 [tilespmem:s11], [sflag:$0x1], $0x80, s14, s13, $0xb8;
	[tilespmem:$0x18000] =	vst v63  }
0x47: {  	_ =	swait.ge [sflag:s10], $0x4000  }
0x48: {  	[sflag:s10] =	ssyncset.done $0x0  }
0x49: {  	[sflag:s10] =	ssyncadd.s32 $0xFFFFC000  }
0x4a: {  	[spmem:s2] =	stream.indirect.scatter.add.f32 [tilespmem:s11], [sflag:$0x1], $0x80, s15, s13, $0xb8;
	[tilespmem:$0x18000] =	vst v63  }
0x4b: {  	_ =	swait.ge [sflag:s10], $0x4000  }
0x4c: {  	[sflag:s10] =	ssyncset.done $0x0  }
0x4d: {  	[sflag:s10] =	ssyncadd.s32 $0xFFFFC000  }
0x4e: {  	[spmem:s2] =	stream.indirect.scatter.add.f32 [tilespmem:s11], [sflag:$0x1], $0x80, s16, s13, $0xb8;
	[tilespmem:$0x18000] =	vst v63  }
0x4f: {  	_ =	swait.ge [sflag:s10], $0x4000  }
0x50: {  	[sflag:s10] =	ssyncset.done $0x0  }
0x51: {  	[sflag:s10] =	ssyncadd.s32 $0xFFFFC000  }
0x52: {  	[spmem:s2] =	stream.indirect.scatter.add.f32 [tilespmem:s11], [sflag:$0x1], $0x80, s17, s13, $0xb8;
	[tilespmem:$0x18000] =	vst v63  }
0x53: {  	_ =	swait.ge [sflag:s10], $0x4000  }
0x54: {  	[sflag:s10] =	ssyncset.done $0x0  }
0x55: {  	[sflag:s10] =	ssyncadd.s32 $0xFFFFC000  }
0x56: {  	[spmem:s2] =	stream.indirect.scatter.add.f32 [tilespmem:s11], [sflag:$0x1], $0x80, s18, s13, $0xb8;
	[tilespmem:$0x18000] =	vst v63  }
0x57: {  	_ =	swait.ge [sflag:s10], $0x4000  }
0x58: {  	[sflag:s10] =	ssyncset.done $0x0  }
0x59: {  	[sflag:s10] =	ssyncadd.s32 $0xFFFFC000  }
0x5a: {  	[spmem:s2] =	stream.indirect.scatter.add.f32 [tilespmem:s11], [sflag:$0x1], $0x80, s19, s13, $0xb8;
	[tilespmem:$0x18000] =	vst v63  }
0x5b: {  	_ =	swait.ge [sflag:s10], $0x4000  }
.Ltmp0:
0x5c: {  	[sflag:s10] =	ssyncset.done $0x0;
	(pc) =	sbr.rel @p0 .LBB2_2-.Ltmp0, $4  }
0x5d: {  	[sflag:s10] =	ssyncadd.s32 $0xFFFFC000  }
0x5e: {  	[spmem:s2] =	stream.indirect.scatter.add.f32 [tilespmem:s11], [sflag:$0x1], $0x80, s20, s13, $0xb8;
	[tilespmem:$0x18000] =	vst v63  }
0x5f: {  	_ =	swait.ge [sflag:s10], $0x4000  }
0x60: {  	s25 =	smov.u32 s24;
	[sflag:s10] =	ssyncset.done $0x0  }
0x61: {  	s23 =	sadd.s32 s23, s7;
	[sflag:s10] =	ssyncadd.s32 $0xFFFFC000  }
0x62: {  	[tilespmem:s12], [sflag:$0x1] =	stream.linear.gather [hbm4b:s23+s3], $0x400, $0x38;
	[tilespmem:$0x18000] =	vst v63  }
0x63: {  	_ =	swait.ge [sflag:s10], $0x400  }
0x64: {  	[sflag:s10] =	ssyncset.done $0x0  }
0x65: {  	[sflag:s10] =	ssyncadd.s32 $0xFFFFFC00  }
0x66: {  	[spmem:s2] =	stream.indirect.scatter.add.f32 [tilespmem:s11], [sflag:$0x1], $0x80, s12, s13, $0xb8;
	[tilespmem:$0x18000] =	vst v63  }
0x67: {  	_ =	swait.ge [sflag:s10], $0x4000  }
0x68: {  	[sflag:s10] =	ssyncset.done $0x0  }
0x69: {  	[sflag:s10] =	ssyncadd.s32 $0xFFFFC000  }
0x6a: {  	[spmem:s2] =	stream.indirect.scatter.add.f32 [tilespmem:s11], [sflag:$0x1], $0x80, s14, s13, $0xb8;
	[tilespmem:$0x18000] =	vst v63  }
0x6b: {  	_ =	swait.ge [sflag:s10], $0x4000  }
0x6c: {  	[sflag:s10] =	ssyncset.done $0x0  }
0x6d: {  	[sflag:s10] =	ssyncadd.s32 $0xFFFFC000  }
0x6e: {  	[spmem:s2] =	stream.indirect.scatter.add.f32 [tilespmem:s11], [sflag:$0x1], $0x80, s15, s13, $0xb8;
	[tilespmem:$0x18000] =	vst v63  }
0x6f: {  	_ =	swait.ge [sflag:s10], $0x4000  }
0x70: {  	[sflag:s10] =	ssyncset.done $0x0  }
0x71: {  	[sflag:s10] =	ssyncadd.s32 $0xFFFFC000  }
0x72: {  	[spmem:s2] =	stream.indirect.scatter.add.f32 [tilespmem:s11], [sflag:$0x1], $0x80, s16, s13, $0xb8;
	[tilespmem:$0x18000] =	vst v63  }
0x73: {  	_ =	swait.ge [sflag:s10], $0x4000  }
0x74: {  	[sflag:s10] =	ssyncset.done $0x0  }
0x75: {  	[sflag:s10] =	ssyncadd.s32 $0xFFFFC000  }
0x76: {  	[spmem:s2] =	stream.indirect.scatter.add.f32 [tilespmem:s11], [sflag:$0x1], $0x80, s17, s13, $0xb8;
	[tilespmem:$0x18000] =	vst v63  }
0x77: {  	_ =	swait.ge [sflag:s10], $0x4000  }
0x78: {  	[sflag:s10] =	ssyncset.done $0x0  }
0x79: {  	[sflag:s10] =	ssyncadd.s32 $0xFFFFC000  }
0x7a: {  	[spmem:s2] =	stream.indirect.scatter.add.f32 [tilespmem:s11], [sflag:$0x1], $0x80, s18, s13, $0xb8;
	[tilespmem:$0x18000] =	vst v63  }
0x7b: {  	_ =	swait.ge [sflag:s10], $0x4000  }
0x7c: {  	[sflag:s10] =	ssyncset.done $0x0  }
0x7d: {  	[sflag:s10] =	ssyncadd.s32 $0xFFFFC000  }
0x7e: {  	[spmem:s2] =	stream.indirect.scatter.add.f32 [tilespmem:s11], [sflag:$0x1], $0x80, s19, s13, $0xb8;
	[tilespmem:$0x18000] =	vst v63  }
0x7f: {  	_ =	swait.ge [sflag:s10], $0x4000  }
0x80: {  	[sflag:s10] =	ssyncset.done $0x0  }
0x81: {  	[sflag:s10] =	ssyncadd.s32 $0xFFFFC000  }
0x82: {  	[spmem:s2] =	stream.indirect.scatter.add.f32 [tilespmem:s11], [sflag:$0x1], $0x80, s20, s13, $0xb8;
	[tilespmem:$0x18000] =	vst v63  }
0x83: {  	_ =	swait.ge [sflag:s10], $0x4000  }
0x84: {  	s22 =	sadd.s32 $0x1, s22;
	[sflag:s10] =	ssyncset.done $0x0  }
0x85: {  	p0 =	sne.s32 s22, s8;
	[sflag:s10] =	ssyncadd.s32 $0xFFFFC000  }
.Ltmp1:
0x86: {  	[bflag:$0x0] =	sbarrier.arrive $0xFFFF;
	(pc) =	sbr.rel @p0 .LBB2_1-.Ltmp1, $4  }
0x87: {  	[hbm:s21], [sflag:s6] =	dma.local [spmem:s9], $0x2780  }
0x88: {  	_ =	swait.ge [sflag:s10], $0x2780  }
0x89: {  	[sflag:s10] =	ssyncset.done $0x0  }
0x8a: {  	[sflag:s10] =	ssyncadd.s32 $0xFFFFD880  }
0x8b: {  	_ =	sfence.sel $0x180000  }
0x8c: {  	[bflag:$0x0] =	sbarrier.arrive $0xFFFF  }
0x8d: {  	p0 =	sne.s32 s0, $0x0;
	_ =	strace $0x9000004A  }
0x8e: {  	s0 =	sadd.s32 @!p0 $0x100000, s1;
	[bflag:$0x2] =	sbarrier.arrive $0xFFFF  }
0x8f: {  	[sflag:s0] =	ssyncadd.tile.s32 @!p0 $0x1;
	_ =	shalt  }
.Lfunc_end2:
_tile_overlayer_lowered:
.L_overlay_start_2:
0x90: {  	(tag) =	ssettag $0x2  }
0x91: {  	s0 =	rddreg [dreg:$0x0];
	s2 =	stileid.u32  }
0x92: {  	s1 =	rddreg [dreg:$0x1];
	p0 =	sne.s32 s2, $0x0  }
0x93: {  	s3 =	rddreg [dreg:$0x2];
	[bflag:$0x3] =	sbarrier.arrive $0xFFFF;
	s2 =	simm.s32 @!p0 $0x1C01  }
0x94: {  	[timem:s3], [sflag:s2] =	dma.local @!p0 [hbm:s0], s1  }
0x95: {  	s0 =	simm.s32 @!p0 $0x1  }
0x96: {  	_ =	swait.ge @!p0 [sflag:s0], s1  }
0x97: {  	s1 =	ssub.s32 @!p0 $0x0, s1;
	[sflag:s0] =	ssyncset.done @!p0 $0x0  }
0x98: {  	[sflag:s0] =	ssyncadd.s32 @!p0 s1  }
0x99: {  	[bflag:$0x3] =	sbarrier.arrive $0xFFFF  }
0x9a: {  	_ =	shalt  }

</sc_bundles>
